<compile_context>
chip_gen: v7x
topology: tpu7x:2x2x1
jax: 0.10.2.dev20260603
libtpu: 0.0.44.dev20260713+nightly
codegen_flags: <defaults>
</compile_context>

<pallas_src>
import functools

import jax
import jax.numpy as jnp
from jax import lax
from jax.experimental import pallas as pl
from jax.experimental.pallas import tpu as pltpu
from jax.experimental.pallas import tpu_sc as plsc

_L = 16
_NC = 2
_NS = 16
_NW = _NC * _NS
_CH = 64
_NCATE = 3


def _maskout_body(bpw, d, x_hbm, label_hbm, out_hbm, label_v, rows3_v, out_v, sems, osems):
    cid = lax.axis_index("c")
    sid = lax.axis_index("s")
    wid = sid * _NC + cid
    base = wid * bpw

    pltpu.sync_copy(label_hbm.at[pl.ds(base, bpw)], label_v.at[pl.ds(0, bpw)])

    n_chunks = bpw // _CH
    copies = [[None] * _NCATE, [None] * _NCATE]
    ocopies = [None, None]
    for c in range(_NCATE):
        copies[0][c] = pltpu.async_copy(
            x_hbm.at[pl.ds(base, _CH), pl.ds(c, 1)], rows3_v.at[0, c], sems.at[0]
        )
    for k in range(n_chunks):
        par = k % 2
        if k + 1 < n_chunks:
            for c in range(_NCATE):
                copies[(k + 1) % 2][c] = pltpu.async_copy(
                    x_hbm.at[pl.ds(base + (k + 1) * _CH, _CH), pl.ds(c, 1)],
                    rows3_v.at[(k + 1) % 2, c],
                    sems.at[(k + 1) % 2],
                )
        for c in range(_NCATE):
            copies[par][c].wait()
        if ocopies[par] is not None:
            ocopies[par].wait()

        def select(j, _, k=k, par=par):
            lbl = label_v[pl.ds(k * _CH + j, _L)][0]
            for c8 in range(d // _L):
                out_v[par, j, pl.ds(c8 * _L, _L)] = rows3_v[
                    par, lbl, j, 0, pl.ds(c8 * _L, _L)
                ]
            return 0

        lax.fori_loop(0, _CH, select, 0)
        ocopies[par] = pltpu.async_copy(
            out_v.at[par], out_hbm.at[pl.ds(base + k * _CH, _CH)], osems.at[par]
        )
    for par in range(2):
        if ocopies[par] is not None:
            ocopies[par].wait()


@jax.jit
def kernel(x, label):
    batch, nr_cate, d = x.shape
    bpw = batch // _NW

    mesh = plsc.VectorSubcoreMesh(core_axis_name="c", subcore_axis_name="s")
    run = pl.kernel(
        functools.partial(_maskout_body, bpw, d),
        out_type=jax.ShapeDtypeStruct((batch, d), x.dtype),
        mesh=mesh,
        scratch_types=[
            pltpu.VMEM((bpw + _L,), jnp.int32),
            pltpu.VMEM((2, nr_cate, _CH, 1, d), jnp.float32),
            pltpu.VMEM((2, _CH, d), jnp.float32),
            pltpu.SemaphoreType.DMA((2,)),
            pltpu.SemaphoreType.DMA((2,)),
        ],
    )
    return run(x, label)

# --- scband reference (transcript-rebuilt; emitter-appended) ---
"""Pipeline reference for scband-maskout-3590592659642 (READ-ONLY COPY).

The authoritative reference and input builder live on the scoring server;
editing this copy changes nothing except your own understanding.
"""

import jax, jax.numpy as jnp
import numpy as np


def setup_inputs(seed: int = 0) -> dict:
    key = jax.random.key(seed)
    k1, k2 = jax.random.split(key)
    x = jax.random.normal(k1, (16384, 3, 128), dtype=jnp.float32)
    label = jax.random.randint(k2, (16384,), 0, 3, dtype=jnp.int32)
    return {"x": x, "label": label}


def reference(x, label):
    nr_cate = 3
    batchsize = x.shape[0]
    assert x.shape[1] == nr_cate
    assert label.shape[0] == batchsize
    item_inds = jnp.arange(batchsize)
    cate_ind = label.reshape(batchsize)
    masked_shape = (batchsize,) + x.shape[2:]
    out = x[item_inds, cate_ind]
    return out.reshape(masked_shape)

if __name__ == "__main__":
    import jax
    _d = setup_inputs()
    print(jax.jit(kernel)(*tuple(_d.values())))

</pallas_src>

<mosaic_0001>
#map = affine_map<(d0, d1) -> (0, 0, 0)>
#map1 = affine_map<(d0, d1) -> (0)>
#map2 = affine_map<(d0, d1) -> (0, 0)>
module attributes {stable_mosaic.version = 14 : i64} {
  func.func @_maskout_body(%arg0: i32, %arg1: i32, %arg2: memref<16384x3x128xf32, #tpu.memory_space<hbm>>, %arg3: memref<16384xi32, #tpu.memory_space<hbm>>, %arg4: memref<16384x128xf32, #tpu.memory_space<hbm>>, %arg5: memref<528xi32, #tpu.memory_space<vmem>>, %arg6: memref<2x3x64x1x128xf32, #tpu.memory_space<vmem>>, %arg7: memref<2x64x128xf32, #tpu.memory_space<vmem>>, %arg8: memref<2x!tpu.dma_semaphore, #tpu.memory_space<semaphore_mem>>, %arg9: memref<2x!tpu.dma_semaphore, #tpu.memory_space<semaphore_mem>>) attributes {dimension_semantics = [#tpu.dimension_semantics<core_parallel>, #tpu.dimension_semantics<subcore_parallel>], iteration_bounds = array<i64: 2, 16>, scalar_prefetch = 0 : i64, scratch_operands = 5 : i64, tpu.core_type = #tpu.core_type<sc_vector_subcore>, window_params = [{transform_indices = #map}, {transform_indices = #map1}, {transform_indices = #map2}]} {
    %mul3A = arith.constant 2 : i32
    %mul3A_0 = arith.muli %arg1, %mul3A : i32
    %add3A = arith.addi %mul3A_0, %arg0 : i32
    %mul3A_1 = arith.constant 512 : i32
    %mul3A_2 = arith.muli %add3A, %mul3A_1 : i32
    "tpu.region"() ({
      %run_scoped3A = tpu.sem_alloc : memref<!tpu.dma_semaphore, #tpu.memory_space<semaphore_mem>>
      %dma_start3A_1378 = arith.constant 0 : i32
      %dma_start3A_1379 = tpu.memref_slice %arg5[%dma_start3A_1378] : memref<528xi32, #tpu.memory_space<vmem>> -> memref<512xi32, #tpu.memory_space<vmem>>
      %dma_start3A_1380 = tpu.memref_slice %arg3[%mul3A_2] : memref<16384xi32, #tpu.memory_space<hbm>> -> memref<512xi32, #tpu.memory_space<hbm>>
      %dma_start3A_1381 = arith.constant 0 : i32
      %dma_start3A_1382 = tpu.memref_slice %arg5[%dma_start3A_1381] : memref<528xi32, #tpu.memory_space<vmem>> -> memref<512xi32, #tpu.memory_space<vmem>>
      %dma_start3A_1383 = tpu.memref_slice %arg3[%mul3A_2] : memref<16384xi32, #tpu.memory_space<hbm>> -> memref<512xi32, #tpu.memory_space<hbm>>
      tpu.enqueue_dma source(%dma_start3A_1383 : memref<512xi32, #tpu.memory_space<hbm>>) target(%dma_start3A_1382 : memref<512xi32, #tpu.memory_space<vmem>>) target_semaphore(%run_scoped3A : memref<!tpu.dma_semaphore, #tpu.memory_space<semaphore_mem>>)
      %dma_wait3A_1384 = arith.constant 0 : i32
      %dma_wait3A_1385 = tpu.memref_slice %arg5[%dma_wait3A_1384] : memref<528xi32, #tpu.memory_space<vmem>> -> memref<512xi32, #tpu.memory_space<vmem>>
      %dma_wait3A_1386 = tpu.memref_slice %arg3[%mul3A_2] : memref<16384xi32, #tpu.memory_space<hbm>> -> memref<512xi32, #tpu.memory_space<hbm>>
      %dma_wait3A_1387 = arith.constant 0 : i32
      %dma_wait3A_1388 = tpu.memref_slice %arg5[%dma_wait3A_1387] : memref<528xi32, #tpu.memory_space<vmem>> -> memref<512xi32, #tpu.memory_space<vmem>>
      %dma_wait3A_1389 = tpu.memref_slice %arg3[%mul3A_2] : memref<16384xi32, #tpu.memory_space<hbm>> -> memref<512xi32, #tpu.memory_space<hbm>>
      tpu.wait_dma2 semaphore(%run_scoped3A : memref<!tpu.dma_semaphore, #tpu.memory_space<semaphore_mem>>) src(%dma_wait3A_1389 : memref<512xi32, #tpu.memory_space<hbm>>) dst(%dma_wait3A_1388 : memref<512xi32, #tpu.memory_space<vmem>>)
      tpu.yield
    }) : () -> ()
    %dma_start3A = arith.constant 0 : i32
    %dma_start3A_3 = arith.constant 0 : i32
    %dma_start3A_4 = arith.constant 0 : i32
    %dma_start3A_5 = arith.constant 0 : i32
    %dma_start3A_6 = arith.constant 0 : i32
    %dma_start3A_7 = arith.constant 0 : i32
    %dma_start3A_8 = tpu.memref_slice %arg6[%dma_start3A, %dma_start3A_3, %dma_start3A_5, %dma_start3A_6, %dma_start3A_7] : memref<2x3x64x1x128xf32, #tpu.memory_space<vmem>> -> memref<1x1x64x1x128xf32, #tpu.memory_space<vmem>>
    %dma_start3A_9 = tpu.memref_squeeze %dma_start3A_8 : memref<1x1x64x1x128xf32, #tpu.memory_space<vmem>> -> memref<64x1x128xf32, #tpu.memory_space<vmem>>
    %dma_start3A_10 = arith.constant 0 : i32
    %dma_start3A_11 = arith.constant 0 : i32
    %dma_start3A_12 = tpu.memref_slice %arg2[%mul3A_2, %dma_start3A_10, %dma_start3A_11] : memref<16384x3x128xf32, #tpu.memory_space<hbm>> -> memref<64x1x128xf32, #tpu.memory_space<hbm>>
    %dma_start3A_13 = tpu.memref_slice %arg8[%dma_start3A_4] : memref<2x!tpu.dma_semaphore, #tpu.memory_space<semaphore_mem>> -> memref<1x!tpu.dma_semaphore, #tpu.memory_space<semaphore_mem>>
    %dma_start3A_14 = tpu.memref_squeeze %dma_start3A_13 : memref<1x!tpu.dma_semaphore, #tpu.memory_space<semaphore_mem>> -> memref<!tpu.dma_semaphore, #tpu.memory_space<semaphore_mem>>
    %dma_start3A_15 = arith.constant 0 : i32
    %dma_start3A_16 = arith.constant 0 : i32
    %dma_start3A_17 = arith.constant 0 : i32
    %dma_start3A_18 = tpu.memref_slice %arg6[%dma_start3A, %dma_start3A_3, %dma_start3A_15, %dma_start3A_16, %dma_start3A_17] : memref<2x3x64x1x128xf32, #tpu.memory_space<vmem>> -> memref<1x1x64x1x128xf32, #tpu.memory_space<vmem>>
    %dma_start3A_19 = tpu.memref_squeeze %dma_start3A_18 : memref<1x1x64x1x128xf32, #tpu.memory_space<vmem>> -> memref<64x1x128xf32, #tpu.memory_space<vmem>>
    %dma_start3A_20 = arith.constant 0 : i32
    %dma_start3A_21 = arith.constant 0 : i32
    %dma_start3A_22 = tpu.memref_slice %arg2[%mul3A_2, %dma_start3A_20, %dma_start3A_21] : memref<16384x3x128xf32, #tpu.memory_space<hbm>> -> memref<64x1x128xf32, #tpu.memory_space<hbm>>
    tpu.enqueue_dma source(%dma_start3A_22 : memref<64x1x128xf32, #tpu.memory_space<hbm>>) target(%dma_start3A_19 : memref<64x1x128xf32, #tpu.memory_space<vmem>>) target_semaphore(%dma_start3A_14 : memref<!tpu.dma_semaphore, #tpu.memory_space<semaphore_mem>>)
    %dma_start3A_23 = arith.constant 0 : i32
    %dma_start3A_24 = arith.constant 1 : i32
    %dma_start3A_25 = arith.constant 0 : i32
    %dma_start3A_26 = arith.constant 0 : i32
    %dma_start3A_27 = arith.constant 0 : i32
    %dma_start3A_28 = arith.constant 0 : i32
    %dma_start3A_29 = tpu.memref_slice %arg6[%dma_start3A_23, %dma_start3A_24, %dma_start3A_26, %dma_start3A_27, %dma_start3A_28] : memref<2x3x64x1x128xf32, #tpu.memory_space<vmem>> -> memref<1x1x64x1x128xf32, #tpu.memory_space<vmem>>
    %dma_start3A_30 = tpu.memref_squeeze %dma_start3A_29 : memref<1x1x64x1x128xf32, #tpu.memory_space<vmem>> -> memref<64x1x128xf32, #tpu.memory_space<vmem>>
    %dma_start3A_31 = arith.constant 1 : i32
    %dma_start3A_32 = arith.constant 0 : i32
    %dma_start3A_33 = tpu.memref_slice %arg2[%mul3A_2, %dma_start3A_31, %dma_start3A_32] : memref<16384x3x128xf32, #tpu.memory_space<hbm>> -> memref<64x1x128xf32, #tpu.memory_space<hbm>>
    %dma_start3A_34 = tpu.memref_slice %arg8[%dma_start3A_25] : memref<2x!tpu.dma_semaphore, #tpu.memory_space<semaphore_mem>> -> memref<1x!tpu.dma_semaphore, #tpu.memory_space<semaphore_mem>>
    %dma_start3A_35 = tpu.memref_squeeze %dma_start3A_34 : memref<1x!tpu.dma_semaphore, #tpu.memory_space<semaphore_mem>> -> memref<!tpu.dma_semaphore, #tpu.memory_space<semaphore_mem>>
    %dma_start3A_36 = arith.constant 0 : i32
    %dma_start3A_37 = arith.constant 0 : i32
    %dma_start3A_38 = arith.constant 0 : i32
    %dma_start3A_39 = tpu.memref_slice %arg6[%dma_start3A_23, %dma_start3A_24, %dma_start3A_36, %dma_start3A_37, %dma_start3A_38] : memref<2x3x64x1x128xf32, #tpu.memory_space<vmem>> -> memref<1x1x64x1x128xf32, #tpu.memory_space<vmem>>
    %dma_start3A_40 = tpu.memref_squeeze %dma_start3A_39 : memref<1x1x64x1x128xf32, #tpu.memory_space<vmem>> -> memref<64x1x128xf32, #tpu.memory_space<vmem>>
    %dma_start3A_41 = arith.constant 1 : i32
    %dma_start3A_42 = arith.constant 0 : i32
    %dma_start3A_43 = tpu.memref_slice %arg2[%mul3A_2, %dma_start3A_41, %dma_start3A_42] : memref<16384x3x128xf32, #tpu.memory_space<hbm>> -> memref<64x1x128xf32, #tpu.memory_space<hbm>>
    tpu.enqueue_dma source(%dma_start3A_43 : memref<64x1x128xf32, #tpu.memory_space<hbm>>) target(%dma_start3A_40 : memref<64x1x128xf32, #tpu.memory_space<vmem>>) target_semaphore(%dma_start3A_35 : memref<!tpu.dma_semaphore, #tpu.memory_space<semaphore_mem>>)
    %dma_start3A_44 = arith.constant 0 : i32
    %dma_start3A_45 = arith.constant 2 : i32
    %dma_start3A_46 = arith.constant 0 : i32
    %dma_start3A_47 = arith.constant 0 : i32
    %dma_start3A_48 = arith.constant 0 : i32
    %dma_start3A_49 = arith.constant 0 : i32
    %dma_start3A_50 = tpu.memref_slice %arg6[%dma_start3A_44, %dma_start3A_45, %dma_start3A_47, %dma_start3A_48, %dma_start3A_49] : memref<2x3x64x1x128xf32, #tpu.memory_space<vmem>> -> memref<1x1x64x1x128xf32, #tpu.memory_space<vmem>>
    %dma_start3A_51 = tpu.memref_squeeze %dma_start3A_50 : memref<1x1x64x1x128xf32, #tpu.memory_space<vmem>> -> memref<64x1x128xf32, #tpu.memory_space<vmem>>
    %dma_start3A_52 = arith.constant 2 : i32
    %dma_start3A_53 = arith.constant 0 : i32
    %dma_start3A_54 = tpu.memref_slice %arg2[%mul3A_2, %dma_start3A_52, %dma_start3A_53] : memref<16384x3x128xf32, #tpu.memory_space<hbm>> -> memref<64x1x128xf32, #tpu.memory_space<hbm>>
    %dma_start3A_55 = tpu.memref_slice %arg8[%dma_start3A_46] : memref<2x!tpu.dma_semaphore, #tpu.memory_space<semaphore_mem>> -> memref<1x!tpu.dma_semaphore, #tpu.memory_space<semaphore_mem>>
    %dma_start3A_56 = tpu.memref_squeeze %dma_start3A_55 : memref<1x!tpu.dma_semaphore, #tpu.memory_space<semaphore_mem>> -> memref<!tpu.dma_semaphore, #tpu.memory_space<semaphore_mem>>
    %dma_start3A_57 = arith.constant 0 : i32
    %dma_start3A_58 = arith.constant 0 : i32
    %dma_start3A_59 = arith.constant 0 : i32
    %dma_start3A_60 = tpu.memref_slice %arg6[%dma_start3A_44, %dma_start3A_45, %dma_start3A_57, %dma_start3A_58, %dma_start3A_59] : memref<2x3x64x1x128xf32, #tpu.memory_space<vmem>> -> memref<1x1x64x1x128xf32, #tpu.memory_space<vmem>>
    %dma_start3A_61 = tpu.memref_squeeze %dma_start3A_60 : memref<1x1x64x1x128xf32, #tpu.memory_space<vmem>> -> memref<64x1x128xf32, #tpu.memory_space<vmem>>
    %dma_start3A_62 = arith.constant 2 : i32
    %dma_start3A_63 = arith.constant 0 : i32
    %dma_start3A_64 = tpu.memref_slice %arg2[%mul3A_2, %dma_start3A_62, %dma_start3A_63] : memref<16384x3x128xf32, #tpu.memory_space<hbm>> -> memref<64x1x128xf32, #tpu.memory_space<hbm>>
    tpu.enqueue_dma source(%dma_start3A_64 : memref<64x1x128xf32, #tpu.memory_space<hbm>>) target(%dma_start3A_61 : memref<64x1x128xf32, #tpu.memory_space<vmem>>) target_semaphore(%dma_start3A_56 : memref<!tpu.dma_semaphore, #tpu.memory_space<semaphore_mem>>)
    %add3A_65 = arith.constant 64 : i32
    %add3A_66 = arith.addi %mul3A_2, %add3A_65 : i32
    %dma_start3A_67 = arith.constant 1 : i32
    %dma_start3A_68 = arith.constant 0 : i32
    %dma_start3A_69 = arith.constant 1 : i32
    %dma_start3A_70 = arith.constant 0 : i32
    %dma_start3A_71 = arith.constant 0 : i32
    %dma_start3A_72 = arith.constant 0 : i32
    %dma_start3A_73 = tpu.memref_slice %arg6[%dma_start3A_67, %dma_start3A_68, %dma_start3A_70, %dma_start3A_71, %dma_start3A_72] : memref<2x3x64x1x128xf32, #tpu.memory_space<vmem>> -> memref<1x1x64x1x128xf32, #tpu.memory_space<vmem>>
    %dma_start3A_74 = tpu.memref_squeeze %dma_start3A_73 : memref<1x1x64x1x128xf32, #tpu.memory_space<vmem>> -> memref<64x1x128xf32, #tpu.memory_space<vmem>>
    %dma_start3A_75 = arith.constant 0 : i32
    %dma_start3A_76 = arith.constant 0 : i32
    %dma_start3A_77 = tpu.memref_slice %arg2[%add3A_66, %dma_start3A_75, %dma_start3A_76] : memref<16384x3x128xf32, #tpu.memory_space<hbm>> -> memref<64x1x128xf32, #tpu.memory_space<hbm>>
    %dma_start3A_78 = tpu.memref_slice %arg8[%dma_start3A_69] : memref<2x!tpu.dma_semaphore, #tpu.memory_space<semaphore_mem>> -> memref<1x!tpu.dma_semaphore, #tpu.memory_space<semaphore_mem>>
    %dma_start3A_79 = tpu.memref_squeeze %dma_start3A_78 : memref<1x!tpu.dma_semaphore, #tpu.memory_space<semaphore_mem>> -> memref<!tpu.dma_semaphore, #tpu.memory_space<semaphore_mem>>
    %dma_start3A_80 = arith.constant 0 : i32
    %dma_start3A_81 = arith.constant 0 : i32
    %dma_start3A_82 = arith.constant 0 : i32
    %dma_start3A_83 = tpu.memref_slice %arg6[%dma_start3A_67, %dma_start3A_68, %dma_start3A_80, %dma_start3A_81, %dma_start3A_82] : memref<2x3x64x1x128xf32, #tpu.memory_space<vmem>> -> memref<1x1x64x1x128xf32, #tpu.memory_space<vmem>>
    %dma_start3A_84 = tpu.memref_squeeze %dma_start3A_83 : memref<1x1x64x1x128xf32, #tpu.memory_space<vmem>> -> memref<64x1x128xf32, #tpu.memory_space<vmem>>
    %dma_start3A_85 = arith.constant 0 : i32
    %dma_start3A_86 = arith.constant 0 : i32
    %dma_start3A_87 = tpu.memref_slice %arg2[%add3A_66, %dma_start3A_85, %dma_start3A_86] : memref<16384x3x128xf32, #tpu.memory_space<hbm>> -> memref<64x1x128xf32, #tpu.memory_space<hbm>>
    tpu.enqueue_dma source(%dma_start3A_87 : memref<64x1x128xf32, #tpu.memory_space<hbm>>) target(%dma_start3A_84 : memref<64x1x128xf32, #tpu.memory_space<vmem>>) target_semaphore(%dma_start3A_79 : memref<!tpu.dma_semaphore, #tpu.memory_space<semaphore_mem>>)
    %add3A_88 = arith.constant 64 : i32
    %add3A_89 = arith.addi %mul3A_2, %add3A_88 : i32
    %dma_start3A_90 = arith.constant 1 : i32
    %dma_start3A_91 = arith.constant 1 : i32
    %dma_start3A_92 = arith.constant 1 : i32
    %dma_start3A_93 = arith.constant 0 : i32
    %dma_start3A_94 = arith.constant 0 : i32
    %dma_start3A_95 = arith.constant 0 : i32
    %dma_start3A_96 = tpu.memref_slice %arg6[%dma_start3A_90, %dma_start3A_91, %dma_start3A_93, %dma_start3A_94, %dma_start3A_95] : memref<2x3x64x1x128xf32, #tpu.memory_space<vmem>> -> memref<1x1x64x1x128xf32, #tpu.memory_space<vmem>>
    %dma_start3A_97 = tpu.memref_squeeze %dma_start3A_96 : memref<1x1x64x1x128xf32, #tpu.memory_space<vmem>> -> memref<64x1x128xf32, #tpu.memory_space<vmem>>
    %dma_start3A_98 = arith.constant 1 : i32
    %dma_start3A_99 = arith.constant 0 : i32
    %dma_start3A_100 = tpu.memref_slice %arg2[%add3A_89, %dma_start3A_98, %dma_start3A_99] : memref<16384x3x128xf32, #tpu.memory_space<hbm>> -> memref<64x1x128xf32, #tpu.memory_space<hbm>>
    %dma_start3A_101 = tpu.memref_slice %arg8[%dma_start3A_92] : memref<2x!tpu.dma_semaphore, #tpu.memory_space<semaphore_mem>> -> memref<1x!tpu.dma_semaphore, #tpu.memory_space<semaphore_mem>>
    %dma_start3A_102 = tpu.memref_squeeze %dma_start3A_101 : memref<1x!tpu.dma_semaphore, #tpu.memory_space<semaphore_mem>> -> memref<!tpu.dma_semaphore, #tpu.memory_space<semaphore_mem>>
    %dma_start3A_103 = arith.constant 0 : i32
    %dma_start3A_104 = arith.constant 0 : i32
    %dma_start3A_105 = arith.constant 0 : i32
    %dma_start3A_106 = tpu.memref_slice %arg6[%dma_start3A_90, %dma_start3A_91, %dma_start3A_103, %dma_start3A_104, %dma_start3A_105] : memref<2x3x64x1x128xf32, #tpu.memory_space<vmem>> -> memref<1x1x64x1x128xf32, #tpu.memory_space<vmem>>
    %dma_start3A_107 = tpu.memref_squeeze %dma_start3A_106 : memref<1x1x64x1x128xf32, #tpu.memory_space<vmem>> -> memref<64x1x128xf32, #tpu.memory_space<vmem>>
    %dma_start3A_108 = arith.constant 1 : i32
    %dma_start3A_109 = arith.constant 0 : i32
    %dma_start3A_110 = tpu.memref_slice %arg2[%add3A_89, %dma_start3A_108, %dma_start3A_109] : memref<16384x3x128xf32, #tpu.memory_space<hbm>> -> memref<64x1x128xf32, #tpu.memory_space<hbm>>
    tpu.enqueue_dma source(%dma_start3A_110 : memref<64x1x128xf32, #tpu.memory_space<hbm>>) target(%dma_start3A_107 : memref<64x1x128xf32, #tpu.memory_space<vmem>>) target_semaphore(%dma_start3A_102 : memref<!tpu.dma_semaphore, #tpu.memory_space<semaphore_mem>>)
    %add3A_111 = arith.constant 64 : i32
    %add3A_112 = arith.addi %mul3A_2, %add3A_111 : i32
    %dma_start3A_113 = arith.constant 1 : i32
    %dma_start3A_114 = arith.constant 2 : i32
    %dma_start3A_115 = arith.constant 1 : i32
    %dma_start3A_116 = arith.constant 0 : i32
    %dma_start3A_117 = arith.constant 0 : i32
    %dma_start3A_118 = arith.constant 0 : i32
    %dma_start3A_119 = tpu.memref_slice %arg6[%dma_start3A_113, %dma_start3A_114, %dma_start3A_116, %dma_start3A_117, %dma_start3A_118] : memref<2x3x64x1x128xf32, #tpu.memory_space<vmem>> -> memref<1x1x64x1x128xf32, #tpu.memory_space<vmem>>
    %dma_start3A_120 = tpu.memref_squeeze %dma_start3A_119 : memref<1x1x64x1x128xf32, #tpu.memory_space<vmem>> -> memref<64x1x128xf32, #tpu.memory_space<vmem>>
    %dma_start3A_121 = arith.constant 2 : i32
    %dma_start3A_122 = arith.constant 0 : i32
    %dma_start3A_123 = tpu.memref_slice %arg2[%add3A_112, %dma_start3A_121, %dma_start3A_122] : memref<16384x3x128xf32, #tpu.memory_space<hbm>> -> memref<64x1x128xf32, #tpu.memory_space<hbm>>
    %dma_start3A_124 = tpu.memref_slice %arg8[%dma_start3A_115] : memref<2x!tpu.dma_semaphore, #tpu.memory_space<semaphore_mem>> -> memref<1x!tpu.dma_semaphore, #tpu.memory_space<semaphore_mem>>
    %dma_start3A_125 = tpu.memref_squeeze %dma_start3A_124 : memref<1x!tpu.dma_semaphore, #tpu.memory_space<semaphore_mem>> -> memref<!tpu.dma_semaphore, #tpu.memory_space<semaphore_mem>>
    %dma_start3A_126 = arith.constant 0 : i32
    %dma_start3A_127 = arith.constant 0 : i32
    %dma_start3A_128 = arith.constant 0 : i32
    %dma_start3A_129 = tpu.memref_slice %arg6[%dma_start3A_113, %dma_start3A_114, %dma_start3A_126, %dma_start3A_127, %dma_start3A_128] : memref<2x3x64x1x128xf32, #tpu.memory_space<vmem>> -> memref<1x1x64x1x128xf32, #tpu.memory_space<vmem>>
    %dma_start3A_130 = tpu.memref_squeeze %dma_start3A_129 : memref<1x1x64x1x128xf32, #tpu.memory_space<vmem>> -> memref<64x1x128xf32, #tpu.memory_space<vmem>>
    %dma_start3A_131 = arith.constant 2 : i32
    %dma_start3A_132 = arith.constant 0 : i32
    %dma_start3A_133 = tpu.memref_slice %arg2[%add3A_112, %dma_start3A_131, %dma_start3A_132] : memref<16384x3x128xf32, #tpu.memory_space<hbm>> -> memref<64x1x128xf32, #tpu.memory_space<hbm>>
    tpu.enqueue_dma source(%dma_start3A_133 : memref<64x1x128xf32, #tpu.memory_space<hbm>>) target(%dma_start3A_130 : memref<64x1x128xf32, #tpu.memory_space<vmem>>) target_semaphore(%dma_start3A_125 : memref<!tpu.dma_semaphore, #tpu.memory_space<semaphore_mem>>)
    %dma_wait3A = arith.constant 0 : i32
    %dma_wait3A_134 = arith.constant 0 : i32
    %dma_wait3A_135 = arith.constant 0 : i32
    %dma_wait3A_136 = arith.constant 0 : i32
    %dma_wait3A_137 = arith.constant 0 : i32
    %dma_wait3A_138 = arith.constant 0 : i32
    %dma_wait3A_139 = tpu.memref_slice %arg6[%dma_wait3A, %dma_wait3A_134, %dma_wait3A_136, %dma_wait3A_137, %dma_wait3A_138] : memref<2x3x64x1x128xf32, #tpu.memory_space<vmem>> -> memref<1x1x64x1x128xf32, #tpu.memory_space<vmem>>
    %dma_wait3A_140 = tpu.memref_squeeze %dma_wait3A_139 : memref<1x1x64x1x128xf32, #tpu.memory_space<vmem>> -> memref<64x1x128xf32, #tpu.memory_space<vmem>>
    %dma_wait3A_141 = arith.constant 0 : i32
    %dma_wait3A_142 = arith.constant 0 : i32
    %dma_wait3A_143 = tpu.memref_slice %arg2[%mul3A_2, %dma_wait3A_141, %dma_wait3A_142] : memref<16384x3x128xf32, #tpu.memory_space<hbm>> -> memref<64x1x128xf32, #tpu.memory_space<hbm>>
    %dma_wait3A_144 = tpu.memref_slice %arg8[%dma_wait3A_135] : memref<2x!tpu.dma_semaphore, #tpu.memory_space<semaphore_mem>> -> memref<1x!tpu.dma_semaphore, #tpu.memory_space<semaphore_mem>>
    %dma_wait3A_145 = tpu.memref_squeeze %dma_wait3A_144 : memref<1x!tpu.dma_semaphore, #tpu.memory_space<semaphore_mem>> -> memref<!tpu.dma_semaphore, #tpu.memory_space<semaphore_mem>>
    %dma_wait3A_146 = arith.constant 0 : i32
    %dma_wait3A_147 = arith.constant 0 : i32
    %dma_wait3A_148 = arith.constant 0 : i32
    %dma_wait3A_149 = tpu.memref_slice %arg6[%dma_wait3A, %dma_wait3A_134, %dma_wait3A_146, %dma_wait3A_147, %dma_wait3A_148] : memref<2x3x64x1x128xf32, #tpu.memory_space<vmem>> -> memref<1x1x64x1x128xf32, #tpu.memory_space<vmem>>
    %dma_wait3A_150 = tpu.memref_squeeze %dma_wait3A_149 : memref<1x1x64x1x128xf32, #tpu.memory_space<vmem>> -> memref<64x1x128xf32, #tpu.memory_space<vmem>>
    %dma_wait3A_151 = arith.constant 0 : i32
    %dma_wait3A_152 = arith.constant 0 : i32
    %dma_wait3A_153 = tpu.memref_slice %arg2[%mul3A_2, %dma_wait3A_151, %dma_wait3A_152] : memref<16384x3x128xf32, #tpu.memory_space<hbm>> -> memref<64x1x128xf32, #tpu.memory_space<hbm>>
    tpu.wait_dma2 semaphore(%dma_wait3A_145 : memref<!tpu.dma_semaphore, #tpu.memory_space<semaphore_mem>>) src(%dma_wait3A_153 : memref<64x1x128xf32, #tpu.memory_space<hbm>>) dst(%dma_wait3A_150 : memref<64x1x128xf32, #tpu.memory_space<vmem>>)
    %dma_wait3A_154 = arith.constant 0 : i32
    %dma_wait3A_155 = arith.constant 1 : i32
    %dma_wait3A_156 = arith.constant 0 : i32
    %dma_wait3A_157 = arith.constant 0 : i32
    %dma_wait3A_158 = arith.constant 0 : i32
    %dma_wait3A_159 = arith.constant 0 : i32
    %dma_wait3A_160 = tpu.memref_slice %arg6[%dma_wait3A_154, %dma_wait3A_155, %dma_wait3A_157, %dma_wait3A_158, %dma_wait3A_159] : memref<2x3x64x1x128xf32, #tpu.memory_space<vmem>> -> memref<1x1x64x1x128xf32, #tpu.memory_space<vmem>>
    %dma_wait3A_161 = tpu.memref_squeeze %dma_wait3A_160 : memref<1x1x64x1x128xf32, #tpu.memory_space<vmem>> -> memref<64x1x128xf32, #tpu.memory_space<vmem>>
    %dma_wait3A_162 = arith.constant 1 : i32
    %dma_wait3A_163 = arith.constant 0 : i32
    %dma_wait3A_164 = tpu.memref_slice %arg2[%mul3A_2, %dma_wait3A_162, %dma_wait3A_163] : memref<16384x3x128xf32, #tpu.memory_space<hbm>> -> memref<64x1x128xf32, #tpu.memory_space<hbm>>
    %dma_wait3A_165 = tpu.memref_slice %arg8[%dma_wait3A_156] : memref<2x!tpu.dma_semaphore, #tpu.memory_space<semaphore_mem>> -> memref<1x!tpu.dma_semaphore, #tpu.memory_space<semaphore_mem>>
    %dma_wait3A_166 = tpu.memref_squeeze %dma_wait3A_165 : memref<1x!tpu.dma_semaphore, #tpu.memory_space<semaphore_mem>> -> memref<!tpu.dma_semaphore, #tpu.memory_space<semaphore_mem>>
    %dma_wait3A_167 = arith.constant 0 : i32
    %dma_wait3A_168 = arith.constant 0 : i32
    %dma_wait3A_169 = arith.constant 0 : i32
    %dma_wait3A_170 = tpu.memref_slice %arg6[%dma_wait3A_154, %dma_wait3A_155, %dma_wait3A_167, %dma_wait3A_168, %dma_wait3A_169] : memref<2x3x64x1x128xf32, #tpu.memory_space<vmem>> -> memref<1x1x64x1x128xf32, #tpu.memory_space<vmem>>
    %dma_wait3A_171 = tpu.memref_squeeze %dma_wait3A_170 : memref<1x1x64x1x128xf32, #tpu.memory_space<vmem>> -> memref<64x1x128xf32, #tpu.memory_space<vmem>>
    %dma_wait3A_172 = arith.constant 1 : i32
    %dma_wait3A_173 = arith.constant 0 : i32
    %dma_wait3A_174 = tpu.memref_slice %arg2[%mul3A_2, %dma_wait3A_172, %dma_wait3A_173] : memref<16384x3x128xf32, #tpu.memory_space<hbm>> -> memref<64x1x128xf32, #tpu.memory_space<hbm>>
    tpu.wait_dma2 semaphore(%dma_wait3A_166 : memref<!tpu.dma_semaphore, #tpu.memory_space<semaphore_mem>>) src(%dma_wait3A_174 : memref<64x1x128xf32, #tpu.memory_space<hbm>>) dst(%dma_wait3A_171 : memref<64x1x128xf32, #tpu.memory_space<vmem>>)
    %dma_wait3A_175 = arith.constant 0 : i32
    %dma_wait3A_176 = arith.constant 2 : i32
    %dma_wait3A_177 = arith.constant 0 : i32
    %dma_wait3A_178 = arith.constant 0 : i32
    %dma_wait3A_179 = arith.constant 0 : i32
    %dma_wait3A_180 = arith.constant 0 : i32
    %dma_wait3A_181 = tpu.memref_slice %arg6[%dma_wait3A_175, %dma_wait3A_176, %dma_wait3A_178, %dma_wait3A_179, %dma_wait3A_180] : memref<2x3x64x1x128xf32, #tpu.memory_space<vmem>> -> memref<1x1x64x1x128xf32, #tpu.memory_space<vmem>>
    %dma_wait3A_182 = tpu.memref_squeeze %dma_wait3A_181 : memref<1x1x64x1x128xf32, #tpu.memory_space<vmem>> -> memref<64x1x128xf32, #tpu.memory_space<vmem>>
    %dma_wait3A_183 = arith.constant 2 : i32
    %dma_wait3A_184 = arith.constant 0 : i32
    %dma_wait3A_185 = tpu.memref_slice %arg2[%mul3A_2, %dma_wait3A_183, %dma_wait3A_184] : memref<16384x3x128xf32, #tpu.memory_space<hbm>> -> memref<64x1x128xf32, #tpu.memory_space<hbm>>
    %dma_wait3A_186 = tpu.memref_slice %arg8[%dma_wait3A_177] : memref<2x!tpu.dma_semaphore, #tpu.memory_space<semaphore_mem>> -> memref<1x!tpu.dma_semaphore, #tpu.memory_space<semaphore_mem>>
    %dma_wait3A_187 = tpu.memref_squeeze %dma_wait3A_186 : memref<1x!tpu.dma_semaphore, #tpu.memory_space<semaphore_mem>> -> memref<!tpu.dma_semaphore, #tpu.memory_space<semaphore_mem>>
    %dma_wait3A_188 = arith.constant 0 : i32
    %dma_wait3A_189 = arith.constant 0 : i32
    %dma_wait3A_190 = arith.constant 0 : i32
    %dma_wait3A_191 = tpu.memref_slice %arg6[%dma_wait3A_175, %dma_wait3A_176, %dma_wait3A_188, %dma_wait3A_189, %dma_wait3A_190] : memref<2x3x64x1x128xf32, #tpu.memory_space<vmem>> -> memref<1x1x64x1x128xf32, #tpu.memory_space<vmem>>
    %dma_wait3A_192 = tpu.memref_squeeze %dma_wait3A_191 : memref<1x1x64x1x128xf32, #tpu.memory_space<vmem>> -> memref<64x1x128xf32, #tpu.memory_space<vmem>>
    %dma_wait3A_193 = arith.constant 2 : i32
    %dma_wait3A_194 = arith.constant 0 : i32
    %dma_wait3A_195 = tpu.memref_slice %arg2[%mul3A_2, %dma_wait3A_193, %dma_wait3A_194] : memref<16384x3x128xf32, #tpu.memory_space<hbm>> -> memref<64x1x128xf32, #tpu.memory_space<hbm>>
    tpu.wait_dma2 semaphore(%dma_wait3A_187 : memref<!tpu.dma_semaphore, #tpu.memory_space<semaphore_mem>>) src(%dma_wait3A_195 : memref<64x1x128xf32, #tpu.memory_space<hbm>>) dst(%dma_wait3A_192 : memref<64x1x128xf32, #tpu.memory_space<vmem>>)
    %scan3A = arith.constant 0 : i32
    %scan3A_196 = arith.constant 0 : i32
    %scan3A_197 = arith.constant 64 : i32
    %scan3A_198 = arith.addi %scan3A_196, %scan3A_197 : i32
    %scan3A_199 = arith.constant 1 : i32
    %scan3A_200 = scf.for %scan3A_1378 = %scan3A_196 to %scan3A_198 step %scan3A_199 iter_args(%scan3A_1379 = %scan3A) -> (i32)  : i32 {
      %add3A_1380 = arith.constant 0 : i32
      %add3A_1381 = arith.addi %add3A_1380, %scan3A_1378 : i32
      %get3A = arith.index_cast %add3A_1381 : i32 to index
      %get3A_1382 = tpu.vector_load %arg5[%get3A] {strides = array<i32>} : memref<528xi32, #tpu.memory_space<vmem>>, vector<16xi32>,
      %get3A_1383 = vector.shape_cast %get3A_1382 : vector<16xi32> to vector<16xi32>
      %slice3A = vector.extract_strided_slice %get3A_1383 {offsets = [0], sizes = [1], strides = [1]} : vector<16xi32> to vector<1xi32>
      %squeeze3A = vector.extract %slice3A[0] : i32 from vector<1xi32>
      %get3A_1384 = arith.constant 0 : i32
      %get3A_1385 = arith.constant 0 : i32
      %get3A_1386 = arith.index_cast %get3A_1384 : i32 to index
      %get3A_1387 = arith.index_cast %squeeze3A : i32 to index
      %get3A_1388 = arith.index_cast %scan3A_1378 : i32 to index
      %get3A_1389 = arith.index_cast %get3A_1385 : i32 to index
      %get3A_1390 = arith.constant 0 : index
      %get3A_1391 = tpu.vector_load %arg6[%get3A_1386, %get3A_1387, %get3A_1388, %get3A_1389, %get3A_1390] {strides = array<i32>} : memref<2x3x64x1x128xf32, #tpu.memory_space<vmem>>, vector<1x1x1x1x16xf32>,
      %get3A_1392 = vector.shape_cast %get3A_1391 : vector<1x1x1x1x16xf32> to vector<16xf32>
      %swap3A = arith.constant 0 : i32
      %swap3A_1393 = arith.index_cast %swap3A : i32 to index
      %swap3A_1394 = arith.index_cast %scan3A_1378 : i32 to index
      %swap3A_1395 = arith.constant 0 : index
      %swap3A_1396 = tpu.vector_load %arg7[%swap3A_1393, %swap3A_1394, %swap3A_1395] {strides = array<i32>} : memref<2x64x128xf32, #tpu.memory_space<vmem>>, vector<1x1x16xf32>,
      %swap3A_1397 = vector.shape_cast %swap3A_1396 : vector<1x1x16xf32> to vector<16xf32>
      %swap3A_1398 = vector.shape_cast %get3A_1392 : vector<16xf32> to vector<1x1x16xf32>
      tpu.vector_store %arg7[%swap3A_1393, %swap3A_1394, %swap3A_1395], %swap3A_1398 {strides = array<i32>} : memref<2x64x128xf32, #tpu.memory_space<vmem>>, vector<1x1x16xf32>,
      %get3A_1399 = arith.constant 0 : i32
      %get3A_1400 = arith.constant 0 : i32
      %get3A_1401 = arith.index_cast %get3A_1399 : i32 to index
      %get3A_1402 = arith.index_cast %squeeze3A : i32 to index
      %get3A_1403 = arith.index_cast %scan3A_1378 : i32 to index
      %get3A_1404 = arith.index_cast %get3A_1400 : i32 to index
      %get3A_1405 = arith.constant 16 : index
      %get3A_1406 = tpu.vector_load %arg6[%get3A_1401, %get3A_1402, %get3A_1403, %get3A_1404, %get3A_1405] {strides = array<i32>} : memref<2x3x64x1x128xf32, #tpu.memory_space<vmem>>, vector<1x1x1x1x16xf32>,
      %get3A_1407 = vector.shape_cast %get3A_1406 : vector<1x1x1x1x16xf32> to vector<16xf32>
      %swap3A_1408 = arith.constant 0 : i32
      %swap3A_1409 = arith.index_cast %swap3A_1408 : i32 to index
      %swap3A_1410 = arith.index_cast %scan3A_1378 : i32 to index
      %swap3A_1411 = arith.constant 16 : index
      %swap3A_1412 = tpu.vector_load %arg7[%swap3A_1409, %swap3A_1410, %swap3A_1411] {strides = array<i32>} : memref<2x64x128xf32, #tpu.memory_space<vmem>>, vector<1x1x16xf32>,
      %swap3A_1413 = vector.shape_cast %swap3A_1412 : vector<1x1x16xf32> to vector<16xf32>
      %swap3A_1414 = vector.shape_cast %get3A_1407 : vector<16xf32> to vector<1x1x16xf32>
      tpu.vector_store %arg7[%swap3A_1409, %swap3A_1410, %swap3A_1411], %swap3A_1414 {strides = array<i32>} : memref<2x64x128xf32, #tpu.memory_space<vmem>>, vector<1x1x16xf32>,
      %get3A_1415 = arith.constant 0 : i32
      %get3A_1416 = arith.constant 0 : i32
      %get3A_1417 = arith.index_cast %get3A_1415 : i32 to index
      %get3A_1418 = arith.index_cast %squeeze3A : i32 to index
      %get3A_1419 = arith.index_cast %scan3A_1378 : i32 to index
      %get3A_1420 = arith.index_cast %get3A_1416 : i32 to index
      %get3A_1421 = arith.constant 32 : index
      %get3A_1422 = tpu.vector_load %arg6[%get3A_1417, %get3A_1418, %get3A_1419, %get3A_1420, %get3A_1421] {strides = array<i32>} : memref<2x3x64x1x128xf32, #tpu.memory_space<vmem>>, vector<1x1x1x1x16xf32>,
      %get3A_1423 = vector.shape_cast %get3A_1422 : vector<1x1x1x1x16xf32> to vector<16xf32>
      %swap3A_1424 = arith.constant 0 : i32
      %swap3A_1425 = arith.index_cast %swap3A_1424 : i32 to index
      %swap3A_1426 = arith.index_cast %scan3A_1378 : i32 to index
      %swap3A_1427 = arith.constant 32 : index
      %swap3A_1428 = tpu.vector_load %arg7[%swap3A_1425, %swap3A_1426, %swap3A_1427] {strides = array<i32>} : memref<2x64x128xf32, #tpu.memory_space<vmem>>, vector<1x1x16xf32>,
      %swap3A_1429 = vector.shape_cast %swap3A_1428 : vector<1x1x16xf32> to vector<16xf32>
      %swap3A_1430 = vector.shape_cast %get3A_1423 : vector<16xf32> to vector<1x1x16xf32>
      tpu.vector_store %arg7[%swap3A_1425, %swap3A_1426, %swap3A_1427], %swap3A_1430 {strides = array<i32>} : memref<2x64x128xf32, #tpu.memory_space<vmem>>, vector<1x1x16xf32>,
      %get3A_1431 = arith.constant 0 : i32
      %get3A_1432 = arith.constant 0 : i32
      %get3A_1433 = arith.index_cast %get3A_1431 : i32 to index
      %get3A_1434 = arith.index_cast %squeeze3A : i32 to index
      %get3A_1435 = arith.index_cast %scan3A_1378 : i32 to index
      %get3A_1436 = arith.index_cast %get3A_1432 : i32 to index
      %get3A_1437 = arith.constant 48 : index
      %get3A_1438 = tpu.vector_load %arg6[%get3A_1433, %get3A_1434, %get3A_1435, %get3A_1436, %get3A_1437] {strides = array<i32>} : memref<2x3x64x1x128xf32, #tpu.memory_space<vmem>>, vector<1x1x1x1x16xf32>,
      %get3A_1439 = vector.shape_cast %get3A_1438 : vector<1x1x1x1x16xf32> to vector<16xf32>
      %swap3A_1440 = arith.constant 0 : i32
      %swap3A_1441 = arith.index_cast %swap3A_1440 : i32 to index
      %swap3A_1442 = arith.index_cast %scan3A_1378 : i32 to index
      %swap3A_1443 = arith.constant 48 : index
      %swap3A_1444 = tpu.vector_load %arg7[%swap3A_1441, %swap3A_1442, %swap3A_1443] {strides = array<i32>} : memref<2x64x128xf32, #tpu.memory_space<vmem>>, vector<1x1x16xf32>,
      %swap3A_1445 = vector.shape_cast %swap3A_1444 : vector<1x1x16xf32> to vector<16xf32>
      %swap3A_1446 = vector.shape_cast %get3A_1439 : vector<16xf32> to vector<1x1x16xf32>
      tpu.vector_store %arg7[%swap3A_1441, %swap3A_1442, %swap3A_1443], %swap3A_1446 {strides = array<i32>} : memref<2x64x128xf32, #tpu.memory_space<vmem>>, vector<1x1x16xf32>,
      %get3A_1447 = arith.constant 0 : i32
      %get3A_1448 = arith.constant 0 : i32
      %get3A_1449 = arith.index_cast %get3A_1447 : i32 to index
      %get3A_1450 = arith.index_cast %squeeze3A : i32 to index
      %get3A_1451 = arith.index_cast %scan3A_1378 : i32 to index
      %get3A_1452 = arith.index_cast %get3A_1448 : i32 to index
      %get3A_1453 = arith.constant 64 : index
      %get3A_1454 = tpu.vector_load %arg6[%get3A_1449, %get3A_1450, %get3A_1451, %get3A_1452, %get3A_1453] {strides = array<i32>} : memref<2x3x64x1x128xf32, #tpu.memory_space<vmem>>, vector<1x1x1x1x16xf32>,
      %get3A_1455 = vector.shape_cast %get3A_1454 : vector<1x1x1x1x16xf32> to vector<16xf32>
      %swap3A_1456 = arith.constant 0 : i32
      %swap3A_1457 = arith.index_cast %swap3A_1456 : i32 to index
      %swap3A_1458 = arith.index_cast %scan3A_1378 : i32 to index
      %swap3A_1459 = arith.constant 64 : index
      %swap3A_1460 = tpu.vector_load %arg7[%swap3A_1457, %swap3A_1458, %swap3A_1459] {strides = array<i32>} : memref<2x64x128xf32, #tpu.memory_space<vmem>>, vector<1x1x16xf32>,
      %swap3A_1461 = vector.shape_cast %swap3A_1460 : vector<1x1x16xf32> to vector<16xf32>
      %swap3A_1462 = vector.shape_cast %get3A_1455 : vector<16xf32> to vector<1x1x16xf32>
      tpu.vector_store %arg7[%swap3A_1457, %swap3A_1458, %swap3A_1459], %swap3A_1462 {strides = array<i32>} : memref<2x64x128xf32, #tpu.memory_space<vmem>>, vector<1x1x16xf32>,
      %get3A_1463 = arith.constant 0 : i32
      %get3A_1464 = arith.constant 0 : i32
      %get3A_1465 = arith.index_cast %get3A_1463 : i32 to index
      %get3A_1466 = arith.index_cast %squeeze3A : i32 to index
      %get3A_1467 = arith.index_cast %scan3A_1378 : i32 to index
      %get3A_1468 = arith.index_cast %get3A_1464 : i32 to index
      %get3A_1469 = arith.constant 80 : index
      %get3A_1470 = tpu.vector_load %arg6[%get3A_1465, %get3A_1466, %get3A_1467, %get3A_1468, %get3A_1469] {strides = array<i32>} : memref<2x3x64x1x128xf32, #tpu.memory_space<vmem>>, vector<1x1x1x1x16xf32>,
      %get3A_1471 = vector.shape_cast %get3A_1470 : vector<1x1x1x1x16xf32> to vector<16xf32>
      %swap3A_1472 = arith.constant 0 : i32
      %swap3A_1473 = arith.index_cast %swap3A_1472 : i32 to index
      %swap3A_1474 = arith.index_cast %scan3A_1378 : i32 to index
      %swap3A_1475 = arith.constant 80 : index
      %swap3A_1476 = tpu.vector_load %arg7[%swap3A_1473, %swap3A_1474, %swap3A_1475] {strides = array<i32>} : memref<2x64x128xf32, #tpu.memory_space<vmem>>, vector<1x1x16xf32>,
      %swap3A_1477 = vector.shape_cast %swap3A_1476 : vector<1x1x16xf32> to vector<16xf32>
      %swap3A_1478 = vector.shape_cast %get3A_1471 : vector<16xf32> to vector<1x1x16xf32>
      tpu.vector_store %arg7[%swap3A_1473, %swap3A_1474, %swap3A_1475], %swap3A_1478 {strides = array<i32>} : memref<2x64x128xf32, #tpu.memory_space<vmem>>, vector<1x1x16xf32>,
      %get3A_1479 = arith.constant 0 : i32
      %get3A_1480 = arith.constant 0 : i32
      %get3A_1481 = arith.index_cast %get3A_1479 : i32 to index
      %get3A_1482 = arith.index_cast %squeeze3A : i32 to index
      %get3A_1483 = arith.index_cast %scan3A_1378 : i32 to index
      %get3A_1484 = arith.index_cast %get3A_1480 : i32 to index
      %get3A_1485 = arith.constant 96 : index
      %get3A_1486 = tpu.vector_load %arg6[%get3A_1481, %get3A_1482, %get3A_1483, %get3A_1484, %get3A_1485] {strides = array<i32>} : memref<2x3x64x1x128xf32, #tpu.memory_space<vmem>>, vector<1x1x1x1x16xf32>,
      %get3A_1487 = vector.shape_cast %get3A_1486 : vector<1x1x1x1x16xf32> to vector<16xf32>
      %swap3A_1488 = arith.constant 0 : i32
      %swap3A_1489 = arith.index_cast %swap3A_1488 : i32 to index
      %swap3A_1490 = arith.index_cast %scan3A_1378 : i32 to index
      %swap3A_1491 = arith.constant 96 : index
      %swap3A_1492 = tpu.vector_load %arg7[%swap3A_1489, %swap3A_1490, %swap3A_1491] {strides = array<i32>} : memref<2x64x128xf32, #tpu.memory_space<vmem>>, vector<1x1x16xf32>,
      %swap3A_1493 = vector.shape_cast %swap3A_1492 : vector<1x1x16xf32> to vector<16xf32>
      %swap3A_1494 = vector.shape_cast %get3A_1487 : vector<16xf32> to vector<1x1x16xf32>
      tpu.vector_store %arg7[%swap3A_1489, %swap3A_1490, %swap3A_1491], %swap3A_1494 {strides = array<i32>} : memref<2x64x128xf32, #tpu.memory_space<vmem>>, vector<1x1x16xf32>,
      %get3A_1495 = arith.constant 0 : i32
      %get3A_1496 = arith.constant 0 : i32
      %get3A_1497 = arith.index_cast %get3A_1495 : i32 to index
      %get3A_1498 = arith.index_cast %squeeze3A : i32 to index
      %get3A_1499 = arith.index_cast %scan3A_1378 : i32 to index
      %get3A_1500 = arith.index_cast %get3A_1496 : i32 to index
      %get3A_1501 = arith.constant 112 : index
      %get3A_1502 = tpu.vector_load %arg6[%get3A_1497, %get3A_1498, %get3A_1499, %get3A_1500, %get3A_1501] {strides = array<i32>} : memref<2x3x64x1x128xf32, #tpu.memory_space<vmem>>, vector<1x1x1x1x16xf32>,
      %get3A_1503 = vector.shape_cast %get3A_1502 : vector<1x1x1x1x16xf32> to vector<16xf32>
      %swap3A_1504 = arith.constant 0 : i32
      %swap3A_1505 = arith.index_cast %swap3A_1504 : i32 to index
      %swap3A_1506 = arith.index_cast %scan3A_1378 : i32 to index
      %swap3A_1507 = arith.constant 112 : index
      %swap3A_1508 = tpu.vector_load %arg7[%swap3A_1505, %swap3A_1506, %swap3A_1507] {strides = array<i32>} : memref<2x64x128xf32, #tpu.memory_space<vmem>>, vector<1x1x16xf32>,
      %swap3A_1509 = vector.shape_cast %swap3A_1508 : vector<1x1x16xf32> to vector<16xf32>
      %swap3A_1510 = vector.shape_cast %get3A_1503 : vector<16xf32> to vector<1x1x16xf32>
      tpu.vector_store %arg7[%swap3A_1505, %swap3A_1506, %swap3A_1507], %swap3A_1510 {strides = array<i32>} : memref<2x64x128xf32, #tpu.memory_space<vmem>>, vector<1x1x16xf32>,
      %scan3A_1511 = arith.constant 0 : i32
      scf.yield %scan3A_1511 : i32
    }
    %scan3A_201 = arith.constant 64 : i32
    %add3A_202 = arith.constant 0 : i32
    %add3A_203 = arith.addi %mul3A_2, %add3A_202 : i32
    %dma_start3A_204 = arith.constant 0 : i32
    %dma_start3A_205 = arith.constant 0 : i32
    %dma_start3A_206 = arith.constant 0 : i32
    %dma_start3A_207 = arith.constant 0 : i32
    %dma_start3A_208 = tpu.memref_slice %arg7[%dma_start3A_204, %dma_start3A_206, %dma_start3A_207] : memref<2x64x128xf32, #tpu.memory_space<vmem>> -> memref<1x64x128xf32, #tpu.memory_space<vmem>>
    %dma_start3A_209 = tpu.memref_squeeze %dma_start3A_208 : memref<1x64x128xf32, #tpu.memory_space<vmem>> -> memref<64x128xf32, #tpu.memory_space<vmem>>
    %dma_start3A_210 = arith.constant 0 : i32
    %dma_start3A_211 = tpu.memref_slice %arg4[%add3A_203, %dma_start3A_210] : memref<16384x128xf32, #tpu.memory_space<hbm>> -> memref<64x128xf32, #tpu.memory_space<hbm>>
    %dma_start3A_212 = tpu.memref_slice %arg9[%dma_start3A_205] : memref<2x!tpu.dma_semaphore, #tpu.memory_space<semaphore_mem>> -> memref<1x!tpu.dma_semaphore, #tpu.memory_space<semaphore_mem>>
    %dma_start3A_213 = tpu.memref_squeeze %dma_start3A_212 : memref<1x!tpu.dma_semaphore, #tpu.memory_space<semaphore_mem>> -> memref<!tpu.dma_semaphore, #tpu.memory_space<semaphore_mem>>
    %dma_start3A_214 = arith.constant 0 : i32
    %dma_start3A_215 = tpu.memref_slice %arg4[%add3A_203, %dma_start3A_214] : memref<16384x128xf32, #tpu.memory_space<hbm>> -> memref<64x128xf32, #tpu.memory_space<hbm>>
    %dma_start3A_216 = arith.constant 0 : i32
    %dma_start3A_217 = arith.constant 0 : i32
    %dma_start3A_218 = tpu.memref_slice %arg7[%dma_start3A_204, %dma_start3A_216, %dma_start3A_217] : memref<2x64x128xf32, #tpu.memory_space<vmem>> -> memref<1x64x128xf32, #tpu.memory_space<vmem>>
    %dma_start3A_219 = tpu.memref_squeeze %dma_start3A_218 : memref<1x64x128xf32, #tpu.memory_space<vmem>> -> memref<64x128xf32, #tpu.memory_space<vmem>>
    tpu.enqueue_dma source(%dma_start3A_219 : memref<64x128xf32, #tpu.memory_space<vmem>>) target(%dma_start3A_215 : memref<64x128xf32, #tpu.memory_space<hbm>>) target_semaphore(%dma_start3A_213 : memref<!tpu.dma_semaphore, #tpu.memory_space<semaphore_mem>>)
    %add3A_220 = arith.constant 128 : i32
    %add3A_221 = arith.addi %mul3A_2, %add3A_220 : i32
    %dma_start3A_222 = arith.constant 0 : i32
    %dma_start3A_223 = arith.constant 0 : i32
    %dma_start3A_224 = arith.constant 0 : i32
    %dma_start3A_225 = arith.constant 0 : i32
    %dma_start3A_226 = arith.constant 0 : i32
    %dma_start3A_227 = arith.constant 0 : i32
    %dma_start3A_228 = tpu.memref_slice %arg6[%dma_start3A_222, %dma_start3A_223, %dma_start3A_225, %dma_start3A_226, %dma_start3A_227] : memref<2x3x64x1x128xf32, #tpu.memory_space<vmem>> -> memref<1x1x64x1x128xf32, #tpu.memory_space<vmem>>
    %dma_start3A_229 = tpu.memref_squeeze %dma_start3A_228 : memref<1x1x64x1x128xf32, #tpu.memory_space<vmem>> -> memref<64x1x128xf32, #tpu.memory_space<vmem>>
    %dma_start3A_230 = arith.constant 0 : i32
    %dma_start3A_231 = arith.constant 0 : i32
    %dma_start3A_232 = tpu.memref_slice %arg2[%add3A_221, %dma_start3A_230, %dma_start3A_231] : memref<16384x3x128xf32, #tpu.memory_space<hbm>> -> memref<64x1x128xf32, #tpu.memory_space<hbm>>
    %dma_start3A_233 = tpu.memref_slice %arg8[%dma_start3A_224] : memref<2x!tpu.dma_semaphore, #tpu.memory_space<semaphore_mem>> -> memref<1x!tpu.dma_semaphore, #tpu.memory_space<semaphore_mem>>
    %dma_start3A_234 = tpu.memref_squeeze %dma_start3A_233 : memref<1x!tpu.dma_semaphore, #tpu.memory_space<semaphore_mem>> -> memref<!tpu.dma_semaphore, #tpu.memory_space<semaphore_mem>>
    %dma_start3A_235 = arith.constant 0 : i32
    %dma_start3A_236 = arith.constant 0 : i32
    %dma_start3A_237 = arith.constant 0 : i32
    %dma_start3A_238 = tpu.memref_slice %arg6[%dma_start3A_222, %dma_start3A_223, %dma_start3A_235, %dma_start3A_236, %dma_start3A_237] : memref<2x3x64x1x128xf32, #tpu.memory_space<vmem>> -> memref<1x1x64x1x128xf32, #tpu.memory_space<vmem>>
    %dma_start3A_239 = tpu.memref_squeeze %dma_start3A_238 : memref<1x1x64x1x128xf32, #tpu.memory_space<vmem>> -> memref<64x1x128xf32, #tpu.memory_space<vmem>>
    %dma_start3A_240 = arith.constant 0 : i32
    %dma_start3A_241 = arith.constant 0 : i32
    %dma_start3A_242 = tpu.memref_slice %arg2[%add3A_221, %dma_start3A_240, %dma_start3A_241] : memref<16384x3x128xf32, #tpu.memory_space<hbm>> -> memref<64x1x128xf32, #tpu.memory_space<hbm>>
    tpu.enqueue_dma source(%dma_start3A_242 : memref<64x1x128xf32, #tpu.memory_space<hbm>>) target(%dma_start3A_239 : memref<64x1x128xf32, #tpu.memory_space<vmem>>) target_semaphore(%dma_start3A_234 : memref<!tpu.dma_semaphore, #tpu.memory_space<semaphore_mem>>)
    %add3A_243 = arith.constant 128 : i32
    %add3A_244 = arith.addi %mul3A_2, %add3A_243 : i32
    %dma_start3A_245 = arith.constant 0 : i32
    %dma_start3A_246 = arith.constant 1 : i32
    %dma_start3A_247 = arith.constant 0 : i32
    %dma_start3A_248 = arith.constant 0 : i32
    %dma_start3A_249 = arith.constant 0 : i32
    %dma_start3A_250 = arith.constant 0 : i32
    %dma_start3A_251 = tpu.memref_slice %arg6[%dma_start3A_245, %dma_start3A_246, %dma_start3A_248, %dma_start3A_249, %dma_start3A_250] : memref<2x3x64x1x128xf32, #tpu.memory_space<vmem>> -> memref<1x1x64x1x128xf32, #tpu.memory_space<vmem>>
    %dma_start3A_252 = tpu.memref_squeeze %dma_start3A_251 : memref<1x1x64x1x128xf32, #tpu.memory_space<vmem>> -> memref<64x1x128xf32, #tpu.memory_space<vmem>>
    %dma_start3A_253 = arith.constant 1 : i32
    %dma_start3A_254 = arith.constant 0 : i32
    %dma_start3A_255 = tpu.memref_slice %arg2[%add3A_244, %dma_start3A_253, %dma_start3A_254] : memref<16384x3x128xf32, #tpu.memory_space<hbm>> -> memref<64x1x128xf32, #tpu.memory_space<hbm>>
    %dma_start3A_256 = tpu.memref_slice %arg8[%dma_start3A_247] : memref<2x!tpu.dma_semaphore, #tpu.memory_space<semaphore_mem>> -> memref<1x!tpu.dma_semaphore, #tpu.memory_space<semaphore_mem>>
    %dma_start3A_257 = tpu.memref_squeeze %dma_start3A_256 : memref<1x!tpu.dma_semaphore, #tpu.memory_space<semaphore_mem>> -> memref<!tpu.dma_semaphore, #tpu.memory_space<semaphore_mem>>
    %dma_start3A_258 = arith.constant 0 : i32
    %dma_start3A_259 = arith.constant 0 : i32
    %dma_start3A_260 = arith.constant 0 : i32
    %dma_start3A_261 = tpu.memref_slice %arg6[%dma_start3A_245, %dma_start3A_246, %dma_start3A_258, %dma_start3A_259, %dma_start3A_260] : memref<2x3x64x1x128xf32, #tpu.memory_space<vmem>> -> memref<1x1x64x1x128xf32, #tpu.memory_space<vmem>>
    %dma_start3A_262 = tpu.memref_squeeze %dma_start3A_261 : memref<1x1x64x1x128xf32, #tpu.memory_space<vmem>> -> memref<64x1x128xf32, #tpu.memory_space<vmem>>
    %dma_start3A_263 = arith.constant 1 : i32
    %dma_start3A_264 = arith.constant 0 : i32
    %dma_start3A_265 = tpu.memref_slice %arg2[%add3A_244, %dma_start3A_263, %dma_start3A_264] : memref<16384x3x128xf32, #tpu.memory_space<hbm>> -> memref<64x1x128xf32, #tpu.memory_space<hbm>>
    tpu.enqueue_dma source(%dma_start3A_265 : memref<64x1x128xf32, #tpu.memory_space<hbm>>) target(%dma_start3A_262 : memref<64x1x128xf32, #tpu.memory_space<vmem>>) target_semaphore(%dma_start3A_257 : memref<!tpu.dma_semaphore, #tpu.memory_space<semaphore_mem>>)
    %add3A_266 = arith.constant 128 : i32
    %add3A_267 = arith.addi %mul3A_2, %add3A_266 : i32
    %dma_start3A_268 = arith.constant 0 : i32
    %dma_start3A_269 = arith.constant 2 : i32
    %dma_start3A_270 = arith.constant 0 : i32
    %dma_start3A_271 = arith.constant 0 : i32
    %dma_start3A_272 = arith.constant 0 : i32
    %dma_start3A_273 = arith.constant 0 : i32
    %dma_start3A_274 = tpu.memref_slice %arg6[%dma_start3A_268, %dma_start3A_269, %dma_start3A_271, %dma_start3A_272, %dma_start3A_273] : memref<2x3x64x1x128xf32, #tpu.memory_space<vmem>> -> memref<1x1x64x1x128xf32, #tpu.memory_space<vmem>>
    %dma_start3A_275 = tpu.memref_squeeze %dma_start3A_274 : memref<1x1x64x1x128xf32, #tpu.memory_space<vmem>> -> memref<64x1x128xf32, #tpu.memory_space<vmem>>
    %dma_start3A_276 = arith.constant 2 : i32
    %dma_start3A_277 = arith.constant 0 : i32
    %dma_start3A_278 = tpu.memref_slice %arg2[%add3A_267, %dma_start3A_276, %dma_start3A_277] : memref<16384x3x128xf32, #tpu.memory_space<hbm>> -> memref<64x1x128xf32, #tpu.memory_space<hbm>>
    %dma_start3A_279 = tpu.memref_slice %arg8[%dma_start3A_270] : memref<2x!tpu.dma_semaphore, #tpu.memory_space<semaphore_mem>> -> memref<1x!tpu.dma_semaphore, #tpu.memory_space<semaphore_mem>>
    %dma_start3A_280 = tpu.memref_squeeze %dma_start3A_279 : memref<1x!tpu.dma_semaphore, #tpu.memory_space<semaphore_mem>> -> memref<!tpu.dma_semaphore, #tpu.memory_space<semaphore_mem>>
    %dma_start3A_281 = arith.constant 0 : i32
    %dma_start3A_282 = arith.constant 0 : i32
    %dma_start3A_283 = arith.constant 0 : i32
    %dma_start3A_284 = tpu.memref_slice %arg6[%dma_start3A_268, %dma_start3A_269, %dma_start3A_281, %dma_start3A_282, %dma_start3A_283] : memref<2x3x64x1x128xf32, #tpu.memory_space<vmem>> -> memref<1x1x64x1x128xf32, #tpu.memory_space<vmem>>
    %dma_start3A_285 = tpu.memref_squeeze %dma_start3A_284 : memref<1x1x64x1x128xf32, #tpu.memory_space<vmem>> -> memref<64x1x128xf32, #tpu.memory_space<vmem>>
    %dma_start3A_286 = arith.constant 2 : i32
    %dma_start3A_287 = arith.constant 0 : i32
    %dma_start3A_288 = tpu.memref_slice %arg2[%add3A_267, %dma_start3A_286, %dma_start3A_287] : memref<16384x3x128xf32, #tpu.memory_space<hbm>> -> memref<64x1x128xf32, #tpu.memory_space<hbm>>
    tpu.enqueue_dma source(%dma_start3A_288 : memref<64x1x128xf32, #tpu.memory_space<hbm>>) target(%dma_start3A_285 : memref<64x1x128xf32, #tpu.memory_space<vmem>>) target_semaphore(%dma_start3A_280 : memref<!tpu.dma_semaphore, #tpu.memory_space<semaphore_mem>>)
    %dma_wait3A_289 = arith.constant 1 : i32
    %dma_wait3A_290 = arith.constant 0 : i32
    %dma_wait3A_291 = arith.constant 1 : i32
    %dma_wait3A_292 = arith.constant 0 : i32
    %dma_wait3A_293 = arith.constant 0 : i32
    %dma_wait3A_294 = arith.constant 0 : i32
    %dma_wait3A_295 = tpu.memref_slice %arg6[%dma_wait3A_289, %dma_wait3A_290, %dma_wait3A_292, %dma_wait3A_293, %dma_wait3A_294] : memref<2x3x64x1x128xf32, #tpu.memory_space<vmem>> -> memref<1x1x64x1x128xf32, #tpu.memory_space<vmem>>
    %dma_wait3A_296 = tpu.memref_squeeze %dma_wait3A_295 : memref<1x1x64x1x128xf32, #tpu.memory_space<vmem>> -> memref<64x1x128xf32, #tpu.memory_space<vmem>>
    %dma_wait3A_297 = arith.constant 0 : i32
    %dma_wait3A_298 = arith.constant 0 : i32
    %dma_wait3A_299 = tpu.memref_slice %arg2[%add3A_66, %dma_wait3A_297, %dma_wait3A_298] : memref<16384x3x128xf32, #tpu.memory_space<hbm>> -> memref<64x1x128xf32, #tpu.memory_space<hbm>>
    %dma_wait3A_300 = tpu.memref_slice %arg8[%dma_wait3A_291] : memref<2x!tpu.dma_semaphore, #tpu.memory_space<semaphore_mem>> -> memref<1x!tpu.dma_semaphore, #tpu.memory_space<semaphore_mem>>
    %dma_wait3A_301 = tpu.memref_squeeze %dma_wait3A_300 : memref<1x!tpu.dma_semaphore, #tpu.memory_space<semaphore_mem>> -> memref<!tpu.dma_semaphore, #tpu.memory_space<semaphore_mem>>
    %dma_wait3A_302 = arith.constant 0 : i32
    %dma_wait3A_303 = arith.constant 0 : i32
    %dma_wait3A_304 = arith.constant 0 : i32
    %dma_wait3A_305 = tpu.memref_slice %arg6[%dma_wait3A_289, %dma_wait3A_290, %dma_wait3A_302, %dma_wait3A_303, %dma_wait3A_304] : memref<2x3x64x1x128xf32, #tpu.memory_space<vmem>> -> memref<1x1x64x1x128xf32, #tpu.memory_space<vmem>>
    %dma_wait3A_306 = tpu.memref_squeeze %dma_wait3A_305 : memref<1x1x64x1x128xf32, #tpu.memory_space<vmem>> -> memref<64x1x128xf32, #tpu.memory_space<vmem>>
    %dma_wait3A_307 = arith.constant 0 : i32
    %dma_wait3A_308 = arith.constant 0 : i32
    %dma_wait3A_309 = tpu.memref_slice %arg2[%add3A_66, %dma_wait3A_307, %dma_wait3A_308] : memref<16384x3x128xf32, #tpu.memory_space<hbm>> -> memref<64x1x128xf32, #tpu.memory_space<hbm>>
    tpu.wait_dma2 semaphore(%dma_wait3A_301 : memref<!tpu.dma_semaphore, #tpu.memory_space<semaphore_mem>>) src(%dma_wait3A_309 : memref<64x1x128xf32, #tpu.memory_space<hbm>>) dst(%dma_wait3A_306 : memref<64x1x128xf32, #tpu.memory_space<vmem>>)
    %dma_wait3A_310 = arith.constant 1 : i32
    %dma_wait3A_311 = arith.constant 1 : i32
    %dma_wait3A_312 = arith.constant 1 : i32
    %dma_wait3A_313 = arith.constant 0 : i32
    %dma_wait3A_314 = arith.constant 0 : i32
    %dma_wait3A_315 = arith.constant 0 : i32
    %dma_wait3A_316 = tpu.memref_slice %arg6[%dma_wait3A_310, %dma_wait3A_311, %dma_wait3A_313, %dma_wait3A_314, %dma_wait3A_315] : memref<2x3x64x1x128xf32, #tpu.memory_space<vmem>> -> memref<1x1x64x1x128xf32, #tpu.memory_space<vmem>>
    %dma_wait3A_317 = tpu.memref_squeeze %dma_wait3A_316 : memref<1x1x64x1x128xf32, #tpu.memory_space<vmem>> -> memref<64x1x128xf32, #tpu.memory_space<vmem>>
    %dma_wait3A_318 = arith.constant 1 : i32
    %dma_wait3A_319 = arith.constant 0 : i32
    %dma_wait3A_320 = tpu.memref_slice %arg2[%add3A_89, %dma_wait3A_318, %dma_wait3A_319] : memref<16384x3x128xf32, #tpu.memory_space<hbm>> -> memref<64x1x128xf32, #tpu.memory_space<hbm>>
    %dma_wait3A_321 = tpu.memref_slice %arg8[%dma_wait3A_312] : memref<2x!tpu.dma_semaphore, #tpu.memory_space<semaphore_mem>> -> memref<1x!tpu.dma_semaphore, #tpu.memory_space<semaphore_mem>>
    %dma_wait3A_322 = tpu.memref_squeeze %dma_wait3A_321 : memref<1x!tpu.dma_semaphore, #tpu.memory_space<semaphore_mem>> -> memref<!tpu.dma_semaphore, #tpu.memory_space<semaphore_mem>>
    %dma_wait3A_323 = arith.constant 0 : i32
    %dma_wait3A_324 = arith.constant 0 : i32
    %dma_wait3A_325 = arith.constant 0 : i32
    %dma_wait3A_326 = tpu.memref_slice %arg6[%dma_wait3A_310, %dma_wait3A_311, %dma_wait3A_323, %dma_wait3A_324, %dma_wait3A_325] : memref<2x3x64x1x128xf32, #tpu.memory_space<vmem>> -> memref<1x1x64x1x128xf32, #tpu.memory_space<vmem>>
    %dma_wait3A_327 = tpu.memref_squeeze %dma_wait3A_326 : memref<1x1x64x1x128xf32, #tpu.memory_space<vmem>> -> memref<64x1x128xf32, #tpu.memory_space<vmem>>
    %dma_wait3A_328 = arith.constant 1 : i32
    %dma_wait3A_329 = arith.constant 0 : i32
    %dma_wait3A_330 = tpu.memref_slice %arg2[%add3A_89, %dma_wait3A_328, %dma_wait3A_329] : memref<16384x3x128xf32, #tpu.memory_space<hbm>> -> memref<64x1x128xf32, #tpu.memory_space<hbm>>
    tpu.wait_dma2 semaphore(%dma_wait3A_322 : memref<!tpu.dma_semaphore, #tpu.memory_space<semaphore_mem>>) src(%dma_wait3A_330 : memref<64x1x128xf32, #tpu.memory_space<hbm>>) dst(%dma_wait3A_327 : memref<64x1x128xf32, #tpu.memory_space<vmem>>)
    %dma_wait3A_331 = arith.constant 1 : i32
    %dma_wait3A_332 = arith.constant 2 : i32
    %dma_wait3A_333 = arith.constant 1 : i32
    %dma_wait3A_334 = arith.constant 0 : i32
    %dma_wait3A_335 = arith.constant 0 : i32
    %dma_wait3A_336 = arith.constant 0 : i32
    %dma_wait3A_337 = tpu.memref_slice %arg6[%dma_wait3A_331, %dma_wait3A_332, %dma_wait3A_334, %dma_wait3A_335, %dma_wait3A_336] : memref<2x3x64x1x128xf32, #tpu.memory_space<vmem>> -> memref<1x1x64x1x128xf32, #tpu.memory_space<vmem>>
    %dma_wait3A_338 = tpu.memref_squeeze %dma_wait3A_337 : memref<1x1x64x1x128xf32, #tpu.memory_space<vmem>> -> memref<64x1x128xf32, #tpu.memory_space<vmem>>
    %dma_wait3A_339 = arith.constant 2 : i32
    %dma_wait3A_340 = arith.constant 0 : i32
    %dma_wait3A_341 = tpu.memref_slice %arg2[%add3A_112, %dma_wait3A_339, %dma_wait3A_340] : memref<16384x3x128xf32, #tpu.memory_space<hbm>> -> memref<64x1x128xf32, #tpu.memory_space<hbm>>
    %dma_wait3A_342 = tpu.memref_slice %arg8[%dma_wait3A_333] : memref<2x!tpu.dma_semaphore, #tpu.memory_space<semaphore_mem>> -> memref<1x!tpu.dma_semaphore, #tpu.memory_space<semaphore_mem>>
    %dma_wait3A_343 = tpu.memref_squeeze %dma_wait3A_342 : memref<1x!tpu.dma_semaphore, #tpu.memory_space<semaphore_mem>> -> memref<!tpu.dma_semaphore, #tpu.memory_space<semaphore_mem>>
    %dma_wait3A_344 = arith.constant 0 : i32
    %dma_wait3A_345 = arith.constant 0 : i32
    %dma_wait3A_346 = arith.constant 0 : i32
    %dma_wait3A_347 = tpu.memref_slice %arg6[%dma_wait3A_331, %dma_wait3A_332, %dma_wait3A_344, %dma_wait3A_345, %dma_wait3A_346] : memref<2x3x64x1x128xf32, #tpu.memory_space<vmem>> -> memref<1x1x64x1x128xf32, #tpu.memory_space<vmem>>
    %dma_wait3A_348 = tpu.memref_squeeze %dma_wait3A_347 : memref<1x1x64x1x128xf32, #tpu.memory_space<vmem>> -> memref<64x1x128xf32, #tpu.memory_space<vmem>>
    %dma_wait3A_349 = arith.constant 2 : i32
    %dma_wait3A_350 = arith.constant 0 : i32
    %dma_wait3A_351 = tpu.memref_slice %arg2[%add3A_112, %dma_wait3A_349, %dma_wait3A_350] : memref<16384x3x128xf32, #tpu.memory_space<hbm>> -> memref<64x1x128xf32, #tpu.memory_space<hbm>>
    tpu.wait_dma2 semaphore(%dma_wait3A_343 : memref<!tpu.dma_semaphore, #tpu.memory_space<semaphore_mem>>) src(%dma_wait3A_351 : memref<64x1x128xf32, #tpu.memory_space<hbm>>) dst(%dma_wait3A_348 : memref<64x1x128xf32, #tpu.memory_space<vmem>>)
    %scan3A_352 = arith.constant 0 : i32
    %scan3A_353 = arith.constant 0 : i32
    %scan3A_354 = arith.constant 64 : i32
    %scan3A_355 = arith.addi %scan3A_353, %scan3A_354 : i32
    %scan3A_356 = arith.constant 1 : i32
    %scan3A_357 = scf.for %scan3A_1378 = %scan3A_353 to %scan3A_355 step %scan3A_356 iter_args(%scan3A_1379 = %scan3A_352) -> (i32)  : i32 {
      %add3A_1380 = arith.constant 64 : i32
      %add3A_1381 = arith.addi %add3A_1380, %scan3A_1378 : i32
      %get3A = arith.index_cast %add3A_1381 : i32 to index
      %get3A_1382 = tpu.vector_load %arg5[%get3A] {strides = array<i32>} : memref<528xi32, #tpu.memory_space<vmem>>, vector<16xi32>,
      %get3A_1383 = vector.shape_cast %get3A_1382 : vector<16xi32> to vector<16xi32>
      %slice3A = vector.extract_strided_slice %get3A_1383 {offsets = [0], sizes = [1], strides = [1]} : vector<16xi32> to vector<1xi32>
      %squeeze3A = vector.extract %slice3A[0] : i32 from vector<1xi32>
      %get3A_1384 = arith.constant 1 : i32
      %get3A_1385 = arith.constant 0 : i32
      %get3A_1386 = arith.index_cast %get3A_1384 : i32 to index
      %get3A_1387 = arith.index_cast %squeeze3A : i32 to index
      %get3A_1388 = arith.index_cast %scan3A_1378 : i32 to index
      %get3A_1389 = arith.index_cast %get3A_1385 : i32 to index
      %get3A_1390 = arith.constant 0 : index
      %get3A_1391 = tpu.vector_load %arg6[%get3A_1386, %get3A_1387, %get3A_1388, %get3A_1389, %get3A_1390] {strides = array<i32>} : memref<2x3x64x1x128xf32, #tpu.memory_space<vmem>>, vector<1x1x1x1x16xf32>,
      %get3A_1392 = vector.shape_cast %get3A_1391 : vector<1x1x1x1x16xf32> to vector<16xf32>
      %swap3A = arith.constant 1 : i32
      %swap3A_1393 = arith.index_cast %swap3A : i32 to index
      %swap3A_1394 = arith.index_cast %scan3A_1378 : i32 to index
      %swap3A_1395 = arith.constant 0 : index
      %swap3A_1396 = tpu.vector_load %arg7[%swap3A_1393, %swap3A_1394, %swap3A_1395] {strides = array<i32>} : memref<2x64x128xf32, #tpu.memory_space<vmem>>, vector<1x1x16xf32>,
      %swap3A_1397 = vector.shape_cast %swap3A_1396 : vector<1x1x16xf32> to vector<16xf32>
      %swap3A_1398 = vector.shape_cast %get3A_1392 : vector<16xf32> to vector<1x1x16xf32>
      tpu.vector_store %arg7[%swap3A_1393, %swap3A_1394, %swap3A_1395], %swap3A_1398 {strides = array<i32>} : memref<2x64x128xf32, #tpu.memory_space<vmem>>, vector<1x1x16xf32>,
      %get3A_1399 = arith.constant 1 : i32
      %get3A_1400 = arith.constant 0 : i32
      %get3A_1401 = arith.index_cast %get3A_1399 : i32 to index
      %get3A_1402 = arith.index_cast %squeeze3A : i32 to index
      %get3A_1403 = arith.index_cast %scan3A_1378 : i32 to index
      %get3A_1404 = arith.index_cast %get3A_1400 : i32 to index
      %get3A_1405 = arith.constant 16 : index
      %get3A_1406 = tpu.vector_load %arg6[%get3A_1401, %get3A_1402, %get3A_1403, %get3A_1404, %get3A_1405] {strides = array<i32>} : memref<2x3x64x1x128xf32, #tpu.memory_space<vmem>>, vector<1x1x1x1x16xf32>,
      %get3A_1407 = vector.shape_cast %get3A_1406 : vector<1x1x1x1x16xf32> to vector<16xf32>
      %swap3A_1408 = arith.constant 1 : i32
      %swap3A_1409 = arith.index_cast %swap3A_1408 : i32 to index
      %swap3A_1410 = arith.index_cast %scan3A_1378 : i32 to index
      %swap3A_1411 = arith.constant 16 : index
      %swap3A_1412 = tpu.vector_load %arg7[%swap3A_1409, %swap3A_1410, %swap3A_1411] {strides = array<i32>} : memref<2x64x128xf32, #tpu.memory_space<vmem>>, vector<1x1x16xf32>,
      %swap3A_1413 = vector.shape_cast %swap3A_1412 : vector<1x1x16xf32> to vector<16xf32>
      %swap3A_1414 = vector.shape_cast %get3A_1407 : vector<16xf32> to vector<1x1x16xf32>
      tpu.vector_store %arg7[%swap3A_1409, %swap3A_1410, %swap3A_1411], %swap3A_1414 {strides = array<i32>} : memref<2x64x128xf32, #tpu.memory_space<vmem>>, vector<1x1x16xf32>,
      %get3A_1415 = arith.constant 1 : i32
      %get3A_1416 = arith.constant 0 : i32
      %get3A_1417 = arith.index_cast %get3A_1415 : i32 to index
      %get3A_1418 = arith.index_cast %squeeze3A : i32 to index
      %get3A_1419 = arith.index_cast %scan3A_1378 : i32 to index
      %get3A_1420 = arith.index_cast %get3A_1416 : i32 to index
      %get3A_1421 = arith.constant 32 : index
      %get3A_1422 = tpu.vector_load %arg6[%get3A_1417, %get3A_1418, %get3A_1419, %get3A_1420, %get3A_1421] {strides = array<i32>} : memref<2x3x64x1x128xf32, #tpu.memory_space<vmem>>, vector<1x1x1x1x16xf32>,
      %get3A_1423 = vector.shape_cast %get3A_1422 : vector<1x1x1x1x16xf32> to vector<16xf32>
      %swap3A_1424 = arith.constant 1 : i32
      %swap3A_1425 = arith.index_cast %swap3A_1424 : i32 to index
      %swap3A_1426 = arith.index_cast %scan3A_1378 : i32 to index
      %swap3A_1427 = arith.constant 32 : index
      %swap3A_1428 = tpu.vector_load %arg7[%swap3A_1425, %swap3A_1426, %swap3A_1427] {strides = array<i32>} : memref<2x64x128xf32, #tpu.memory_space<vmem>>, vector<1x1x16xf32>,
      %swap3A_1429 = vector.shape_cast %swap3A_1428 : vector<1x1x16xf32> to vector<16xf32>
      %swap3A_1430 = vector.shape_cast %get3A_1423 : vector<16xf32> to vector<1x1x16xf32>
      tpu.vector_store %arg7[%swap3A_1425, %swap3A_1426, %swap3A_1427], %swap3A_1430 {strides = array<i32>} : memref<2x64x128xf32, #tpu.memory_space<vmem>>, vector<1x1x16xf32>,
      %get3A_1431 = arith.constant 1 : i32
      %get3A_1432 = arith.constant 0 : i32
      %get3A_1433 = arith.index_cast %get3A_1431 : i32 to index
      %get3A_1434 = arith.index_cast %squeeze3A : i32 to index
      %get3A_1435 = arith.index_cast %scan3A_1378 : i32 to index
      %get3A_1436 = arith.index_cast %get3A_1432 : i32 to index
      %get3A_1437 = arith.constant 48 : index
      %get3A_1438 = tpu.vector_load %arg6[%get3A_1433, %get3A_1434, %get3A_1435, %get3A_1436, %get3A_1437] {strides = array<i32>} : memref<2x3x64x1x128xf32, #tpu.memory_space<vmem>>, vector<1x1x1x1x16xf32>,
      %get3A_1439 = vector.shape_cast %get3A_1438 : vector<1x1x1x1x16xf32> to vector<16xf32>
      %swap3A_1440 = arith.constant 1 : i32
      %swap3A_1441 = arith.index_cast %swap3A_1440 : i32 to index
      %swap3A_1442 = arith.index_cast %scan3A_1378 : i32 to index
      %swap3A_1443 = arith.constant 48 : index
      %swap3A_1444 = tpu.vector_load %arg7[%swap3A_1441, %swap3A_1442, %swap3A_1443] {strides = array<i32>} : memref<2x64x128xf32, #tpu.memory_space<vmem>>, vector<1x1x16xf32>,
      %swap3A_1445 = vector.shape_cast %swap3A_1444 : vector<1x1x16xf32> to vector<16xf32>
      %swap3A_1446 = vector.shape_cast %get3A_1439 : vector<16xf32> to vector<1x1x16xf32>
      tpu.vector_store %arg7[%swap3A_1441, %swap3A_1442, %swap3A_1443], %swap3A_1446 {strides = array<i32>} : memref<2x64x128xf32, #tpu.memory_space<vmem>>, vector<1x1x16xf32>,
      %get3A_1447 = arith.constant 1 : i32
      %get3A_1448 = arith.constant 0 : i32
      %get3A_1449 = arith.index_cast %get3A_1447 : i32 to index
      %get3A_1450 = arith.index_cast %squeeze3A : i32 to index
      %get3A_1451 = arith.index_cast %scan3A_1378 : i32 to index
      %get3A_1452 = arith.index_cast %get3A_1448 : i32 to index
      %get3A_1453 = arith.constant 64 : index
      %get3A_1454 = tpu.vector_load %arg6[%get3A_1449, %get3A_1450, %get3A_1451, %get3A_1452, %get3A_1453] {strides = array<i32>} : memref<2x3x64x1x128xf32, #tpu.memory_space<vmem>>, vector<1x1x1x1x16xf32>,
      %get3A_1455 = vector.shape_cast %get3A_1454 : vector<1x1x1x1x16xf32> to vector<16xf32>
      %swap3A_1456 = arith.constant 1 : i32
      %swap3A_1457 = arith.index_cast %swap3A_1456 : i32 to index
      %swap3A_1458 = arith.index_cast %scan3A_1378 : i32 to index
      %swap3A_1459 = arith.constant 64 : index
      %swap3A_1460 = tpu.vector_load %arg7[%swap3A_1457, %swap3A_1458, %swap3A_1459] {strides = array<i32>} : memref<2x64x128xf32, #tpu.memory_space<vmem>>, vector<1x1x16xf32>,
      %swap3A_1461 = vector.shape_cast %swap3A_1460 : vector<1x1x16xf32> to vector<16xf32>
      %swap3A_1462 = vector.shape_cast %get3A_1455 : vector<16xf32> to vector<1x1x16xf32>
      tpu.vector_store %arg7[%swap3A_1457, %swap3A_1458, %swap3A_1459], %swap3A_1462 {strides = array<i32>} : memref<2x64x128xf32, #tpu.memory_space<vmem>>, vector<1x1x16xf32>,
      %get3A_1463 = arith.constant 1 : i32
      %get3A_1464 = arith.constant 0 : i32
      %get3A_1465 = arith.index_cast %get3A_1463 : i32 to index
      %get3A_1466 = arith.index_cast %squeeze3A : i32 to index
      %get3A_1467 = arith.index_cast %scan3A_1378 : i32 to index
      %get3A_1468 = arith.index_cast %get3A_1464 : i32 to index
      %get3A_1469 = arith.constant 80 : index
      %get3A_1470 = tpu.vector_load %arg6[%get3A_1465, %get3A_1466, %get3A_1467, %get3A_1468, %get3A_1469] {strides = array<i32>} : memref<2x3x64x1x128xf32, #tpu.memory_space<vmem>>, vector<1x1x1x1x16xf32>,
      %get3A_1471 = vector.shape_cast %get3A_1470 : vector<1x1x1x1x16xf32> to vector<16xf32>
      %swap3A_1472 = arith.constant 1 : i32
      %swap3A_1473 = arith.index_cast %swap3A_1472 : i32 to index
      %swap3A_1474 = arith.index_cast %scan3A_1378 : i32 to index
      %swap3A_1475 = arith.constant 80 : index
      %swap3A_1476 = tpu.vector_load %arg7[%swap3A_1473, %swap3A_1474, %swap3A_1475] {strides = array<i32>} : memref<2x64x128xf32, #tpu.memory_space<vmem>>, vector<1x1x16xf32>,
      %swap3A_1477 = vector.shape_cast %swap3A_1476 : vector<1x1x16xf32> to vector<16xf32>
      %swap3A_1478 = vector.shape_cast %get3A_1471 : vector<16xf32> to vector<1x1x16xf32>
      tpu.vector_store %arg7[%swap3A_1473, %swap3A_1474, %swap3A_1475], %swap3A_1478 {strides = array<i32>} : memref<2x64x128xf32, #tpu.memory_space<vmem>>, vector<1x1x16xf32>,
      %get3A_1479 = arith.constant 1 : i32
      %get3A_1480 = arith.constant 0 : i32
      %get3A_1481 = arith.index_cast %get3A_1479 : i32 to index
      %get3A_1482 = arith.index_cast %squeeze3A : i32 to index
      %get3A_1483 = arith.index_cast %scan3A_1378 : i32 to index
      %get3A_1484 = arith.index_cast %get3A_1480 : i32 to index
      %get3A_1485 = arith.constant 96 : index
      %get3A_1486 = tpu.vector_load %arg6[%get3A_1481, %get3A_1482, %get3A_1483, %get3A_1484, %get3A_1485] {strides = array<i32>} : memref<2x3x64x1x128xf32, #tpu.memory_space<vmem>>, vector<1x1x1x1x16xf32>,
      %get3A_1487 = vector.shape_cast %get3A_1486 : vector<1x1x1x1x16xf32> to vector<16xf32>
      %swap3A_1488 = arith.constant 1 : i32
      %swap3A_1489 = arith.index_cast %swap3A_1488 : i32 to index
      %swap3A_1490 = arith.index_cast %scan3A_1378 : i32 to index
      %swap3A_1491 = arith.constant 96 : index
      %swap3A_1492 = tpu.vector_load %arg7[%swap3A_1489, %swap3A_1490, %swap3A_1491] {strides = array<i32>} : memref<2x64x128xf32, #tpu.memory_space<vmem>>, vector<1x1x16xf32>,
      %swap3A_1493 = vector.shape_cast %swap3A_1492 : vector<1x1x16xf32> to vector<16xf32>
      %swap3A_1494 = vector.shape_cast %get3A_1487 : vector<16xf32> to vector<1x1x16xf32>
      tpu.vector_store %arg7[%swap3A_1489, %swap3A_1490, %swap3A_1491], %swap3A_1494 {strides = array<i32>} : memref<2x64x128xf32, #tpu.memory_space<vmem>>, vector<1x1x16xf32>,
      %get3A_1495 = arith.constant 1 : i32
      %get3A_1496 = arith.constant 0 : i32
      %get3A_1497 = arith.index_cast %get3A_1495 : i32 to index
      %get3A_1498 = arith.index_cast %squeeze3A : i32 to index
      %get3A_1499 = arith.index_cast %scan3A_1378 : i32 to index
      %get3A_1500 = arith.index_cast %get3A_1496 : i32 to index
      %get3A_1501 = arith.constant 112 : index
      %get3A_1502 = tpu.vector_load %arg6[%get3A_1497, %get3A_1498, %get3A_1499, %get3A_1500, %get3A_1501] {strides = array<i32>} : memref<2x3x64x1x128xf32, #tpu.memory_space<vmem>>, vector<1x1x1x1x16xf32>,
      %get3A_1503 = vector.shape_cast %get3A_1502 : vector<1x1x1x1x16xf32> to vector<16xf32>
      %swap3A_1504 = arith.constant 1 : i32
      %swap3A_1505 = arith.index_cast %swap3A_1504 : i32 to index
      %swap3A_1506 = arith.index_cast %scan3A_1378 : i32 to index
      %swap3A_1507 = arith.constant 112 : index
      %swap3A_1508 = tpu.vector_load %arg7[%swap3A_1505, %swap3A_1506, %swap3A_1507] {strides = array<i32>} : memref<2x64x128xf32, #tpu.memory_space<vmem>>, vector<1x1x16xf32>,
      %swap3A_1509 = vector.shape_cast %swap3A_1508 : vector<1x1x16xf32> to vector<16xf32>
      %swap3A_1510 = vector.shape_cast %get3A_1503 : vector<16xf32> to vector<1x1x16xf32>
      tpu.vector_store %arg7[%swap3A_1505, %swap3A_1506, %swap3A_1507], %swap3A_1510 {strides = array<i32>} : memref<2x64x128xf32, #tpu.memory_space<vmem>>, vector<1x1x16xf32>,
      %scan3A_1511 = arith.constant 0 : i32
      scf.yield %scan3A_1511 : i32
    }
    %scan3A_358 = arith.constant 64 : i32
    %add3A_359 = arith.constant 64 : i32
    %add3A_360 = arith.addi %mul3A_2, %add3A_359 : i32
    %dma_start3A_361 = arith.constant 1 : i32
    %dma_start3A_362 = arith.constant 1 : i32
    %dma_start3A_363 = arith.constant 0 : i32
    %dma_start3A_364 = arith.constant 0 : i32
    %dma_start3A_365 = tpu.memref_slice %arg7[%dma_start3A_361, %dma_start3A_363, %dma_start3A_364] : memref<2x64x128xf32, #tpu.memory_space<vmem>> -> memref<1x64x128xf32, #tpu.memory_space<vmem>>
    %dma_start3A_366 = tpu.memref_squeeze %dma_start3A_365 : memref<1x64x128xf32, #tpu.memory_space<vmem>> -> memref<64x128xf32, #tpu.memory_space<vmem>>
    %dma_start3A_367 = arith.constant 0 : i32
    %dma_start3A_368 = tpu.memref_slice %arg4[%add3A_360, %dma_start3A_367] : memref<16384x128xf32, #tpu.memory_space<hbm>> -> memref<64x128xf32, #tpu.memory_space<hbm>>
    %dma_start3A_369 = tpu.memref_slice %arg9[%dma_start3A_362] : memref<2x!tpu.dma_semaphore, #tpu.memory_space<semaphore_mem>> -> memref<1x!tpu.dma_semaphore, #tpu.memory_space<semaphore_mem>>
    %dma_start3A_370 = tpu.memref_squeeze %dma_start3A_369 : memref<1x!tpu.dma_semaphore, #tpu.memory_space<semaphore_mem>> -> memref<!tpu.dma_semaphore, #tpu.memory_space<semaphore_mem>>
    %dma_start3A_371 = arith.constant 0 : i32
    %dma_start3A_372 = tpu.memref_slice %arg4[%add3A_360, %dma_start3A_371] : memref<16384x128xf32, #tpu.memory_space<hbm>> -> memref<64x128xf32, #tpu.memory_space<hbm>>
    %dma_start3A_373 = arith.constant 0 : i32
    %dma_start3A_374 = arith.constant 0 : i32
    %dma_start3A_375 = tpu.memref_slice %arg7[%dma_start3A_361, %dma_start3A_373, %dma_start3A_374] : memref<2x64x128xf32, #tpu.memory_space<vmem>> -> memref<1x64x128xf32, #tpu.memory_space<vmem>>
    %dma_start3A_376 = tpu.memref_squeeze %dma_start3A_375 : memref<1x64x128xf32, #tpu.memory_space<vmem>> -> memref<64x128xf32, #tpu.memory_space<vmem>>
    tpu.enqueue_dma source(%dma_start3A_376 : memref<64x128xf32, #tpu.memory_space<vmem>>) target(%dma_start3A_372 : memref<64x128xf32, #tpu.memory_space<hbm>>) target_semaphore(%dma_start3A_370 : memref<!tpu.dma_semaphore, #tpu.memory_space<semaphore_mem>>)
    %add3A_377 = arith.constant 192 : i32
    %add3A_378 = arith.addi %mul3A_2, %add3A_377 : i32
    %dma_start3A_379 = arith.constant 1 : i32
    %dma_start3A_380 = arith.constant 0 : i32
    %dma_start3A_381 = arith.constant 1 : i32
    %dma_start3A_382 = arith.constant 0 : i32
    %dma_start3A_383 = arith.constant 0 : i32
    %dma_start3A_384 = arith.constant 0 : i32
    %dma_start3A_385 = tpu.memref_slice %arg6[%dma_start3A_379, %dma_start3A_380, %dma_start3A_382, %dma_start3A_383, %dma_start3A_384] : memref<2x3x64x1x128xf32, #tpu.memory_space<vmem>> -> memref<1x1x64x1x128xf32, #tpu.memory_space<vmem>>
    %dma_start3A_386 = tpu.memref_squeeze %dma_start3A_385 : memref<1x1x64x1x128xf32, #tpu.memory_space<vmem>> -> memref<64x1x128xf32, #tpu.memory_space<vmem>>
    %dma_start3A_387 = arith.constant 0 : i32
    %dma_start3A_388 = arith.constant 0 : i32
    %dma_start3A_389 = tpu.memref_slice %arg2[%add3A_378, %dma_start3A_387, %dma_start3A_388] : memref<16384x3x128xf32, #tpu.memory_space<hbm>> -> memref<64x1x128xf32, #tpu.memory_space<hbm>>
    %dma_start3A_390 = tpu.memref_slice %arg8[%dma_start3A_381] : memref<2x!tpu.dma_semaphore, #tpu.memory_space<semaphore_mem>> -> memref<1x!tpu.dma_semaphore, #tpu.memory_space<semaphore_mem>>
    %dma_start3A_391 = tpu.memref_squeeze %dma_start3A_390 : memref<1x!tpu.dma_semaphore, #tpu.memory_space<semaphore_mem>> -> memref<!tpu.dma_semaphore, #tpu.memory_space<semaphore_mem>>
    %dma_start3A_392 = arith.constant 0 : i32
    %dma_start3A_393 = arith.constant 0 : i32
    %dma_start3A_394 = arith.constant 0 : i32
    %dma_start3A_395 = tpu.memref_slice %arg6[%dma_start3A_379, %dma_start3A_380, %dma_start3A_392, %dma_start3A_393, %dma_start3A_394] : memref<2x3x64x1x128xf32, #tpu.memory_space<vmem>> -> memref<1x1x64x1x128xf32, #tpu.memory_space<vmem>>
    %dma_start3A_396 = tpu.memref_squeeze %dma_start3A_395 : memref<1x1x64x1x128xf32, #tpu.memory_space<vmem>> -> memref<64x1x128xf32, #tpu.memory_space<vmem>>
    %dma_start3A_397 = arith.constant 0 : i32
    %dma_start3A_398 = arith.constant 0 : i32
    %dma_start3A_399 = tpu.memref_slice %arg2[%add3A_378, %dma_start3A_397, %dma_start3A_398] : memref<16384x3x128xf32, #tpu.memory_space<hbm>> -> memref<64x1x128xf32, #tpu.memory_space<hbm>>
    tpu.enqueue_dma source(%dma_start3A_399 : memref<64x1x128xf32, #tpu.memory_space<hbm>>) target(%dma_start3A_396 : memref<64x1x128xf32, #tpu.memory_space<vmem>>) target_semaphore(%dma_start3A_391 : memref<!tpu.dma_semaphore, #tpu.memory_space<semaphore_mem>>)
    %add3A_400 = arith.constant 192 : i32
    %add3A_401 = arith.addi %mul3A_2, %add3A_400 : i32
    %dma_start3A_402 = arith.constant 1 : i32
    %dma_start3A_403 = arith.constant 1 : i32
    %dma_start3A_404 = arith.constant 1 : i32
    %dma_start3A_405 = arith.constant 0 : i32
    %dma_start3A_406 = arith.constant 0 : i32
    %dma_start3A_407 = arith.constant 0 : i32
    %dma_start3A_408 = tpu.memref_slice %arg6[%dma_start3A_402, %dma_start3A_403, %dma_start3A_405, %dma_start3A_406, %dma_start3A_407] : memref<2x3x64x1x128xf32, #tpu.memory_space<vmem>> -> memref<1x1x64x1x128xf32, #tpu.memory_space<vmem>>
    %dma_start3A_409 = tpu.memref_squeeze %dma_start3A_408 : memref<1x1x64x1x128xf32, #tpu.memory_space<vmem>> -> memref<64x1x128xf32, #tpu.memory_space<vmem>>
    %dma_start3A_410 = arith.constant 1 : i32
    %dma_start3A_411 = arith.constant 0 : i32
    %dma_start3A_412 = tpu.memref_slice %arg2[%add3A_401, %dma_start3A_410, %dma_start3A_411] : memref<16384x3x128xf32, #tpu.memory_space<hbm>> -> memref<64x1x128xf32, #tpu.memory_space<hbm>>
    %dma_start3A_413 = tpu.memref_slice %arg8[%dma_start3A_404] : memref<2x!tpu.dma_semaphore, #tpu.memory_space<semaphore_mem>> -> memref<1x!tpu.dma_semaphore, #tpu.memory_space<semaphore_mem>>
    %dma_start3A_414 = tpu.memref_squeeze %dma_start3A_413 : memref<1x!tpu.dma_semaphore, #tpu.memory_space<semaphore_mem>> -> memref<!tpu.dma_semaphore, #tpu.memory_space<semaphore_mem>>
    %dma_start3A_415 = arith.constant 0 : i32
    %dma_start3A_416 = arith.constant 0 : i32
    %dma_start3A_417 = arith.constant 0 : i32
    %dma_start3A_418 = tpu.memref_slice %arg6[%dma_start3A_402, %dma_start3A_403, %dma_start3A_415, %dma_start3A_416, %dma_start3A_417] : memref<2x3x64x1x128xf32, #tpu.memory_space<vmem>> -> memref<1x1x64x1x128xf32, #tpu.memory_space<vmem>>
    %dma_start3A_419 = tpu.memref_squeeze %dma_start3A_418 : memref<1x1x64x1x128xf32, #tpu.memory_space<vmem>> -> memref<64x1x128xf32, #tpu.memory_space<vmem>>
    %dma_start3A_420 = arith.constant 1 : i32
    %dma_start3A_421 = arith.constant 0 : i32
    %dma_start3A_422 = tpu.memref_slice %arg2[%add3A_401, %dma_start3A_420, %dma_start3A_421] : memref<16384x3x128xf32, #tpu.memory_space<hbm>> -> memref<64x1x128xf32, #tpu.memory_space<hbm>>
    tpu.enqueue_dma source(%dma_start3A_422 : memref<64x1x128xf32, #tpu.memory_space<hbm>>) target(%dma_start3A_419 : memref<64x1x128xf32, #tpu.memory_space<vmem>>) target_semaphore(%dma_start3A_414 : memref<!tpu.dma_semaphore, #tpu.memory_space<semaphore_mem>>)
    %add3A_423 = arith.constant 192 : i32
    %add3A_424 = arith.addi %mul3A_2, %add3A_423 : i32
    %dma_start3A_425 = arith.constant 1 : i32
    %dma_start3A_426 = arith.constant 2 : i32
    %dma_start3A_427 = arith.constant 1 : i32
    %dma_start3A_428 = arith.constant 0 : i32
    %dma_start3A_429 = arith.constant 0 : i32
    %dma_start3A_430 = arith.constant 0 : i32
    %dma_start3A_431 = tpu.memref_slice %arg6[%dma_start3A_425, %dma_start3A_426, %dma_start3A_428, %dma_start3A_429, %dma_start3A_430] : memref<2x3x64x1x128xf32, #tpu.memory_space<vmem>> -> memref<1x1x64x1x128xf32, #tpu.memory_space<vmem>>
    %dma_start3A_432 = tpu.memref_squeeze %dma_start3A_431 : memref<1x1x64x1x128xf32, #tpu.memory_space<vmem>> -> memref<64x1x128xf32, #tpu.memory_space<vmem>>
    %dma_start3A_433 = arith.constant 2 : i32
    %dma_start3A_434 = arith.constant 0 : i32
    %dma_start3A_435 = tpu.memref_slice %arg2[%add3A_424, %dma_start3A_433, %dma_start3A_434] : memref<16384x3x128xf32, #tpu.memory_space<hbm>> -> memref<64x1x128xf32, #tpu.memory_space<hbm>>
    %dma_start3A_436 = tpu.memref_slice %arg8[%dma_start3A_427] : memref<2x!tpu.dma_semaphore, #tpu.memory_space<semaphore_mem>> -> memref<1x!tpu.dma_semaphore, #tpu.memory_space<semaphore_mem>>
    %dma_start3A_437 = tpu.memref_squeeze %dma_start3A_436 : memref<1x!tpu.dma_semaphore, #tpu.memory_space<semaphore_mem>> -> memref<!tpu.dma_semaphore, #tpu.memory_space<semaphore_mem>>
    %dma_start3A_438 = arith.constant 0 : i32
    %dma_start3A_439 = arith.constant 0 : i32
    %dma_start3A_440 = arith.constant 0 : i32
    %dma_start3A_441 = tpu.memref_slice %arg6[%dma_start3A_425, %dma_start3A_426, %dma_start3A_438, %dma_start3A_439, %dma_start3A_440] : memref<2x3x64x1x128xf32, #tpu.memory_space<vmem>> -> memref<1x1x64x1x128xf32, #tpu.memory_space<vmem>>
    %dma_start3A_442 = tpu.memref_squeeze %dma_start3A_441 : memref<1x1x64x1x128xf32, #tpu.memory_space<vmem>> -> memref<64x1x128xf32, #tpu.memory_space<vmem>>
    %dma_start3A_443 = arith.constant 2 : i32
    %dma_start3A_444 = arith.constant 0 : i32
    %dma_start3A_445 = tpu.memref_slice %arg2[%add3A_424, %dma_start3A_443, %dma_start3A_444] : memref<16384x3x128xf32, #tpu.memory_space<hbm>> -> memref<64x1x128xf32, #tpu.memory_space<hbm>>
    tpu.enqueue_dma source(%dma_start3A_445 : memref<64x1x128xf32, #tpu.memory_space<hbm>>) target(%dma_start3A_442 : memref<64x1x128xf32, #tpu.memory_space<vmem>>) target_semaphore(%dma_start3A_437 : memref<!tpu.dma_semaphore, #tpu.memory_space<semaphore_mem>>)
    %dma_wait3A_446 = arith.constant 0 : i32
    %dma_wait3A_447 = arith.constant 0 : i32
    %dma_wait3A_448 = arith.constant 0 : i32
    %dma_wait3A_449 = arith.constant 0 : i32
    %dma_wait3A_450 = arith.constant 0 : i32
    %dma_wait3A_451 = arith.constant 0 : i32
    %dma_wait3A_452 = tpu.memref_slice %arg6[%dma_wait3A_446, %dma_wait3A_447, %dma_wait3A_449, %dma_wait3A_450, %dma_wait3A_451] : memref<2x3x64x1x128xf32, #tpu.memory_space<vmem>> -> memref<1x1x64x1x128xf32, #tpu.memory_space<vmem>>
    %dma_wait3A_453 = tpu.memref_squeeze %dma_wait3A_452 : memref<1x1x64x1x128xf32, #tpu.memory_space<vmem>> -> memref<64x1x128xf32, #tpu.memory_space<vmem>>
    %dma_wait3A_454 = arith.constant 0 : i32
    %dma_wait3A_455 = arith.constant 0 : i32
    %dma_wait3A_456 = tpu.memref_slice %arg2[%add3A_221, %dma_wait3A_454, %dma_wait3A_455] : memref<16384x3x128xf32, #tpu.memory_space<hbm>> -> memref<64x1x128xf32, #tpu.memory_space<hbm>>
    %dma_wait3A_457 = tpu.memref_slice %arg8[%dma_wait3A_448] : memref<2x!tpu.dma_semaphore, #tpu.memory_space<semaphore_mem>> -> memref<1x!tpu.dma_semaphore, #tpu.memory_space<semaphore_mem>>
    %dma_wait3A_458 = tpu.memref_squeeze %dma_wait3A_457 : memref<1x!tpu.dma_semaphore, #tpu.memory_space<semaphore_mem>> -> memref<!tpu.dma_semaphore, #tpu.memory_space<semaphore_mem>>
    %dma_wait3A_459 = arith.constant 0 : i32
    %dma_wait3A_460 = arith.constant 0 : i32
    %dma_wait3A_461 = arith.constant 0 : i32
    %dma_wait3A_462 = tpu.memref_slice %arg6[%dma_wait3A_446, %dma_wait3A_447, %dma_wait3A_459, %dma_wait3A_460, %dma_wait3A_461] : memref<2x3x64x1x128xf32, #tpu.memory_space<vmem>> -> memref<1x1x64x1x128xf32, #tpu.memory_space<vmem>>
    %dma_wait3A_463 = tpu.memref_squeeze %dma_wait3A_462 : memref<1x1x64x1x128xf32, #tpu.memory_space<vmem>> -> memref<64x1x128xf32, #tpu.memory_space<vmem>>
    %dma_wait3A_464 = arith.constant 0 : i32
    %dma_wait3A_465 = arith.constant 0 : i32
    %dma_wait3A_466 = tpu.memref_slice %arg2[%add3A_221, %dma_wait3A_464, %dma_wait3A_465] : memref<16384x3x128xf32, #tpu.memory_space<hbm>> -> memref<64x1x128xf32, #tpu.memory_space<hbm>>
    tpu.wait_dma2 semaphore(%dma_wait3A_458 : memref<!tpu.dma_semaphore, #tpu.memory_space<semaphore_mem>>) src(%dma_wait3A_466 : memref<64x1x128xf32, #tpu.memory_space<hbm>>) dst(%dma_wait3A_463 : memref<64x1x128xf32, #tpu.memory_space<vmem>>)
    %dma_wait3A_467 = arith.constant 0 : i32
    %dma_wait3A_468 = arith.constant 1 : i32
    %dma_wait3A_469 = arith.constant 0 : i32
    %dma_wait3A_470 = arith.constant 0 : i32
    %dma_wait3A_471 = arith.constant 0 : i32
    %dma_wait3A_472 = arith.constant 0 : i32
    %dma_wait3A_473 = tpu.memref_slice %arg6[%dma_wait3A_467, %dma_wait3A_468, %dma_wait3A_470, %dma_wait3A_471, %dma_wait3A_472] : memref<2x3x64x1x128xf32, #tpu.memory_space<vmem>> -> memref<1x1x64x1x128xf32, #tpu.memory_space<vmem>>
    %dma_wait3A_474 = tpu.memref_squeeze %dma_wait3A_473 : memref<1x1x64x1x128xf32, #tpu.memory_space<vmem>> -> memref<64x1x128xf32, #tpu.memory_space<vmem>>
    %dma_wait3A_475 = arith.constant 1 : i32
    %dma_wait3A_476 = arith.constant 0 : i32
    %dma_wait3A_477 = tpu.memref_slice %arg2[%add3A_244, %dma_wait3A_475, %dma_wait3A_476] : memref<16384x3x128xf32, #tpu.memory_space<hbm>> -> memref<64x1x128xf32, #tpu.memory_space<hbm>>
    %dma_wait3A_478 = tpu.memref_slice %arg8[%dma_wait3A_469] : memref<2x!tpu.dma_semaphore, #tpu.memory_space<semaphore_mem>> -> memref<1x!tpu.dma_semaphore, #tpu.memory_space<semaphore_mem>>
    %dma_wait3A_479 = tpu.memref_squeeze %dma_wait3A_478 : memref<1x!tpu.dma_semaphore, #tpu.memory_space<semaphore_mem>> -> memref<!tpu.dma_semaphore, #tpu.memory_space<semaphore_mem>>
    %dma_wait3A_480 = arith.constant 0 : i32
    %dma_wait3A_481 = arith.constant 0 : i32
    %dma_wait3A_482 = arith.constant 0 : i32
    %dma_wait3A_483 = tpu.memref_slice %arg6[%dma_wait3A_467, %dma_wait3A_468, %dma_wait3A_480, %dma_wait3A_481, %dma_wait3A_482] : memref<2x3x64x1x128xf32, #tpu.memory_space<vmem>> -> memref<1x1x64x1x128xf32, #tpu.memory_space<vmem>>
    %dma_wait3A_484 = tpu.memref_squeeze %dma_wait3A_483 : memref<1x1x64x1x128xf32, #tpu.memory_space<vmem>> -> memref<64x1x128xf32, #tpu.memory_space<vmem>>
    %dma_wait3A_485 = arith.constant 1 : i32
    %dma_wait3A_486 = arith.constant 0 : i32
    %dma_wait3A_487 = tpu.memref_slice %arg2[%add3A_244, %dma_wait3A_485, %dma_wait3A_486] : memref<16384x3x128xf32, #tpu.memory_space<hbm>> -> memref<64x1x128xf32, #tpu.memory_space<hbm>>
    tpu.wait_dma2 semaphore(%dma_wait3A_479 : memref<!tpu.dma_semaphore, #tpu.memory_space<semaphore_mem>>) src(%dma_wait3A_487 : memref<64x1x128xf32, #tpu.memory_space<hbm>>) dst(%dma_wait3A_484 : memref<64x1x128xf32, #tpu.memory_space<vmem>>)
    %dma_wait3A_488 = arith.constant 0 : i32
    %dma_wait3A_489 = arith.constant 2 : i32
    %dma_wait3A_490 = arith.constant 0 : i32
    %dma_wait3A_491 = arith.constant 0 : i32
    %dma_wait3A_492 = arith.constant 0 : i32
    %dma_wait3A_493 = arith.constant 0 : i32
    %dma_wait3A_494 = tpu.memref_slice %arg6[%dma_wait3A_488, %dma_wait3A_489, %dma_wait3A_491, %dma_wait3A_492, %dma_wait3A_493] : memref<2x3x64x1x128xf32, #tpu.memory_space<vmem>> -> memref<1x1x64x1x128xf32, #tpu.memory_space<vmem>>
    %dma_wait3A_495 = tpu.memref_squeeze %dma_wait3A_494 : memref<1x1x64x1x128xf32, #tpu.memory_space<vmem>> -> memref<64x1x128xf32, #tpu.memory_space<vmem>>
    %dma_wait3A_496 = arith.constant 2 : i32
    %dma_wait3A_497 = arith.constant 0 : i32
    %dma_wait3A_498 = tpu.memref_slice %arg2[%add3A_267, %dma_wait3A_496, %dma_wait3A_497] : memref<16384x3x128xf32, #tpu.memory_space<hbm>> -> memref<64x1x128xf32, #tpu.memory_space<hbm>>
    %dma_wait3A_499 = tpu.memref_slice %arg8[%dma_wait3A_490] : memref<2x!tpu.dma_semaphore, #tpu.memory_space<semaphore_mem>> -> memref<1x!tpu.dma_semaphore, #tpu.memory_space<semaphore_mem>>
    %dma_wait3A_500 = tpu.memref_squeeze %dma_wait3A_499 : memref<1x!tpu.dma_semaphore, #tpu.memory_space<semaphore_mem>> -> memref<!tpu.dma_semaphore, #tpu.memory_space<semaphore_mem>>
    %dma_wait3A_501 = arith.constant 0 : i32
    %dma_wait3A_502 = arith.constant 0 : i32
    %dma_wait3A_503 = arith.constant 0 : i32
    %dma_wait3A_504 = tpu.memref_slice %arg6[%dma_wait3A_488, %dma_wait3A_489, %dma_wait3A_501, %dma_wait3A_502, %dma_wait3A_503] : memref<2x3x64x1x128xf32, #tpu.memory_space<vmem>> -> memref<1x1x64x1x128xf32, #tpu.memory_space<vmem>>
    %dma_wait3A_505 = tpu.memref_squeeze %dma_wait3A_504 : memref<1x1x64x1x128xf32, #tpu.memory_space<vmem>> -> memref<64x1x128xf32, #tpu.memory_space<vmem>>
    %dma_wait3A_506 = arith.constant 2 : i32
    %dma_wait3A_507 = arith.constant 0 : i32
    %dma_wait3A_508 = tpu.memref_slice %arg2[%add3A_267, %dma_wait3A_506, %dma_wait3A_507] : memref<16384x3x128xf32, #tpu.memory_space<hbm>> -> memref<64x1x128xf32, #tpu.memory_space<hbm>>
    tpu.wait_dma2 semaphore(%dma_wait3A_500 : memref<!tpu.dma_semaphore, #tpu.memory_space<semaphore_mem>>) src(%dma_wait3A_508 : memref<64x1x128xf32, #tpu.memory_space<hbm>>) dst(%dma_wait3A_505 : memref<64x1x128xf32, #tpu.memory_space<vmem>>)
    %dma_wait3A_509 = arith.constant 0 : i32
    %dma_wait3A_510 = arith.constant 0 : i32
    %dma_wait3A_511 = arith.constant 0 : i32
    %dma_wait3A_512 = arith.constant 0 : i32
    %dma_wait3A_513 = tpu.memref_slice %arg7[%dma_wait3A_509, %dma_wait3A_511, %dma_wait3A_512] : memref<2x64x128xf32, #tpu.memory_space<vmem>> -> memref<1x64x128xf32, #tpu.memory_space<vmem>>
    %dma_wait3A_514 = tpu.memref_squeeze %dma_wait3A_513 : memref<1x64x128xf32, #tpu.memory_space<vmem>> -> memref<64x128xf32, #tpu.memory_space<vmem>>
    %dma_wait3A_515 = arith.constant 0 : i32
    %dma_wait3A_516 = tpu.memref_slice %arg4[%add3A_203, %dma_wait3A_515] : memref<16384x128xf32, #tpu.memory_space<hbm>> -> memref<64x128xf32, #tpu.memory_space<hbm>>
    %dma_wait3A_517 = tpu.memref_slice %arg9[%dma_wait3A_510] : memref<2x!tpu.dma_semaphore, #tpu.memory_space<semaphore_mem>> -> memref<1x!tpu.dma_semaphore, #tpu.memory_space<semaphore_mem>>
    %dma_wait3A_518 = tpu.memref_squeeze %dma_wait3A_517 : memref<1x!tpu.dma_semaphore, #tpu.memory_space<semaphore_mem>> -> memref<!tpu.dma_semaphore, #tpu.memory_space<semaphore_mem>>
    %dma_wait3A_519 = arith.constant 0 : i32
    %dma_wait3A_520 = tpu.memref_slice %arg4[%add3A_203, %dma_wait3A_519] : memref<16384x128xf32, #tpu.memory_space<hbm>> -> memref<64x128xf32, #tpu.memory_space<hbm>>
    %dma_wait3A_521 = arith.constant 0 : i32
    %dma_wait3A_522 = arith.constant 0 : i32
    %dma_wait3A_523 = tpu.memref_slice %arg7[%dma_wait3A_509, %dma_wait3A_521, %dma_wait3A_522] : memref<2x64x128xf32, #tpu.memory_space<vmem>> -> memref<1x64x128xf32, #tpu.memory_space<vmem>>
    %dma_wait3A_524 = tpu.memref_squeeze %dma_wait3A_523 : memref<1x64x128xf32, #tpu.memory_space<vmem>> -> memref<64x128xf32, #tpu.memory_space<vmem>>
    tpu.wait_dma2 semaphore(%dma_wait3A_518 : memref<!tpu.dma_semaphore, #tpu.memory_space<semaphore_mem>>) src(%dma_wait3A_524 : memref<64x128xf32, #tpu.memory_space<vmem>>) dst(%dma_wait3A_520 : memref<64x128xf32, #tpu.memory_space<hbm>>)
    %scan3A_525 = arith.constant 0 : i32
    %scan3A_526 = arith.constant 0 : i32
    %scan3A_527 = arith.constant 64 : i32
    %scan3A_528 = arith.addi %scan3A_526, %scan3A_527 : i32
    %scan3A_529 = arith.constant 1 : i32
    %scan3A_530 = scf.for %scan3A_1378 = %scan3A_526 to %scan3A_528 step %scan3A_529 iter_args(%scan3A_1379 = %scan3A_525) -> (i32)  : i32 {
      %add3A_1380 = arith.constant 128 : i32
      %add3A_1381 = arith.addi %add3A_1380, %scan3A_1378 : i32
      %get3A = arith.index_cast %add3A_1381 : i32 to index
      %get3A_1382 = tpu.vector_load %arg5[%get3A] {strides = array<i32>} : memref<528xi32, #tpu.memory_space<vmem>>, vector<16xi32>,
      %get3A_1383 = vector.shape_cast %get3A_1382 : vector<16xi32> to vector<16xi32>
      %slice3A = vector.extract_strided_slice %get3A_1383 {offsets = [0], sizes = [1], strides = [1]} : vector<16xi32> to vector<1xi32>
      %squeeze3A = vector.extract %slice3A[0] : i32 from vector<1xi32>
      %get3A_1384 = arith.constant 0 : i32
      %get3A_1385 = arith.constant 0 : i32
      %get3A_1386 = arith.index_cast %get3A_1384 : i32 to index
      %get3A_1387 = arith.index_cast %squeeze3A : i32 to index
      %get3A_1388 = arith.index_cast %scan3A_1378 : i32 to index
      %get3A_1389 = arith.index_cast %get3A_1385 : i32 to index
      %get3A_1390 = arith.constant 0 : index
      %get3A_1391 = tpu.vector_load %arg6[%get3A_1386, %get3A_1387, %get3A_1388, %get3A_1389, %get3A_1390] {strides = array<i32>} : memref<2x3x64x1x128xf32, #tpu.memory_space<vmem>>, vector<1x1x1x1x16xf32>,
      %get3A_1392 = vector.shape_cast %get3A_1391 : vector<1x1x1x1x16xf32> to vector<16xf32>
      %swap3A = arith.constant 0 : i32
      %swap3A_1393 = arith.index_cast %swap3A : i32 to index
      %swap3A_1394 = arith.index_cast %scan3A_1378 : i32 to index
      %swap3A_1395 = arith.constant 0 : index
      %swap3A_1396 = tpu.vector_load %arg7[%swap3A_1393, %swap3A_1394, %swap3A_1395] {strides = array<i32>} : memref<2x64x128xf32, #tpu.memory_space<vmem>>, vector<1x1x16xf32>,
      %swap3A_1397 = vector.shape_cast %swap3A_1396 : vector<1x1x16xf32> to vector<16xf32>
      %swap3A_1398 = vector.shape_cast %get3A_1392 : vector<16xf32> to vector<1x1x16xf32>
      tpu.vector_store %arg7[%swap3A_1393, %swap3A_1394, %swap3A_1395], %swap3A_1398 {strides = array<i32>} : memref<2x64x128xf32, #tpu.memory_space<vmem>>, vector<1x1x16xf32>,
      %get3A_1399 = arith.constant 0 : i32
      %get3A_1400 = arith.constant 0 : i32
      %get3A_1401 = arith.index_cast %get3A_1399 : i32 to index
      %get3A_1402 = arith.index_cast %squeeze3A : i32 to index
      %get3A_1403 = arith.index_cast %scan3A_1378 : i32 to index
      %get3A_1404 = arith.index_cast %get3A_1400 : i32 to index
      %get3A_1405 = arith.constant 16 : index
      %get3A_1406 = tpu.vector_load %arg6[%get3A_1401, %get3A_1402, %get3A_1403, %get3A_1404, %get3A_1405] {strides = array<i32>} : memref<2x3x64x1x128xf32, #tpu.memory_space<vmem>>, vector<1x1x1x1x16xf32>,
      %get3A_1407 = vector.shape_cast %get3A_1406 : vector<1x1x1x1x16xf32> to vector<16xf32>
      %swap3A_1408 = arith.constant 0 : i32
      %swap3A_1409 = arith.index_cast %swap3A_1408 : i32 to index
      %swap3A_1410 = arith.index_cast %scan3A_1378 : i32 to index
      %swap3A_1411 = arith.constant 16 : index
      %swap3A_1412 = tpu.vector_load %arg7[%swap3A_1409, %swap3A_1410, %swap3A_1411] {strides = array<i32>} : memref<2x64x128xf32, #tpu.memory_space<vmem>>, vector<1x1x16xf32>,
      %swap3A_1413 = vector.shape_cast %swap3A_1412 : vector<1x1x16xf32> to vector<16xf32>
      %swap3A_1414 = vector.shape_cast %get3A_1407 : vector<16xf32> to vector<1x1x16xf32>
      tpu.vector_store %arg7[%swap3A_1409, %swap3A_1410, %swap3A_1411], %swap3A_1414 {strides = array<i32>} : memref<2x64x128xf32, #tpu.memory_space<vmem>>, vector<1x1x16xf32>,
      %get3A_1415 = arith.constant 0 : i32
      %get3A_1416 = arith.constant 0 : i32
      %get3A_1417 = arith.index_cast %get3A_1415 : i32 to index
      %get3A_1418 = arith.index_cast %squeeze3A : i32 to index
      %get3A_1419 = arith.index_cast %scan3A_1378 : i32 to index
      %get3A_1420 = arith.index_cast %get3A_1416 : i32 to index
      %get3A_1421 = arith.constant 32 : index
      %get3A_1422 = tpu.vector_load %arg6[%get3A_1417, %get3A_1418, %get3A_1419, %get3A_1420, %get3A_1421] {strides = array<i32>} : memref<2x3x64x1x128xf32, #tpu.memory_space<vmem>>, vector<1x1x1x1x16xf32>,
      %get3A_1423 = vector.shape_cast %get3A_1422 : vector<1x1x1x1x16xf32> to vector<16xf32>
      %swap3A_1424 = arith.constant 0 : i32
      %swap3A_1425 = arith.index_cast %swap3A_1424 : i32 to index
      %swap3A_1426 = arith.index_cast %scan3A_1378 : i32 to index
      %swap3A_1427 = arith.constant 32 : index
      %swap3A_1428 = tpu.vector_load %arg7[%swap3A_1425, %swap3A_1426, %swap3A_1427] {strides = array<i32>} : memref<2x64x128xf32, #tpu.memory_space<vmem>>, vector<1x1x16xf32>,
      %swap3A_1429 = vector.shape_cast %swap3A_1428 : vector<1x1x16xf32> to vector<16xf32>
      %swap3A_1430 = vector.shape_cast %get3A_1423 : vector<16xf32> to vector<1x1x16xf32>
      tpu.vector_store %arg7[%swap3A_1425, %swap3A_1426, %swap3A_1427], %swap3A_1430 {strides = array<i32>} : memref<2x64x128xf32, #tpu.memory_space<vmem>>, vector<1x1x16xf32>,
      %get3A_1431 = arith.constant 0 : i32
      %get3A_1432 = arith.constant 0 : i32
      %get3A_1433 = arith.index_cast %get3A_1431 : i32 to index
      %get3A_1434 = arith.index_cast %squeeze3A : i32 to index
      %get3A_1435 = arith.index_cast %scan3A_1378 : i32 to index
      %get3A_1436 = arith.index_cast %get3A_1432 : i32 to index
      %get3A_1437 = arith.constant 48 : index
      %get3A_1438 = tpu.vector_load %arg6[%get3A_1433, %get3A_1434, %get3A_1435, %get3A_1436, %get3A_1437] {strides = array<i32>} : memref<2x3x64x1x128xf32, #tpu.memory_space<vmem>>, vector<1x1x1x1x16xf32>,
      %get3A_1439 = vector.shape_cast %get3A_1438 : vector<1x1x1x1x16xf32> to vector<16xf32>
      %swap3A_1440 = arith.constant 0 : i32
      %swap3A_1441 = arith.index_cast %swap3A_1440 : i32 to index
      %swap3A_1442 = arith.index_cast %scan3A_1378 : i32 to index
      %swap3A_1443 = arith.constant 48 : index
      %swap3A_1444 = tpu.vector_load %arg7[%swap3A_1441, %swap3A_1442, %swap3A_1443] {strides = array<i32>} : memref<2x64x128xf32, #tpu.memory_space<vmem>>, vector<1x1x16xf32>,
      %swap3A_1445 = vector.shape_cast %swap3A_1444 : vector<1x1x16xf32> to vector<16xf32>
      %swap3A_1446 = vector.shape_cast %get3A_1439 : vector<16xf32> to vector<1x1x16xf32>
      tpu.vector_store %arg7[%swap3A_1441, %swap3A_1442, %swap3A_1443], %swap3A_1446 {strides = array<i32>} : memref<2x64x128xf32, #tpu.memory_space<vmem>>, vector<1x1x16xf32>,
      %get3A_1447 = arith.constant 0 : i32
      %get3A_1448 = arith.constant 0 : i32
      %get3A_1449 = arith.index_cast %get3A_1447 : i32 to index
      %get3A_1450 = arith.index_cast %squeeze3A : i32 to index
      %get3A_1451 = arith.index_cast %scan3A_1378 : i32 to index
      %get3A_1452 = arith.index_cast %get3A_1448 : i32 to index
      %get3A_1453 = arith.constant 64 : index
      %get3A_1454 = tpu.vector_load %arg6[%get3A_1449, %get3A_1450, %get3A_1451, %get3A_1452, %get3A_1453] {strides = array<i32>} : memref<2x3x64x1x128xf32, #tpu.memory_space<vmem>>, vector<1x1x1x1x16xf32>,
      %get3A_1455 = vector.shape_cast %get3A_1454 : vector<1x1x1x1x16xf32> to vector<16xf32>
      %swap3A_1456 = arith.constant 0 : i32
      %swap3A_1457 = arith.index_cast %swap3A_1456 : i32 to index
      %swap3A_1458 = arith.index_cast %scan3A_1378 : i32 to index
      %swap3A_1459 = arith.constant 64 : index
      %swap3A_1460 = tpu.vector_load %arg7[%swap3A_1457, %swap3A_1458, %swap3A_1459] {strides = array<i32>} : memref<2x64x128xf32, #tpu.memory_space<vmem>>, vector<1x1x16xf32>,
      %swap3A_1461 = vector.shape_cast %swap3A_1460 : vector<1x1x16xf32> to vector<16xf32>
      %swap3A_1462 = vector.shape_cast %get3A_1455 : vector<16xf32> to vector<1x1x16xf32>
      tpu.vector_store %arg7[%swap3A_1457, %swap3A_1458, %swap3A_1459], %swap3A_1462 {strides = array<i32>} : memref<2x64x128xf32, #tpu.memory_space<vmem>>, vector<1x1x16xf32>,
      %get3A_1463 = arith.constant 0 : i32
      %get3A_1464 = arith.constant 0 : i32
      %get3A_1465 = arith.index_cast %get3A_1463 : i32 to index
      %get3A_1466 = arith.index_cast %squeeze3A : i32 to index
      %get3A_1467 = arith.index_cast %scan3A_1378 : i32 to index
      %get3A_1468 = arith.index_cast %get3A_1464 : i32 to index
      %get3A_1469 = arith.constant 80 : index
      %get3A_1470 = tpu.vector_load %arg6[%get3A_1465, %get3A_1466, %get3A_1467, %get3A_1468, %get3A_1469] {strides = array<i32>} : memref<2x3x64x1x128xf32, #tpu.memory_space<vmem>>, vector<1x1x1x1x16xf32>,
      %get3A_1471 = vector.shape_cast %get3A_1470 : vector<1x1x1x1x16xf32> to vector<16xf32>
      %swap3A_1472 = arith.constant 0 : i32
      %swap3A_1473 = arith.index_cast %swap3A_1472 : i32 to index
      %swap3A_1474 = arith.index_cast %scan3A_1378 : i32 to index
      %swap3A_1475 = arith.constant 80 : index
      %swap3A_1476 = tpu.vector_load %arg7[%swap3A_1473, %swap3A_1474, %swap3A_1475] {strides = array<i32>} : memref<2x64x128xf32, #tpu.memory_space<vmem>>, vector<1x1x16xf32>,
      %swap3A_1477 = vector.shape_cast %swap3A_1476 : vector<1x1x16xf32> to vector<16xf32>
      %swap3A_1478 = vector.shape_cast %get3A_1471 : vector<16xf32> to vector<1x1x16xf32>
      tpu.vector_store %arg7[%swap3A_1473, %swap3A_1474, %swap3A_1475], %swap3A_1478 {strides = array<i32>} : memref<2x64x128xf32, #tpu.memory_space<vmem>>, vector<1x1x16xf32>,
      %get3A_1479 = arith.constant 0 : i32
      %get3A_1480 = arith.constant 0 : i32
      %get3A_1481 = arith.index_cast %get3A_1479 : i32 to index
      %get3A_1482 = arith.index_cast %squeeze3A : i32 to index
      %get3A_1483 = arith.index_cast %scan3A_1378 : i32 to index
      %get3A_1484 = arith.index_cast %get3A_1480 : i32 to index
      %get3A_1485 = arith.constant 96 : index
      %get3A_1486 = tpu.vector_load %arg6[%get3A_1481, %get3A_1482, %get3A_1483, %get3A_1484, %get3A_1485] {strides = array<i32>} : memref<2x3x64x1x128xf32, #tpu.memory_space<vmem>>, vector<1x1x1x1x16xf32>,
      %get3A_1487 = vector.shape_cast %get3A_1486 : vector<1x1x1x1x16xf32> to vector<16xf32>
      %swap3A_1488 = arith.constant 0 : i32
      %swap3A_1489 = arith.index_cast %swap3A_1488 : i32 to index
      %swap3A_1490 = arith.index_cast %scan3A_1378 : i32 to index
      %swap3A_1491 = arith.constant 96 : index
      %swap3A_1492 = tpu.vector_load %arg7[%swap3A_1489, %swap3A_1490, %swap3A_1491] {strides = array<i32>} : memref<2x64x128xf32, #tpu.memory_space<vmem>>, vector<1x1x16xf32>,
      %swap3A_1493 = vector.shape_cast %swap3A_1492 : vector<1x1x16xf32> to vector<16xf32>
      %swap3A_1494 = vector.shape_cast %get3A_1487 : vector<16xf32> to vector<1x1x16xf32>
      tpu.vector_store %arg7[%swap3A_1489, %swap3A_1490, %swap3A_1491], %swap3A_1494 {strides = array<i32>} : memref<2x64x128xf32, #tpu.memory_space<vmem>>, vector<1x1x16xf32>,
      %get3A_1495 = arith.constant 0 : i32
      %get3A_1496 = arith.constant 0 : i32
      %get3A_1497 = arith.index_cast %get3A_1495 : i32 to index
      %get3A_1498 = arith.index_cast %squeeze3A : i32 to index
      %get3A_1499 = arith.index_cast %scan3A_1378 : i32 to index
      %get3A_1500 = arith.index_cast %get3A_1496 : i32 to index
      %get3A_1501 = arith.constant 112 : index
      %get3A_1502 = tpu.vector_load %arg6[%get3A_1497, %get3A_1498, %get3A_1499, %get3A_1500, %get3A_1501] {strides = array<i32>} : memref<2x3x64x1x128xf32, #tpu.memory_space<vmem>>, vector<1x1x1x1x16xf32>,
      %get3A_1503 = vector.shape_cast %get3A_1502 : vector<1x1x1x1x16xf32> to vector<16xf32>
      %swap3A_1504 = arith.constant 0 : i32
      %swap3A_1505 = arith.index_cast %swap3A_1504 : i32 to index
      %swap3A_1506 = arith.index_cast %scan3A_1378 : i32 to index
      %swap3A_1507 = arith.constant 112 : index
      %swap3A_1508 = tpu.vector_load %arg7[%swap3A_1505, %swap3A_1506, %swap3A_1507] {strides = array<i32>} : memref<2x64x128xf32, #tpu.memory_space<vmem>>, vector<1x1x16xf32>,
      %swap3A_1509 = vector.shape_cast %swap3A_1508 : vector<1x1x16xf32> to vector<16xf32>
      %swap3A_1510 = vector.shape_cast %get3A_1503 : vector<16xf32> to vector<1x1x16xf32>
      tpu.vector_store %arg7[%swap3A_1505, %swap3A_1506, %swap3A_1507], %swap3A_1510 {strides = array<i32>} : memref<2x64x128xf32, #tpu.memory_space<vmem>>, vector<1x1x16xf32>,
      %scan3A_1511 = arith.constant 0 : i32
      scf.yield %scan3A_1511 : i32
    }
    %scan3A_531 = arith.constant 64 : i32
    %add3A_532 = arith.constant 128 : i32
    %add3A_533 = arith.addi %mul3A_2, %add3A_532 : i32
    %dma_start3A_534 = arith.constant 0 : i32
    %dma_start3A_535 = arith.constant 0 : i32
    %dma_start3A_536 = arith.constant 0 : i32
    %dma_start3A_537 = arith.constant 0 : i32
    %dma_start3A_538 = tpu.memref_slice %arg7[%dma_start3A_534, %dma_start3A_536, %dma_start3A_537] : memref<2x64x128xf32, #tpu.memory_space<vmem>> -> memref<1x64x128xf32, #tpu.memory_space<vmem>>
    %dma_start3A_539 = tpu.memref_squeeze %dma_start3A_538 : memref<1x64x128xf32, #tpu.memory_space<vmem>> -> memref<64x128xf32, #tpu.memory_space<vmem>>
    %dma_start3A_540 = arith.constant 0 : i32
    %dma_start3A_541 = tpu.memref_slice %arg4[%add3A_533, %dma_start3A_540] : memref<16384x128xf32, #tpu.memory_space<hbm>> -> memref<64x128xf32, #tpu.memory_space<hbm>>
    %dma_start3A_542 = tpu.memref_slice %arg9[%dma_start3A_535] : memref<2x!tpu.dma_semaphore, #tpu.memory_space<semaphore_mem>> -> memref<1x!tpu.dma_semaphore, #tpu.memory_space<semaphore_mem>>
    %dma_start3A_543 = tpu.memref_squeeze %dma_start3A_542 : memref<1x!tpu.dma_semaphore, #tpu.memory_space<semaphore_mem>> -> memref<!tpu.dma_semaphore, #tpu.memory_space<semaphore_mem>>
    %dma_start3A_544 = arith.constant 0 : i32
    %dma_start3A_545 = tpu.memref_slice %arg4[%add3A_533, %dma_start3A_544] : memref<16384x128xf32, #tpu.memory_space<hbm>> -> memref<64x128xf32, #tpu.memory_space<hbm>>
    %dma_start3A_546 = arith.constant 0 : i32
    %dma_start3A_547 = arith.constant 0 : i32
    %dma_start3A_548 = tpu.memref_slice %arg7[%dma_start3A_534, %dma_start3A_546, %dma_start3A_547] : memref<2x64x128xf32, #tpu.memory_space<vmem>> -> memref<1x64x128xf32, #tpu.memory_space<vmem>>
    %dma_start3A_549 = tpu.memref_squeeze %dma_start3A_548 : memref<1x64x128xf32, #tpu.memory_space<vmem>> -> memref<64x128xf32, #tpu.memory_space<vmem>>
    tpu.enqueue_dma source(%dma_start3A_549 : memref<64x128xf32, #tpu.memory_space<vmem>>) target(%dma_start3A_545 : memref<64x128xf32, #tpu.memory_space<hbm>>) target_semaphore(%dma_start3A_543 : memref<!tpu.dma_semaphore, #tpu.memory_space<semaphore_mem>>)
    %add3A_550 = arith.constant 256 : i32
    %add3A_551 = arith.addi %mul3A_2, %add3A_550 : i32
    %dma_start3A_552 = arith.constant 0 : i32
    %dma_start3A_553 = arith.constant 0 : i32
    %dma_start3A_554 = arith.constant 0 : i32
    %dma_start3A_555 = arith.constant 0 : i32
    %dma_start3A_556 = arith.constant 0 : i32
    %dma_start3A_557 = arith.constant 0 : i32
    %dma_start3A_558 = tpu.memref_slice %arg6[%dma_start3A_552, %dma_start3A_553, %dma_start3A_555, %dma_start3A_556, %dma_start3A_557] : memref<2x3x64x1x128xf32, #tpu.memory_space<vmem>> -> memref<1x1x64x1x128xf32, #tpu.memory_space<vmem>>
    %dma_start3A_559 = tpu.memref_squeeze %dma_start3A_558 : memref<1x1x64x1x128xf32, #tpu.memory_space<vmem>> -> memref<64x1x128xf32, #tpu.memory_space<vmem>>
    %dma_start3A_560 = arith.constant 0 : i32
    %dma_start3A_561 = arith.constant 0 : i32
    %dma_start3A_562 = tpu.memref_slice %arg2[%add3A_551, %dma_start3A_560, %dma_start3A_561] : memref<16384x3x128xf32, #tpu.memory_space<hbm>> -> memref<64x1x128xf32, #tpu.memory_space<hbm>>
    %dma_start3A_563 = tpu.memref_slice %arg8[%dma_start3A_554] : memref<2x!tpu.dma_semaphore, #tpu.memory_space<semaphore_mem>> -> memref<1x!tpu.dma_semaphore, #tpu.memory_space<semaphore_mem>>
    %dma_start3A_564 = tpu.memref_squeeze %dma_start3A_563 : memref<1x!tpu.dma_semaphore, #tpu.memory_space<semaphore_mem>> -> memref<!tpu.dma_semaphore, #tpu.memory_space<semaphore_mem>>
    %dma_start3A_565 = arith.constant 0 : i32
    %dma_start3A_566 = arith.constant 0 : i32
    %dma_start3A_567 = arith.constant 0 : i32
    %dma_start3A_568 = tpu.memref_slice %arg6[%dma_start3A_552, %dma_start3A_553, %dma_start3A_565, %dma_start3A_566, %dma_start3A_567] : memref<2x3x64x1x128xf32, #tpu.memory_space<vmem>> -> memref<1x1x64x1x128xf32, #tpu.memory_space<vmem>>
    %dma_start3A_569 = tpu.memref_squeeze %dma_start3A_568 : memref<1x1x64x1x128xf32, #tpu.memory_space<vmem>> -> memref<64x1x128xf32, #tpu.memory_space<vmem>>
    %dma_start3A_570 = arith.constant 0 : i32
    %dma_start3A_571 = arith.constant 0 : i32
    %dma_start3A_572 = tpu.memref_slice %arg2[%add3A_551, %dma_start3A_570, %dma_start3A_571] : memref<16384x3x128xf32, #tpu.memory_space<hbm>> -> memref<64x1x128xf32, #tpu.memory_space<hbm>>
    tpu.enqueue_dma source(%dma_start3A_572 : memref<64x1x128xf32, #tpu.memory_space<hbm>>) target(%dma_start3A_569 : memref<64x1x128xf32, #tpu.memory_space<vmem>>) target_semaphore(%dma_start3A_564 : memref<!tpu.dma_semaphore, #tpu.memory_space<semaphore_mem>>)
    %add3A_573 = arith.constant 256 : i32
    %add3A_574 = arith.addi %mul3A_2, %add3A_573 : i32
    %dma_start3A_575 = arith.constant 0 : i32
    %dma_start3A_576 = arith.constant 1 : i32
    %dma_start3A_577 = arith.constant 0 : i32
    %dma_start3A_578 = arith.constant 0 : i32
    %dma_start3A_579 = arith.constant 0 : i32
    %dma_start3A_580 = arith.constant 0 : i32
    %dma_start3A_581 = tpu.memref_slice %arg6[%dma_start3A_575, %dma_start3A_576, %dma_start3A_578, %dma_start3A_579, %dma_start3A_580] : memref<2x3x64x1x128xf32, #tpu.memory_space<vmem>> -> memref<1x1x64x1x128xf32, #tpu.memory_space<vmem>>
    %dma_start3A_582 = tpu.memref_squeeze %dma_start3A_581 : memref<1x1x64x1x128xf32, #tpu.memory_space<vmem>> -> memref<64x1x128xf32, #tpu.memory_space<vmem>>
    %dma_start3A_583 = arith.constant 1 : i32
    %dma_start3A_584 = arith.constant 0 : i32
    %dma_start3A_585 = tpu.memref_slice %arg2[%add3A_574, %dma_start3A_583, %dma_start3A_584] : memref<16384x3x128xf32, #tpu.memory_space<hbm>> -> memref<64x1x128xf32, #tpu.memory_space<hbm>>
    %dma_start3A_586 = tpu.memref_slice %arg8[%dma_start3A_577] : memref<2x!tpu.dma_semaphore, #tpu.memory_space<semaphore_mem>> -> memref<1x!tpu.dma_semaphore, #tpu.memory_space<semaphore_mem>>
    %dma_start3A_587 = tpu.memref_squeeze %dma_start3A_586 : memref<1x!tpu.dma_semaphore, #tpu.memory_space<semaphore_mem>> -> memref<!tpu.dma_semaphore, #tpu.memory_space<semaphore_mem>>
    %dma_start3A_588 = arith.constant 0 : i32
    %dma_start3A_589 = arith.constant 0 : i32
    %dma_start3A_590 = arith.constant 0 : i32
    %dma_start3A_591 = tpu.memref_slice %arg6[%dma_start3A_575, %dma_start3A_576, %dma_start3A_588, %dma_start3A_589, %dma_start3A_590] : memref<2x3x64x1x128xf32, #tpu.memory_space<vmem>> -> memref<1x1x64x1x128xf32, #tpu.memory_space<vmem>>
    %dma_start3A_592 = tpu.memref_squeeze %dma_start3A_591 : memref<1x1x64x1x128xf32, #tpu.memory_space<vmem>> -> memref<64x1x128xf32, #tpu.memory_space<vmem>>
    %dma_start3A_593 = arith.constant 1 : i32
    %dma_start3A_594 = arith.constant 0 : i32
    %dma_start3A_595 = tpu.memref_slice %arg2[%add3A_574, %dma_start3A_593, %dma_start3A_594] : memref<16384x3x128xf32, #tpu.memory_space<hbm>> -> memref<64x1x128xf32, #tpu.memory_space<hbm>>
    tpu.enqueue_dma source(%dma_start3A_595 : memref<64x1x128xf32, #tpu.memory_space<hbm>>) target(%dma_start3A_592 : memref<64x1x128xf32, #tpu.memory_space<vmem>>) target_semaphore(%dma_start3A_587 : memref<!tpu.dma_semaphore, #tpu.memory_space<semaphore_mem>>)
    %add3A_596 = arith.constant 256 : i32
    %add3A_597 = arith.addi %mul3A_2, %add3A_596 : i32
    %dma_start3A_598 = arith.constant 0 : i32
    %dma_start3A_599 = arith.constant 2 : i32
    %dma_start3A_600 = arith.constant 0 : i32
    %dma_start3A_601 = arith.constant 0 : i32
    %dma_start3A_602 = arith.constant 0 : i32
    %dma_start3A_603 = arith.constant 0 : i32
    %dma_start3A_604 = tpu.memref_slice %arg6[%dma_start3A_598, %dma_start3A_599, %dma_start3A_601, %dma_start3A_602, %dma_start3A_603] : memref<2x3x64x1x128xf32, #tpu.memory_space<vmem>> -> memref<1x1x64x1x128xf32, #tpu.memory_space<vmem>>
    %dma_start3A_605 = tpu.memref_squeeze %dma_start3A_604 : memref<1x1x64x1x128xf32, #tpu.memory_space<vmem>> -> memref<64x1x128xf32, #tpu.memory_space<vmem>>
    %dma_start3A_606 = arith.constant 2 : i32
    %dma_start3A_607 = arith.constant 0 : i32
    %dma_start3A_608 = tpu.memref_slice %arg2[%add3A_597, %dma_start3A_606, %dma_start3A_607] : memref<16384x3x128xf32, #tpu.memory_space<hbm>> -> memref<64x1x128xf32, #tpu.memory_space<hbm>>
    %dma_start3A_609 = tpu.memref_slice %arg8[%dma_start3A_600] : memref<2x!tpu.dma_semaphore, #tpu.memory_space<semaphore_mem>> -> memref<1x!tpu.dma_semaphore, #tpu.memory_space<semaphore_mem>>
    %dma_start3A_610 = tpu.memref_squeeze %dma_start3A_609 : memref<1x!tpu.dma_semaphore, #tpu.memory_space<semaphore_mem>> -> memref<!tpu.dma_semaphore, #tpu.memory_space<semaphore_mem>>
    %dma_start3A_611 = arith.constant 0 : i32
    %dma_start3A_612 = arith.constant 0 : i32
    %dma_start3A_613 = arith.constant 0 : i32
    %dma_start3A_614 = tpu.memref_slice %arg6[%dma_start3A_598, %dma_start3A_599, %dma_start3A_611, %dma_start3A_612, %dma_start3A_613] : memref<2x3x64x1x128xf32, #tpu.memory_space<vmem>> -> memref<1x1x64x1x128xf32, #tpu.memory_space<vmem>>
    %dma_start3A_615 = tpu.memref_squeeze %dma_start3A_614 : memref<1x1x64x1x128xf32, #tpu.memory_space<vmem>> -> memref<64x1x128xf32, #tpu.memory_space<vmem>>
    %dma_start3A_616 = arith.constant 2 : i32
    %dma_start3A_617 = arith.constant 0 : i32
    %dma_start3A_618 = tpu.memref_slice %arg2[%add3A_597, %dma_start3A_616, %dma_start3A_617] : memref<16384x3x128xf32, #tpu.memory_space<hbm>> -> memref<64x1x128xf32, #tpu.memory_space<hbm>>
    tpu.enqueue_dma source(%dma_start3A_618 : memref<64x1x128xf32, #tpu.memory_space<hbm>>) target(%dma_start3A_615 : memref<64x1x128xf32, #tpu.memory_space<vmem>>) target_semaphore(%dma_start3A_610 : memref<!tpu.dma_semaphore, #tpu.memory_space<semaphore_mem>>)
    %dma_wait3A_619 = arith.constant 1 : i32
    %dma_wait3A_620 = arith.constant 0 : i32
    %dma_wait3A_621 = arith.constant 1 : i32
    %dma_wait3A_622 = arith.constant 0 : i32
    %dma_wait3A_623 = arith.constant 0 : i32
    %dma_wait3A_624 = arith.constant 0 : i32
    %dma_wait3A_625 = tpu.memref_slice %arg6[%dma_wait3A_619, %dma_wait3A_620, %dma_wait3A_622, %dma_wait3A_623, %dma_wait3A_624] : memref<2x3x64x1x128xf32, #tpu.memory_space<vmem>> -> memref<1x1x64x1x128xf32, #tpu.memory_space<vmem>>
    %dma_wait3A_626 = tpu.memref_squeeze %dma_wait3A_625 : memref<1x1x64x1x128xf32, #tpu.memory_space<vmem>> -> memref<64x1x128xf32, #tpu.memory_space<vmem>>
    %dma_wait3A_627 = arith.constant 0 : i32
    %dma_wait3A_628 = arith.constant 0 : i32
    %dma_wait3A_629 = tpu.memref_slice %arg2[%add3A_378, %dma_wait3A_627, %dma_wait3A_628] : memref<16384x3x128xf32, #tpu.memory_space<hbm>> -> memref<64x1x128xf32, #tpu.memory_space<hbm>>
    %dma_wait3A_630 = tpu.memref_slice %arg8[%dma_wait3A_621] : memref<2x!tpu.dma_semaphore, #tpu.memory_space<semaphore_mem>> -> memref<1x!tpu.dma_semaphore, #tpu.memory_space<semaphore_mem>>
    %dma_wait3A_631 = tpu.memref_squeeze %dma_wait3A_630 : memref<1x!tpu.dma_semaphore, #tpu.memory_space<semaphore_mem>> -> memref<!tpu.dma_semaphore, #tpu.memory_space<semaphore_mem>>
    %dma_wait3A_632 = arith.constant 0 : i32
    %dma_wait3A_633 = arith.constant 0 : i32
    %dma_wait3A_634 = arith.constant 0 : i32
    %dma_wait3A_635 = tpu.memref_slice %arg6[%dma_wait3A_619, %dma_wait3A_620, %dma_wait3A_632, %dma_wait3A_633, %dma_wait3A_634] : memref<2x3x64x1x128xf32, #tpu.memory_space<vmem>> -> memref<1x1x64x1x128xf32, #tpu.memory_space<vmem>>
    %dma_wait3A_636 = tpu.memref_squeeze %dma_wait3A_635 : memref<1x1x64x1x128xf32, #tpu.memory_space<vmem>> -> memref<64x1x128xf32, #tpu.memory_space<vmem>>
    %dma_wait3A_637 = arith.constant 0 : i32
    %dma_wait3A_638 = arith.constant 0 : i32
    %dma_wait3A_639 = tpu.memref_slice %arg2[%add3A_378, %dma_wait3A_637, %dma_wait3A_638] : memref<16384x3x128xf32, #tpu.memory_space<hbm>> -> memref<64x1x128xf32, #tpu.memory_space<hbm>>
    tpu.wait_dma2 semaphore(%dma_wait3A_631 : memref<!tpu.dma_semaphore, #tpu.memory_space<semaphore_mem>>) src(%dma_wait3A_639 : memref<64x1x128xf32, #tpu.memory_space<hbm>>) dst(%dma_wait3A_636 : memref<64x1x128xf32, #tpu.memory_space<vmem>>)
    %dma_wait3A_640 = arith.constant 1 : i32
    %dma_wait3A_641 = arith.constant 1 : i32
    %dma_wait3A_642 = arith.constant 1 : i32
    %dma_wait3A_643 = arith.constant 0 : i32
    %dma_wait3A_644 = arith.constant 0 : i32
    %dma_wait3A_645 = arith.constant 0 : i32
    %dma_wait3A_646 = tpu.memref_slice %arg6[%dma_wait3A_640, %dma_wait3A_641, %dma_wait3A_643, %dma_wait3A_644, %dma_wait3A_645] : memref<2x3x64x1x128xf32, #tpu.memory_space<vmem>> -> memref<1x1x64x1x128xf32, #tpu.memory_space<vmem>>
    %dma_wait3A_647 = tpu.memref_squeeze %dma_wait3A_646 : memref<1x1x64x1x128xf32, #tpu.memory_space<vmem>> -> memref<64x1x128xf32, #tpu.memory_space<vmem>>
    %dma_wait3A_648 = arith.constant 1 : i32
    %dma_wait3A_649 = arith.constant 0 : i32
    %dma_wait3A_650 = tpu.memref_slice %arg2[%add3A_401, %dma_wait3A_648, %dma_wait3A_649] : memref<16384x3x128xf32, #tpu.memory_space<hbm>> -> memref<64x1x128xf32, #tpu.memory_space<hbm>>
    %dma_wait3A_651 = tpu.memref_slice %arg8[%dma_wait3A_642] : memref<2x!tpu.dma_semaphore, #tpu.memory_space<semaphore_mem>> -> memref<1x!tpu.dma_semaphore, #tpu.memory_space<semaphore_mem>>
    %dma_wait3A_652 = tpu.memref_squeeze %dma_wait3A_651 : memref<1x!tpu.dma_semaphore, #tpu.memory_space<semaphore_mem>> -> memref<!tpu.dma_semaphore, #tpu.memory_space<semaphore_mem>>
    %dma_wait3A_653 = arith.constant 0 : i32
    %dma_wait3A_654 = arith.constant 0 : i32
    %dma_wait3A_655 = arith.constant 0 : i32
    %dma_wait3A_656 = tpu.memref_slice %arg6[%dma_wait3A_640, %dma_wait3A_641, %dma_wait3A_653, %dma_wait3A_654, %dma_wait3A_655] : memref<2x3x64x1x128xf32, #tpu.memory_space<vmem>> -> memref<1x1x64x1x128xf32, #tpu.memory_space<vmem>>
    %dma_wait3A_657 = tpu.memref_squeeze %dma_wait3A_656 : memref<1x1x64x1x128xf32, #tpu.memory_space<vmem>> -> memref<64x1x128xf32, #tpu.memory_space<vmem>>
    %dma_wait3A_658 = arith.constant 1 : i32
    %dma_wait3A_659 = arith.constant 0 : i32
    %dma_wait3A_660 = tpu.memref_slice %arg2[%add3A_401, %dma_wait3A_658, %dma_wait3A_659] : memref<16384x3x128xf32, #tpu.memory_space<hbm>> -> memref<64x1x128xf32, #tpu.memory_space<hbm>>
    tpu.wait_dma2 semaphore(%dma_wait3A_652 : memref<!tpu.dma_semaphore, #tpu.memory_space<semaphore_mem>>) src(%dma_wait3A_660 : memref<64x1x128xf32, #tpu.memory_space<hbm>>) dst(%dma_wait3A_657 : memref<64x1x128xf32, #tpu.memory_space<vmem>>)
    %dma_wait3A_661 = arith.constant 1 : i32
    %dma_wait3A_662 = arith.constant 2 : i32
    %dma_wait3A_663 = arith.constant 1 : i32
    %dma_wait3A_664 = arith.constant 0 : i32
    %dma_wait3A_665 = arith.constant 0 : i32
    %dma_wait3A_666 = arith.constant 0 : i32
    %dma_wait3A_667 = tpu.memref_slice %arg6[%dma_wait3A_661, %dma_wait3A_662, %dma_wait3A_664, %dma_wait3A_665, %dma_wait3A_666] : memref<2x3x64x1x128xf32, #tpu.memory_space<vmem>> -> memref<1x1x64x1x128xf32, #tpu.memory_space<vmem>>
    %dma_wait3A_668 = tpu.memref_squeeze %dma_wait3A_667 : memref<1x1x64x1x128xf32, #tpu.memory_space<vmem>> -> memref<64x1x128xf32, #tpu.memory_space<vmem>>
    %dma_wait3A_669 = arith.constant 2 : i32
    %dma_wait3A_670 = arith.constant 0 : i32
    %dma_wait3A_671 = tpu.memref_slice %arg2[%add3A_424, %dma_wait3A_669, %dma_wait3A_670] : memref<16384x3x128xf32, #tpu.memory_space<hbm>> -> memref<64x1x128xf32, #tpu.memory_space<hbm>>
    %dma_wait3A_672 = tpu.memref_slice %arg8[%dma_wait3A_663] : memref<2x!tpu.dma_semaphore, #tpu.memory_space<semaphore_mem>> -> memref<1x!tpu.dma_semaphore, #tpu.memory_space<semaphore_mem>>
    %dma_wait3A_673 = tpu.memref_squeeze %dma_wait3A_672 : memref<1x!tpu.dma_semaphore, #tpu.memory_space<semaphore_mem>> -> memref<!tpu.dma_semaphore, #tpu.memory_space<semaphore_mem>>
    %dma_wait3A_674 = arith.constant 0 : i32
    %dma_wait3A_675 = arith.constant 0 : i32
    %dma_wait3A_676 = arith.constant 0 : i32
    %dma_wait3A_677 = tpu.memref_slice %arg6[%dma_wait3A_661, %dma_wait3A_662, %dma_wait3A_674, %dma_wait3A_675, %dma_wait3A_676] : memref<2x3x64x1x128xf32, #tpu.memory_space<vmem>> -> memref<1x1x64x1x128xf32, #tpu.memory_space<vmem>>
    %dma_wait3A_678 = tpu.memref_squeeze %dma_wait3A_677 : memref<1x1x64x1x128xf32, #tpu.memory_space<vmem>> -> memref<64x1x128xf32, #tpu.memory_space<vmem>>
    %dma_wait3A_679 = arith.constant 2 : i32
    %dma_wait3A_680 = arith.constant 0 : i32
    %dma_wait3A_681 = tpu.memref_slice %arg2[%add3A_424, %dma_wait3A_679, %dma_wait3A_680] : memref<16384x3x128xf32, #tpu.memory_space<hbm>> -> memref<64x1x128xf32, #tpu.memory_space<hbm>>
    tpu.wait_dma2 semaphore(%dma_wait3A_673 : memref<!tpu.dma_semaphore, #tpu.memory_space<semaphore_mem>>) src(%dma_wait3A_681 : memref<64x1x128xf32, #tpu.memory_space<hbm>>) dst(%dma_wait3A_678 : memref<64x1x128xf32, #tpu.memory_space<vmem>>)
    %dma_wait3A_682 = arith.constant 1 : i32
    %dma_wait3A_683 = arith.constant 1 : i32
    %dma_wait3A_684 = arith.constant 0 : i32
    %dma_wait3A_685 = arith.constant 0 : i32
    %dma_wait3A_686 = tpu.memref_slice %arg7[%dma_wait3A_682, %dma_wait3A_684, %dma_wait3A_685] : memref<2x64x128xf32, #tpu.memory_space<vmem>> -> memref<1x64x128xf32, #tpu.memory_space<vmem>>
    %dma_wait3A_687 = tpu.memref_squeeze %dma_wait3A_686 : memref<1x64x128xf32, #tpu.memory_space<vmem>> -> memref<64x128xf32, #tpu.memory_space<vmem>>
    %dma_wait3A_688 = arith.constant 0 : i32
    %dma_wait3A_689 = tpu.memref_slice %arg4[%add3A_360, %dma_wait3A_688] : memref<16384x128xf32, #tpu.memory_space<hbm>> -> memref<64x128xf32, #tpu.memory_space<hbm>>
    %dma_wait3A_690 = tpu.memref_slice %arg9[%dma_wait3A_683] : memref<2x!tpu.dma_semaphore, #tpu.memory_space<semaphore_mem>> -> memref<1x!tpu.dma_semaphore, #tpu.memory_space<semaphore_mem>>
    %dma_wait3A_691 = tpu.memref_squeeze %dma_wait3A_690 : memref<1x!tpu.dma_semaphore, #tpu.memory_space<semaphore_mem>> -> memref<!tpu.dma_semaphore, #tpu.memory_space<semaphore_mem>>
    %dma_wait3A_692 = arith.constant 0 : i32
    %dma_wait3A_693 = tpu.memref_slice %arg4[%add3A_360, %dma_wait3A_692] : memref<16384x128xf32, #tpu.memory_space<hbm>> -> memref<64x128xf32, #tpu.memory_space<hbm>>
    %dma_wait3A_694 = arith.constant 0 : i32
    %dma_wait3A_695 = arith.constant 0 : i32
    %dma_wait3A_696 = tpu.memref_slice %arg7[%dma_wait3A_682, %dma_wait3A_694, %dma_wait3A_695] : memref<2x64x128xf32, #tpu.memory_space<vmem>> -> memref<1x64x128xf32, #tpu.memory_space<vmem>>
    %dma_wait3A_697 = tpu.memref_squeeze %dma_wait3A_696 : memref<1x64x128xf32, #tpu.memory_space<vmem>> -> memref<64x128xf32, #tpu.memory_space<vmem>>
    tpu.wait_dma2 semaphore(%dma_wait3A_691 : memref<!tpu.dma_semaphore, #tpu.memory_space<semaphore_mem>>) src(%dma_wait3A_697 : memref<64x128xf32, #tpu.memory_space<vmem>>) dst(%dma_wait3A_693 : memref<64x128xf32, #tpu.memory_space<hbm>>)
    %scan3A_698 = arith.constant 0 : i32
    %scan3A_699 = arith.constant 0 : i32
    %scan3A_700 = arith.constant 64 : i32
    %scan3A_701 = arith.addi %scan3A_699, %scan3A_700 : i32
    %scan3A_702 = arith.constant 1 : i32
    %scan3A_703 = scf.for %scan3A_1378 = %scan3A_699 to %scan3A_701 step %scan3A_702 iter_args(%scan3A_1379 = %scan3A_698) -> (i32)  : i32 {
      %add3A_1380 = arith.constant 192 : i32
      %add3A_1381 = arith.addi %add3A_1380, %scan3A_1378 : i32
      %get3A = arith.index_cast %add3A_1381 : i32 to index
      %get3A_1382 = tpu.vector_load %arg5[%get3A] {strides = array<i32>} : memref<528xi32, #tpu.memory_space<vmem>>, vector<16xi32>,
      %get3A_1383 = vector.shape_cast %get3A_1382 : vector<16xi32> to vector<16xi32>
      %slice3A = vector.extract_strided_slice %get3A_1383 {offsets = [0], sizes = [1], strides = [1]} : vector<16xi32> to vector<1xi32>
      %squeeze3A = vector.extract %slice3A[0] : i32 from vector<1xi32>
      %get3A_1384 = arith.constant 1 : i32
      %get3A_1385 = arith.constant 0 : i32
      %get3A_1386 = arith.index_cast %get3A_1384 : i32 to index
      %get3A_1387 = arith.index_cast %squeeze3A : i32 to index
      %get3A_1388 = arith.index_cast %scan3A_1378 : i32 to index
      %get3A_1389 = arith.index_cast %get3A_1385 : i32 to index
      %get3A_1390 = arith.constant 0 : index
      %get3A_1391 = tpu.vector_load %arg6[%get3A_1386, %get3A_1387, %get3A_1388, %get3A_1389, %get3A_1390] {strides = array<i32>} : memref<2x3x64x1x128xf32, #tpu.memory_space<vmem>>, vector<1x1x1x1x16xf32>,
      %get3A_1392 = vector.shape_cast %get3A_1391 : vector<1x1x1x1x16xf32> to vector<16xf32>
      %swap3A = arith.constant 1 : i32
      %swap3A_1393 = arith.index_cast %swap3A : i32 to index
      %swap3A_1394 = arith.index_cast %scan3A_1378 : i32 to index
      %swap3A_1395 = arith.constant 0 : index
      %swap3A_1396 = tpu.vector_load %arg7[%swap3A_1393, %swap3A_1394, %swap3A_1395] {strides = array<i32>} : memref<2x64x128xf32, #tpu.memory_space<vmem>>, vector<1x1x16xf32>,
      %swap3A_1397 = vector.shape_cast %swap3A_1396 : vector<1x1x16xf32> to vector<16xf32>
      %swap3A_1398 = vector.shape_cast %get3A_1392 : vector<16xf32> to vector<1x1x16xf32>
      tpu.vector_store %arg7[%swap3A_1393, %swap3A_1394, %swap3A_1395], %swap3A_1398 {strides = array<i32>} : memref<2x64x128xf32, #tpu.memory_space<vmem>>, vector<1x1x16xf32>,
      %get3A_1399 = arith.constant 1 : i32
      %get3A_1400 = arith.constant 0 : i32
      %get3A_1401 = arith.index_cast %get3A_1399 : i32 to index
      %get3A_1402 = arith.index_cast %squeeze3A : i32 to index
      %get3A_1403 = arith.index_cast %scan3A_1378 : i32 to index
      %get3A_1404 = arith.index_cast %get3A_1400 : i32 to index
      %get3A_1405 = arith.constant 16 : index
      %get3A_1406 = tpu.vector_load %arg6[%get3A_1401, %get3A_1402, %get3A_1403, %get3A_1404, %get3A_1405] {strides = array<i32>} : memref<2x3x64x1x128xf32, #tpu.memory_space<vmem>>, vector<1x1x1x1x16xf32>,
      %get3A_1407 = vector.shape_cast %get3A_1406 : vector<1x1x1x1x16xf32> to vector<16xf32>
      %swap3A_1408 = arith.constant 1 : i32
      %swap3A_1409 = arith.index_cast %swap3A_1408 : i32 to index
      %swap3A_1410 = arith.index_cast %scan3A_1378 : i32 to index
      %swap3A_1411 = arith.constant 16 : index
      %swap3A_1412 = tpu.vector_load %arg7[%swap3A_1409, %swap3A_1410, %swap3A_1411] {strides = array<i32>} : memref<2x64x128xf32, #tpu.memory_space<vmem>>, vector<1x1x16xf32>,
      %swap3A_1413 = vector.shape_cast %swap3A_1412 : vector<1x1x16xf32> to vector<16xf32>
      %swap3A_1414 = vector.shape_cast %get3A_1407 : vector<16xf32> to vector<1x1x16xf32>
      tpu.vector_store %arg7[%swap3A_1409, %swap3A_1410, %swap3A_1411], %swap3A_1414 {strides = array<i32>} : memref<2x64x128xf32, #tpu.memory_space<vmem>>, vector<1x1x16xf32>,
      %get3A_1415 = arith.constant 1 : i32
      %get3A_1416 = arith.constant 0 : i32
      %get3A_1417 = arith.index_cast %get3A_1415 : i32 to index
      %get3A_1418 = arith.index_cast %squeeze3A : i32 to index
      %get3A_1419 = arith.index_cast %scan3A_1378 : i32 to index
      %get3A_1420 = arith.index_cast %get3A_1416 : i32 to index
      %get3A_1421 = arith.constant 32 : index
      %get3A_1422 = tpu.vector_load %arg6[%get3A_1417, %get3A_1418, %get3A_1419, %get3A_1420, %get3A_1421] {strides = array<i32>} : memref<2x3x64x1x128xf32, #tpu.memory_space<vmem>>, vector<1x1x1x1x16xf32>,
      %get3A_1423 = vector.shape_cast %get3A_1422 : vector<1x1x1x1x16xf32> to vector<16xf32>
      %swap3A_1424 = arith.constant 1 : i32
      %swap3A_1425 = arith.index_cast %swap3A_1424 : i32 to index
      %swap3A_1426 = arith.index_cast %scan3A_1378 : i32 to index
      %swap3A_1427 = arith.constant 32 : index
      %swap3A_1428 = tpu.vector_load %arg7[%swap3A_1425, %swap3A_1426, %swap3A_1427] {strides = array<i32>} : memref<2x64x128xf32, #tpu.memory_space<vmem>>, vector<1x1x16xf32>,
      %swap3A_1429 = vector.shape_cast %swap3A_1428 : vector<1x1x16xf32> to vector<16xf32>
      %swap3A_1430 = vector.shape_cast %get3A_1423 : vector<16xf32> to vector<1x1x16xf32>
      tpu.vector_store %arg7[%swap3A_1425, %swap3A_1426, %swap3A_1427], %swap3A_1430 {strides = array<i32>} : memref<2x64x128xf32, #tpu.memory_space<vmem>>, vector<1x1x16xf32>,
      %get3A_1431 = arith.constant 1 : i32
      %get3A_1432 = arith.constant 0 : i32
      %get3A_1433 = arith.index_cast %get3A_1431 : i32 to index
      %get3A_1434 = arith.index_cast %squeeze3A : i32 to index
      %get3A_1435 = arith.index_cast %scan3A_1378 : i32 to index
      %get3A_1436 = arith.index_cast %get3A_1432 : i32 to index
      %get3A_1437 = arith.constant 48 : index
      %get3A_1438 = tpu.vector_load %arg6[%get3A_1433, %get3A_1434, %get3A_1435, %get3A_1436, %get3A_1437] {strides = array<i32>} : memref<2x3x64x1x128xf32, #tpu.memory_space<vmem>>, vector<1x1x1x1x16xf32>,
      %get3A_1439 = vector.shape_cast %get3A_1438 : vector<1x1x1x1x16xf32> to vector<16xf32>
      %swap3A_1440 = arith.constant 1 : i32
      %swap3A_1441 = arith.index_cast %swap3A_1440 : i32 to index
      %swap3A_1442 = arith.index_cast %scan3A_1378 : i32 to index
      %swap3A_1443 = arith.constant 48 : index
      %swap3A_1444 = tpu.vector_load %arg7[%swap3A_1441, %swap3A_1442, %swap3A_1443] {strides = array<i32>} : memref<2x64x128xf32, #tpu.memory_space<vmem>>, vector<1x1x16xf32>,
      %swap3A_1445 = vector.shape_cast %swap3A_1444 : vector<1x1x16xf32> to vector<16xf32>
      %swap3A_1446 = vector.shape_cast %get3A_1439 : vector<16xf32> to vector<1x1x16xf32>
      tpu.vector_store %arg7[%swap3A_1441, %swap3A_1442, %swap3A_1443], %swap3A_1446 {strides = array<i32>} : memref<2x64x128xf32, #tpu.memory_space<vmem>>, vector<1x1x16xf32>,
      %get3A_1447 = arith.constant 1 : i32
      %get3A_1448 = arith.constant 0 : i32
      %get3A_1449 = arith.index_cast %get3A_1447 : i32 to index
      %get3A_1450 = arith.index_cast %squeeze3A : i32 to index
      %get3A_1451 = arith.index_cast %scan3A_1378 : i32 to index
      %get3A_1452 = arith.index_cast %get3A_1448 : i32 to index
      %get3A_1453 = arith.constant 64 : index
      %get3A_1454 = tpu.vector_load %arg6[%get3A_1449, %get3A_1450, %get3A_1451, %get3A_1452, %get3A_1453] {strides = array<i32>} : memref<2x3x64x1x128xf32, #tpu.memory_space<vmem>>, vector<1x1x1x1x16xf32>,
      %get3A_1455 = vector.shape_cast %get3A_1454 : vector<1x1x1x1x16xf32> to vector<16xf32>
      %swap3A_1456 = arith.constant 1 : i32
      %swap3A_1457 = arith.index_cast %swap3A_1456 : i32 to index
      %swap3A_1458 = arith.index_cast %scan3A_1378 : i32 to index
      %swap3A_1459 = arith.constant 64 : index
      %swap3A_1460 = tpu.vector_load %arg7[%swap3A_1457, %swap3A_1458, %swap3A_1459] {strides = array<i32>} : memref<2x64x128xf32, #tpu.memory_space<vmem>>, vector<1x1x16xf32>,
      %swap3A_1461 = vector.shape_cast %swap3A_1460 : vector<1x1x16xf32> to vector<16xf32>
      %swap3A_1462 = vector.shape_cast %get3A_1455 : vector<16xf32> to vector<1x1x16xf32>
      tpu.vector_store %arg7[%swap3A_1457, %swap3A_1458, %swap3A_1459], %swap3A_1462 {strides = array<i32>} : memref<2x64x128xf32, #tpu.memory_space<vmem>>, vector<1x1x16xf32>,
      %get3A_1463 = arith.constant 1 : i32
      %get3A_1464 = arith.constant 0 : i32
      %get3A_1465 = arith.index_cast %get3A_1463 : i32 to index
      %get3A_1466 = arith.index_cast %squeeze3A : i32 to index
      %get3A_1467 = arith.index_cast %scan3A_1378 : i32 to index
      %get3A_1468 = arith.index_cast %get3A_1464 : i32 to index
      %get3A_1469 = arith.constant 80 : index
      %get3A_1470 = tpu.vector_load %arg6[%get3A_1465, %get3A_1466, %get3A_1467, %get3A_1468, %get3A_1469] {strides = array<i32>} : memref<2x3x64x1x128xf32, #tpu.memory_space<vmem>>, vector<1x1x1x1x16xf32>,
      %get3A_1471 = vector.shape_cast %get3A_1470 : vector<1x1x1x1x16xf32> to vector<16xf32>
      %swap3A_1472 = arith.constant 1 : i32
      %swap3A_1473 = arith.index_cast %swap3A_1472 : i32 to index
      %swap3A_1474 = arith.index_cast %scan3A_1378 : i32 to index
      %swap3A_1475 = arith.constant 80 : index
      %swap3A_1476 = tpu.vector_load %arg7[%swap3A_1473, %swap3A_1474, %swap3A_1475] {strides = array<i32>} : memref<2x64x128xf32, #tpu.memory_space<vmem>>, vector<1x1x16xf32>,
      %swap3A_1477 = vector.shape_cast %swap3A_1476 : vector<1x1x16xf32> to vector<16xf32>
      %swap3A_1478 = vector.shape_cast %get3A_1471 : vector<16xf32> to vector<1x1x16xf32>
      tpu.vector_store %arg7[%swap3A_1473, %swap3A_1474, %swap3A_1475], %swap3A_1478 {strides = array<i32>} : memref<2x64x128xf32, #tpu.memory_space<vmem>>, vector<1x1x16xf32>,
      %get3A_1479 = arith.constant 1 : i32
      %get3A_1480 = arith.constant 0 : i32
      %get3A_1481 = arith.index_cast %get3A_1479 : i32 to index
      %get3A_1482 = arith.index_cast %squeeze3A : i32 to index
      %get3A_1483 = arith.index_cast %scan3A_1378 : i32 to index
      %get3A_1484 = arith.index_cast %get3A_1480 : i32 to index
      %get3A_1485 = arith.constant 96 : index
      %get3A_1486 = tpu.vector_load %arg6[%get3A_1481, %get3A_1482, %get3A_1483, %get3A_1484, %get3A_1485] {strides = array<i32>} : memref<2x3x64x1x128xf32, #tpu.memory_space<vmem>>, vector<1x1x1x1x16xf32>,
      %get3A_1487 = vector.shape_cast %get3A_1486 : vector<1x1x1x1x16xf32> to vector<16xf32>
      %swap3A_1488 = arith.constant 1 : i32
      %swap3A_1489 = arith.index_cast %swap3A_1488 : i32 to index
      %swap3A_1490 = arith.index_cast %scan3A_1378 : i32 to index
      %swap3A_1491 = arith.constant 96 : index
      %swap3A_1492 = tpu.vector_load %arg7[%swap3A_1489, %swap3A_1490, %swap3A_1491] {strides = array<i32>} : memref<2x64x128xf32, #tpu.memory_space<vmem>>, vector<1x1x16xf32>,
      %swap3A_1493 = vector.shape_cast %swap3A_1492 : vector<1x1x16xf32> to vector<16xf32>
      %swap3A_1494 = vector.shape_cast %get3A_1487 : vector<16xf32> to vector<1x1x16xf32>
      tpu.vector_store %arg7[%swap3A_1489, %swap3A_1490, %swap3A_1491], %swap3A_1494 {strides = array<i32>} : memref<2x64x128xf32, #tpu.memory_space<vmem>>, vector<1x1x16xf32>,
      %get3A_1495 = arith.constant 1 : i32
      %get3A_1496 = arith.constant 0 : i32
      %get3A_1497 = arith.index_cast %get3A_1495 : i32 to index
      %get3A_1498 = arith.index_cast %squeeze3A : i32 to index
      %get3A_1499 = arith.index_cast %scan3A_1378 : i32 to index
      %get3A_1500 = arith.index_cast %get3A_1496 : i32 to index
      %get3A_1501 = arith.constant 112 : index
      %get3A_1502 = tpu.vector_load %arg6[%get3A_1497, %get3A_1498, %get3A_1499, %get3A_1500, %get3A_1501] {strides = array<i32>} : memref<2x3x64x1x128xf32, #tpu.memory_space<vmem>>, vector<1x1x1x1x16xf32>,
      %get3A_1503 = vector.shape_cast %get3A_1502 : vector<1x1x1x1x16xf32> to vector<16xf32>
      %swap3A_1504 = arith.constant 1 : i32
      %swap3A_1505 = arith.index_cast %swap3A_1504 : i32 to index
      %swap3A_1506 = arith.index_cast %scan3A_1378 : i32 to index
      %swap3A_1507 = arith.constant 112 : index
      %swap3A_1508 = tpu.vector_load %arg7[%swap3A_1505, %swap3A_1506, %swap3A_1507] {strides = array<i32>} : memref<2x64x128xf32, #tpu.memory_space<vmem>>, vector<1x1x16xf32>,
      %swap3A_1509 = vector.shape_cast %swap3A_1508 : vector<1x1x16xf32> to vector<16xf32>
      %swap3A_1510 = vector.shape_cast %get3A_1503 : vector<16xf32> to vector<1x1x16xf32>
      tpu.vector_store %arg7[%swap3A_1505, %swap3A_1506, %swap3A_1507], %swap3A_1510 {strides = array<i32>} : memref<2x64x128xf32, #tpu.memory_space<vmem>>, vector<1x1x16xf32>,
      %scan3A_1511 = arith.constant 0 : i32
      scf.yield %scan3A_1511 : i32
    }
    %scan3A_704 = arith.constant 64 : i32
    %add3A_705 = arith.constant 192 : i32
    %add3A_706 = arith.addi %mul3A_2, %add3A_705 : i32
    %dma_start3A_707 = arith.constant 1 : i32
    %dma_start3A_708 = arith.constant 1 : i32
    %dma_start3A_709 = arith.constant 0 : i32
    %dma_start3A_710 = arith.constant 0 : i32
    %dma_start3A_711 = tpu.memref_slice %arg7[%dma_start3A_707, %dma_start3A_709, %dma_start3A_710] : memref<2x64x128xf32, #tpu.memory_space<vmem>> -> memref<1x64x128xf32, #tpu.memory_space<vmem>>
    %dma_start3A_712 = tpu.memref_squeeze %dma_start3A_711 : memref<1x64x128xf32, #tpu.memory_space<vmem>> -> memref<64x128xf32, #tpu.memory_space<vmem>>
    %dma_start3A_713 = arith.constant 0 : i32
    %dma_start3A_714 = tpu.memref_slice %arg4[%add3A_706, %dma_start3A_713] : memref<16384x128xf32, #tpu.memory_space<hbm>> -> memref<64x128xf32, #tpu.memory_space<hbm>>
    %dma_start3A_715 = tpu.memref_slice %arg9[%dma_start3A_708] : memref<2x!tpu.dma_semaphore, #tpu.memory_space<semaphore_mem>> -> memref<1x!tpu.dma_semaphore, #tpu.memory_space<semaphore_mem>>
    %dma_start3A_716 = tpu.memref_squeeze %dma_start3A_715 : memref<1x!tpu.dma_semaphore, #tpu.memory_space<semaphore_mem>> -> memref<!tpu.dma_semaphore, #tpu.memory_space<semaphore_mem>>
    %dma_start3A_717 = arith.constant 0 : i32
    %dma_start3A_718 = tpu.memref_slice %arg4[%add3A_706, %dma_start3A_717] : memref<16384x128xf32, #tpu.memory_space<hbm>> -> memref<64x128xf32, #tpu.memory_space<hbm>>
    %dma_start3A_719 = arith.constant 0 : i32
    %dma_start3A_720 = arith.constant 0 : i32
    %dma_start3A_721 = tpu.memref_slice %arg7[%dma_start3A_707, %dma_start3A_719, %dma_start3A_720] : memref<2x64x128xf32, #tpu.memory_space<vmem>> -> memref<1x64x128xf32, #tpu.memory_space<vmem>>
    %dma_start3A_722 = tpu.memref_squeeze %dma_start3A_721 : memref<1x64x128xf32, #tpu.memory_space<vmem>> -> memref<64x128xf32, #tpu.memory_space<vmem>>
    tpu.enqueue_dma source(%dma_start3A_722 : memref<64x128xf32, #tpu.memory_space<vmem>>) target(%dma_start3A_718 : memref<64x128xf32, #tpu.memory_space<hbm>>) target_semaphore(%dma_start3A_716 : memref<!tpu.dma_semaphore, #tpu.memory_space<semaphore_mem>>)
    %add3A_723 = arith.constant 320 : i32
    %add3A_724 = arith.addi %mul3A_2, %add3A_723 : i32
    %dma_start3A_725 = arith.constant 1 : i32
    %dma_start3A_726 = arith.constant 0 : i32
    %dma_start3A_727 = arith.constant 1 : i32
    %dma_start3A_728 = arith.constant 0 : i32
    %dma_start3A_729 = arith.constant 0 : i32
    %dma_start3A_730 = arith.constant 0 : i32
    %dma_start3A_731 = tpu.memref_slice %arg6[%dma_start3A_725, %dma_start3A_726, %dma_start3A_728, %dma_start3A_729, %dma_start3A_730] : memref<2x3x64x1x128xf32, #tpu.memory_space<vmem>> -> memref<1x1x64x1x128xf32, #tpu.memory_space<vmem>>
    %dma_start3A_732 = tpu.memref_squeeze %dma_start3A_731 : memref<1x1x64x1x128xf32, #tpu.memory_space<vmem>> -> memref<64x1x128xf32, #tpu.memory_space<vmem>>
    %dma_start3A_733 = arith.constant 0 : i32
    %dma_start3A_734 = arith.constant 0 : i32
    %dma_start3A_735 = tpu.memref_slice %arg2[%add3A_724, %dma_start3A_733, %dma_start3A_734] : memref<16384x3x128xf32, #tpu.memory_space<hbm>> -> memref<64x1x128xf32, #tpu.memory_space<hbm>>
    %dma_start3A_736 = tpu.memref_slice %arg8[%dma_start3A_727] : memref<2x!tpu.dma_semaphore, #tpu.memory_space<semaphore_mem>> -> memref<1x!tpu.dma_semaphore, #tpu.memory_space<semaphore_mem>>
    %dma_start3A_737 = tpu.memref_squeeze %dma_start3A_736 : memref<1x!tpu.dma_semaphore, #tpu.memory_space<semaphore_mem>> -> memref<!tpu.dma_semaphore, #tpu.memory_space<semaphore_mem>>
    %dma_start3A_738 = arith.constant 0 : i32
    %dma_start3A_739 = arith.constant 0 : i32
    %dma_start3A_740 = arith.constant 0 : i32
    %dma_start3A_741 = tpu.memref_slice %arg6[%dma_start3A_725, %dma_start3A_726, %dma_start3A_738, %dma_start3A_739, %dma_start3A_740] : memref<2x3x64x1x128xf32, #tpu.memory_space<vmem>> -> memref<1x1x64x1x128xf32, #tpu.memory_space<vmem>>
    %dma_start3A_742 = tpu.memref_squeeze %dma_start3A_741 : memref<1x1x64x1x128xf32, #tpu.memory_space<vmem>> -> memref<64x1x128xf32, #tpu.memory_space<vmem>>
    %dma_start3A_743 = arith.constant 0 : i32
    %dma_start3A_744 = arith.constant 0 : i32
    %dma_start3A_745 = tpu.memref_slice %arg2[%add3A_724, %dma_start3A_743, %dma_start3A_744] : memref<16384x3x128xf32, #tpu.memory_space<hbm>> -> memref<64x1x128xf32, #tpu.memory_space<hbm>>
    tpu.enqueue_dma source(%dma_start3A_745 : memref<64x1x128xf32, #tpu.memory_space<hbm>>) target(%dma_start3A_742 : memref<64x1x128xf32, #tpu.memory_space<vmem>>) target_semaphore(%dma_start3A_737 : memref<!tpu.dma_semaphore, #tpu.memory_space<semaphore_mem>>)
    %add3A_746 = arith.constant 320 : i32
    %add3A_747 = arith.addi %mul3A_2, %add3A_746 : i32
    %dma_start3A_748 = arith.constant 1 : i32
    %dma_start3A_749 = arith.constant 1 : i32
    %dma_start3A_750 = arith.constant 1 : i32
    %dma_start3A_751 = arith.constant 0 : i32
    %dma_start3A_752 = arith.constant 0 : i32
    %dma_start3A_753 = arith.constant 0 : i32
    %dma_start3A_754 = tpu.memref_slice %arg6[%dma_start3A_748, %dma_start3A_749, %dma_start3A_751, %dma_start3A_752, %dma_start3A_753] : memref<2x3x64x1x128xf32, #tpu.memory_space<vmem>> -> memref<1x1x64x1x128xf32, #tpu.memory_space<vmem>>
    %dma_start3A_755 = tpu.memref_squeeze %dma_start3A_754 : memref<1x1x64x1x128xf32, #tpu.memory_space<vmem>> -> memref<64x1x128xf32, #tpu.memory_space<vmem>>
    %dma_start3A_756 = arith.constant 1 : i32
    %dma_start3A_757 = arith.constant 0 : i32
    %dma_start3A_758 = tpu.memref_slice %arg2[%add3A_747, %dma_start3A_756, %dma_start3A_757] : memref<16384x3x128xf32, #tpu.memory_space<hbm>> -> memref<64x1x128xf32, #tpu.memory_space<hbm>>
    %dma_start3A_759 = tpu.memref_slice %arg8[%dma_start3A_750] : memref<2x!tpu.dma_semaphore, #tpu.memory_space<semaphore_mem>> -> memref<1x!tpu.dma_semaphore, #tpu.memory_space<semaphore_mem>>
    %dma_start3A_760 = tpu.memref_squeeze %dma_start3A_759 : memref<1x!tpu.dma_semaphore, #tpu.memory_space<semaphore_mem>> -> memref<!tpu.dma_semaphore, #tpu.memory_space<semaphore_mem>>
    %dma_start3A_761 = arith.constant 0 : i32
    %dma_start3A_762 = arith.constant 0 : i32
    %dma_start3A_763 = arith.constant 0 : i32
    %dma_start3A_764 = tpu.memref_slice %arg6[%dma_start3A_748, %dma_start3A_749, %dma_start3A_761, %dma_start3A_762, %dma_start3A_763] : memref<2x3x64x1x128xf32, #tpu.memory_space<vmem>> -> memref<1x1x64x1x128xf32, #tpu.memory_space<vmem>>
    %dma_start3A_765 = tpu.memref_squeeze %dma_start3A_764 : memref<1x1x64x1x128xf32, #tpu.memory_space<vmem>> -> memref<64x1x128xf32, #tpu.memory_space<vmem>>
    %dma_start3A_766 = arith.constant 1 : i32
    %dma_start3A_767 = arith.constant 0 : i32
    %dma_start3A_768 = tpu.memref_slice %arg2[%add3A_747, %dma_start3A_766, %dma_start3A_767] : memref<16384x3x128xf32, #tpu.memory_space<hbm>> -> memref<64x1x128xf32, #tpu.memory_space<hbm>>
    tpu.enqueue_dma source(%dma_start3A_768 : memref<64x1x128xf32, #tpu.memory_space<hbm>>) target(%dma_start3A_765 : memref<64x1x128xf32, #tpu.memory_space<vmem>>) target_semaphore(%dma_start3A_760 : memref<!tpu.dma_semaphore, #tpu.memory_space<semaphore_mem>>)
    %add3A_769 = arith.constant 320 : i32
    %add3A_770 = arith.addi %mul3A_2, %add3A_769 : i32
    %dma_start3A_771 = arith.constant 1 : i32
    %dma_start3A_772 = arith.constant 2 : i32
    %dma_start3A_773 = arith.constant 1 : i32
    %dma_start3A_774 = arith.constant 0 : i32
    %dma_start3A_775 = arith.constant 0 : i32
    %dma_start3A_776 = arith.constant 0 : i32
    %dma_start3A_777 = tpu.memref_slice %arg6[%dma_start3A_771, %dma_start3A_772, %dma_start3A_774, %dma_start3A_775, %dma_start3A_776] : memref<2x3x64x1x128xf32, #tpu.memory_space<vmem>> -> memref<1x1x64x1x128xf32, #tpu.memory_space<vmem>>
    %dma_start3A_778 = tpu.memref_squeeze %dma_start3A_777 : memref<1x1x64x1x128xf32, #tpu.memory_space<vmem>> -> memref<64x1x128xf32, #tpu.memory_space<vmem>>
    %dma_start3A_779 = arith.constant 2 : i32
    %dma_start3A_780 = arith.constant 0 : i32
    %dma_start3A_781 = tpu.memref_slice %arg2[%add3A_770, %dma_start3A_779, %dma_start3A_780] : memref<16384x3x128xf32, #tpu.memory_space<hbm>> -> memref<64x1x128xf32, #tpu.memory_space<hbm>>
    %dma_start3A_782 = tpu.memref_slice %arg8[%dma_start3A_773] : memref<2x!tpu.dma_semaphore, #tpu.memory_space<semaphore_mem>> -> memref<1x!tpu.dma_semaphore, #tpu.memory_space<semaphore_mem>>
    %dma_start3A_783 = tpu.memref_squeeze %dma_start3A_782 : memref<1x!tpu.dma_semaphore, #tpu.memory_space<semaphore_mem>> -> memref<!tpu.dma_semaphore, #tpu.memory_space<semaphore_mem>>
    %dma_start3A_784 = arith.constant 0 : i32
    %dma_start3A_785 = arith.constant 0 : i32
    %dma_start3A_786 = arith.constant 0 : i32
    %dma_start3A_787 = tpu.memref_slice %arg6[%dma_start3A_771, %dma_start3A_772, %dma_start3A_784, %dma_start3A_785, %dma_start3A_786] : memref<2x3x64x1x128xf32, #tpu.memory_space<vmem>> -> memref<1x1x64x1x128xf32, #tpu.memory_space<vmem>>
    %dma_start3A_788 = tpu.memref_squeeze %dma_start3A_787 : memref<1x1x64x1x128xf32, #tpu.memory_space<vmem>> -> memref<64x1x128xf32, #tpu.memory_space<vmem>>
    %dma_start3A_789 = arith.constant 2 : i32
    %dma_start3A_790 = arith.constant 0 : i32
    %dma_start3A_791 = tpu.memref_slice %arg2[%add3A_770, %dma_start3A_789, %dma_start3A_790] : memref<16384x3x128xf32, #tpu.memory_space<hbm>> -> memref<64x1x128xf32, #tpu.memory_space<hbm>>
    tpu.enqueue_dma source(%dma_start3A_791 : memref<64x1x128xf32, #tpu.memory_space<hbm>>) target(%dma_start3A_788 : memref<64x1x128xf32, #tpu.memory_space<vmem>>) target_semaphore(%dma_start3A_783 : memref<!tpu.dma_semaphore, #tpu.memory_space<semaphore_mem>>)
    %dma_wait3A_792 = arith.constant 0 : i32
    %dma_wait3A_793 = arith.constant 0 : i32
    %dma_wait3A_794 = arith.constant 0 : i32
    %dma_wait3A_795 = arith.constant 0 : i32
    %dma_wait3A_796 = arith.constant 0 : i32
    %dma_wait3A_797 = arith.constant 0 : i32
    %dma_wait3A_798 = tpu.memref_slice %arg6[%dma_wait3A_792, %dma_wait3A_793, %dma_wait3A_795, %dma_wait3A_796, %dma_wait3A_797] : memref<2x3x64x1x128xf32, #tpu.memory_space<vmem>> -> memref<1x1x64x1x128xf32, #tpu.memory_space<vmem>>
    %dma_wait3A_799 = tpu.memref_squeeze %dma_wait3A_798 : memref<1x1x64x1x128xf32, #tpu.memory_space<vmem>> -> memref<64x1x128xf32, #tpu.memory_space<vmem>>
    %dma_wait3A_800 = arith.constant 0 : i32
    %dma_wait3A_801 = arith.constant 0 : i32
    %dma_wait3A_802 = tpu.memref_slice %arg2[%add3A_551, %dma_wait3A_800, %dma_wait3A_801] : memref<16384x3x128xf32, #tpu.memory_space<hbm>> -> memref<64x1x128xf32, #tpu.memory_space<hbm>>
    %dma_wait3A_803 = tpu.memref_slice %arg8[%dma_wait3A_794] : memref<2x!tpu.dma_semaphore, #tpu.memory_space<semaphore_mem>> -> memref<1x!tpu.dma_semaphore, #tpu.memory_space<semaphore_mem>>
    %dma_wait3A_804 = tpu.memref_squeeze %dma_wait3A_803 : memref<1x!tpu.dma_semaphore, #tpu.memory_space<semaphore_mem>> -> memref<!tpu.dma_semaphore, #tpu.memory_space<semaphore_mem>>
    %dma_wait3A_805 = arith.constant 0 : i32
    %dma_wait3A_806 = arith.constant 0 : i32
    %dma_wait3A_807 = arith.constant 0 : i32
    %dma_wait3A_808 = tpu.memref_slice %arg6[%dma_wait3A_792, %dma_wait3A_793, %dma_wait3A_805, %dma_wait3A_806, %dma_wait3A_807] : memref<2x3x64x1x128xf32, #tpu.memory_space<vmem>> -> memref<1x1x64x1x128xf32, #tpu.memory_space<vmem>>
    %dma_wait3A_809 = tpu.memref_squeeze %dma_wait3A_808 : memref<1x1x64x1x128xf32, #tpu.memory_space<vmem>> -> memref<64x1x128xf32, #tpu.memory_space<vmem>>
    %dma_wait3A_810 = arith.constant 0 : i32
    %dma_wait3A_811 = arith.constant 0 : i32
    %dma_wait3A_812 = tpu.memref_slice %arg2[%add3A_551, %dma_wait3A_810, %dma_wait3A_811] : memref<16384x3x128xf32, #tpu.memory_space<hbm>> -> memref<64x1x128xf32, #tpu.memory_space<hbm>>
    tpu.wait_dma2 semaphore(%dma_wait3A_804 : memref<!tpu.dma_semaphore, #tpu.memory_space<semaphore_mem>>) src(%dma_wait3A_812 : memref<64x1x128xf32, #tpu.memory_space<hbm>>) dst(%dma_wait3A_809 : memref<64x1x128xf32, #tpu.memory_space<vmem>>)
    %dma_wait3A_813 = arith.constant 0 : i32
    %dma_wait3A_814 = arith.constant 1 : i32
    %dma_wait3A_815 = arith.constant 0 : i32
    %dma_wait3A_816 = arith.constant 0 : i32
    %dma_wait3A_817 = arith.constant 0 : i32
    %dma_wait3A_818 = arith.constant 0 : i32
    %dma_wait3A_819 = tpu.memref_slice %arg6[%dma_wait3A_813, %dma_wait3A_814, %dma_wait3A_816, %dma_wait3A_817, %dma_wait3A_818] : memref<2x3x64x1x128xf32, #tpu.memory_space<vmem>> -> memref<1x1x64x1x128xf32, #tpu.memory_space<vmem>>
    %dma_wait3A_820 = tpu.memref_squeeze %dma_wait3A_819 : memref<1x1x64x1x128xf32, #tpu.memory_space<vmem>> -> memref<64x1x128xf32, #tpu.memory_space<vmem>>
    %dma_wait3A_821 = arith.constant 1 : i32
    %dma_wait3A_822 = arith.constant 0 : i32
    %dma_wait3A_823 = tpu.memref_slice %arg2[%add3A_574, %dma_wait3A_821, %dma_wait3A_822] : memref<16384x3x128xf32, #tpu.memory_space<hbm>> -> memref<64x1x128xf32, #tpu.memory_space<hbm>>
    %dma_wait3A_824 = tpu.memref_slice %arg8[%dma_wait3A_815] : memref<2x!tpu.dma_semaphore, #tpu.memory_space<semaphore_mem>> -> memref<1x!tpu.dma_semaphore, #tpu.memory_space<semaphore_mem>>
    %dma_wait3A_825 = tpu.memref_squeeze %dma_wait3A_824 : memref<1x!tpu.dma_semaphore, #tpu.memory_space<semaphore_mem>> -> memref<!tpu.dma_semaphore, #tpu.memory_space<semaphore_mem>>
    %dma_wait3A_826 = arith.constant 0 : i32
    %dma_wait3A_827 = arith.constant 0 : i32
    %dma_wait3A_828 = arith.constant 0 : i32
    %dma_wait3A_829 = tpu.memref_slice %arg6[%dma_wait3A_813, %dma_wait3A_814, %dma_wait3A_826, %dma_wait3A_827, %dma_wait3A_828] : memref<2x3x64x1x128xf32, #tpu.memory_space<vmem>> -> memref<1x1x64x1x128xf32, #tpu.memory_space<vmem>>
    %dma_wait3A_830 = tpu.memref_squeeze %dma_wait3A_829 : memref<1x1x64x1x128xf32, #tpu.memory_space<vmem>> -> memref<64x1x128xf32, #tpu.memory_space<vmem>>
    %dma_wait3A_831 = arith.constant 1 : i32
    %dma_wait3A_832 = arith.constant 0 : i32
    %dma_wait3A_833 = tpu.memref_slice %arg2[%add3A_574, %dma_wait3A_831, %dma_wait3A_832] : memref<16384x3x128xf32, #tpu.memory_space<hbm>> -> memref<64x1x128xf32, #tpu.memory_space<hbm>>
    tpu.wait_dma2 semaphore(%dma_wait3A_825 : memref<!tpu.dma_semaphore, #tpu.memory_space<semaphore_mem>>) src(%dma_wait3A_833 : memref<64x1x128xf32, #tpu.memory_space<hbm>>) dst(%dma_wait3A_830 : memref<64x1x128xf32, #tpu.memory_space<vmem>>)
    %dma_wait3A_834 = arith.constant 0 : i32
    %dma_wait3A_835 = arith.constant 2 : i32
    %dma_wait3A_836 = arith.constant 0 : i32
    %dma_wait3A_837 = arith.constant 0 : i32
    %dma_wait3A_838 = arith.constant 0 : i32
    %dma_wait3A_839 = arith.constant 0 : i32
    %dma_wait3A_840 = tpu.memref_slice %arg6[%dma_wait3A_834, %dma_wait3A_835, %dma_wait3A_837, %dma_wait3A_838, %dma_wait3A_839] : memref<2x3x64x1x128xf32, #tpu.memory_space<vmem>> -> memref<1x1x64x1x128xf32, #tpu.memory_space<vmem>>
    %dma_wait3A_841 = tpu.memref_squeeze %dma_wait3A_840 : memref<1x1x64x1x128xf32, #tpu.memory_space<vmem>> -> memref<64x1x128xf32, #tpu.memory_space<vmem>>
    %dma_wait3A_842 = arith.constant 2 : i32
    %dma_wait3A_843 = arith.constant 0 : i32
    %dma_wait3A_844 = tpu.memref_slice %arg2[%add3A_597, %dma_wait3A_842, %dma_wait3A_843] : memref<16384x3x128xf32, #tpu.memory_space<hbm>> -> memref<64x1x128xf32, #tpu.memory_space<hbm>>
    %dma_wait3A_845 = tpu.memref_slice %arg8[%dma_wait3A_836] : memref<2x!tpu.dma_semaphore, #tpu.memory_space<semaphore_mem>> -> memref<1x!tpu.dma_semaphore, #tpu.memory_space<semaphore_mem>>
    %dma_wait3A_846 = tpu.memref_squeeze %dma_wait3A_845 : memref<1x!tpu.dma_semaphore, #tpu.memory_space<semaphore_mem>> -> memref<!tpu.dma_semaphore, #tpu.memory_space<semaphore_mem>>
    %dma_wait3A_847 = arith.constant 0 : i32
    %dma_wait3A_848 = arith.constant 0 : i32
    %dma_wait3A_849 = arith.constant 0 : i32
    %dma_wait3A_850 = tpu.memref_slice %arg6[%dma_wait3A_834, %dma_wait3A_835, %dma_wait3A_847, %dma_wait3A_848, %dma_wait3A_849] : memref<2x3x64x1x128xf32, #tpu.memory_space<vmem>> -> memref<1x1x64x1x128xf32, #tpu.memory_space<vmem>>
    %dma_wait3A_851 = tpu.memref_squeeze %dma_wait3A_850 : memref<1x1x64x1x128xf32, #tpu.memory_space<vmem>> -> memref<64x1x128xf32, #tpu.memory_space<vmem>>
    %dma_wait3A_852 = arith.constant 2 : i32
    %dma_wait3A_853 = arith.constant 0 : i32
    %dma_wait3A_854 = tpu.memref_slice %arg2[%add3A_597, %dma_wait3A_852, %dma_wait3A_853] : memref<16384x3x128xf32, #tpu.memory_space<hbm>> -> memref<64x1x128xf32, #tpu.memory_space<hbm>>
    tpu.wait_dma2 semaphore(%dma_wait3A_846 : memref<!tpu.dma_semaphore, #tpu.memory_space<semaphore_mem>>) src(%dma_wait3A_854 : memref<64x1x128xf32, #tpu.memory_space<hbm>>) dst(%dma_wait3A_851 : memref<64x1x128xf32, #tpu.memory_space<vmem>>)
    %dma_wait3A_855 = arith.constant 0 : i32
    %dma_wait3A_856 = arith.constant 0 : i32
    %dma_wait3A_857 = arith.constant 0 : i32
    %dma_wait3A_858 = arith.constant 0 : i32
    %dma_wait3A_859 = tpu.memref_slice %arg7[%dma_wait3A_855, %dma_wait3A_857, %dma_wait3A_858] : memref<2x64x128xf32, #tpu.memory_space<vmem>> -> memref<1x64x128xf32, #tpu.memory_space<vmem>>
    %dma_wait3A_860 = tpu.memref_squeeze %dma_wait3A_859 : memref<1x64x128xf32, #tpu.memory_space<vmem>> -> memref<64x128xf32, #tpu.memory_space<vmem>>
    %dma_wait3A_861 = arith.constant 0 : i32
    %dma_wait3A_862 = tpu.memref_slice %arg4[%add3A_533, %dma_wait3A_861] : memref<16384x128xf32, #tpu.memory_space<hbm>> -> memref<64x128xf32, #tpu.memory_space<hbm>>
    %dma_wait3A_863 = tpu.memref_slice %arg9[%dma_wait3A_856] : memref<2x!tpu.dma_semaphore, #tpu.memory_space<semaphore_mem>> -> memref<1x!tpu.dma_semaphore, #tpu.memory_space<semaphore_mem>>
    %dma_wait3A_864 = tpu.memref_squeeze %dma_wait3A_863 : memref<1x!tpu.dma_semaphore, #tpu.memory_space<semaphore_mem>> -> memref<!tpu.dma_semaphore, #tpu.memory_space<semaphore_mem>>
    %dma_wait3A_865 = arith.constant 0 : i32
    %dma_wait3A_866 = tpu.memref_slice %arg4[%add3A_533, %dma_wait3A_865] : memref<16384x128xf32, #tpu.memory_space<hbm>> -> memref<64x128xf32, #tpu.memory_space<hbm>>
    %dma_wait3A_867 = arith.constant 0 : i32
    %dma_wait3A_868 = arith.constant 0 : i32
    %dma_wait3A_869 = tpu.memref_slice %arg7[%dma_wait3A_855, %dma_wait3A_867, %dma_wait3A_868] : memref<2x64x128xf32, #tpu.memory_space<vmem>> -> memref<1x64x128xf32, #tpu.memory_space<vmem>>
    %dma_wait3A_870 = tpu.memref_squeeze %dma_wait3A_869 : memref<1x64x128xf32, #tpu.memory_space<vmem>> -> memref<64x128xf32, #tpu.memory_space<vmem>>
    tpu.wait_dma2 semaphore(%dma_wait3A_864 : memref<!tpu.dma_semaphore, #tpu.memory_space<semaphore_mem>>) src(%dma_wait3A_870 : memref<64x128xf32, #tpu.memory_space<vmem>>) dst(%dma_wait3A_866 : memref<64x128xf32, #tpu.memory_space<hbm>>)
    %scan3A_871 = arith.constant 0 : i32
    %scan3A_872 = arith.constant 0 : i32
    %scan3A_873 = arith.constant 64 : i32
    %scan3A_874 = arith.addi %scan3A_872, %scan3A_873 : i32
    %scan3A_875 = arith.constant 1 : i32
    %scan3A_876 = scf.for %scan3A_1378 = %scan3A_872 to %scan3A_874 step %scan3A_875 iter_args(%scan3A_1379 = %scan3A_871) -> (i32)  : i32 {
      %add3A_1380 = arith.constant 256 : i32
      %add3A_1381 = arith.addi %add3A_1380, %scan3A_1378 : i32
      %get3A = arith.index_cast %add3A_1381 : i32 to index
      %get3A_1382 = tpu.vector_load %arg5[%get3A] {strides = array<i32>} : memref<528xi32, #tpu.memory_space<vmem>>, vector<16xi32>,
      %get3A_1383 = vector.shape_cast %get3A_1382 : vector<16xi32> to vector<16xi32>
      %slice3A = vector.extract_strided_slice %get3A_1383 {offsets = [0], sizes = [1], strides = [1]} : vector<16xi32> to vector<1xi32>
      %squeeze3A = vector.extract %slice3A[0] : i32 from vector<1xi32>
      %get3A_1384 = arith.constant 0 : i32
      %get3A_1385 = arith.constant 0 : i32
      %get3A_1386 = arith.index_cast %get3A_1384 : i32 to index
      %get3A_1387 = arith.index_cast %squeeze3A : i32 to index
      %get3A_1388 = arith.index_cast %scan3A_1378 : i32 to index
      %get3A_1389 = arith.index_cast %get3A_1385 : i32 to index
      %get3A_1390 = arith.constant 0 : index
      %get3A_1391 = tpu.vector_load %arg6[%get3A_1386, %get3A_1387, %get3A_1388, %get3A_1389, %get3A_1390] {strides = array<i32>} : memref<2x3x64x1x128xf32, #tpu.memory_space<vmem>>, vector<1x1x1x1x16xf32>,
      %get3A_1392 = vector.shape_cast %get3A_1391 : vector<1x1x1x1x16xf32> to vector<16xf32>
      %swap3A = arith.constant 0 : i32
      %swap3A_1393 = arith.index_cast %swap3A : i32 to index
      %swap3A_1394 = arith.index_cast %scan3A_1378 : i32 to index
      %swap3A_1395 = arith.constant 0 : index
      %swap3A_1396 = tpu.vector_load %arg7[%swap3A_1393, %swap3A_1394, %swap3A_1395] {strides = array<i32>} : memref<2x64x128xf32, #tpu.memory_space<vmem>>, vector<1x1x16xf32>,
      %swap3A_1397 = vector.shape_cast %swap3A_1396 : vector<1x1x16xf32> to vector<16xf32>
      %swap3A_1398 = vector.shape_cast %get3A_1392 : vector<16xf32> to vector<1x1x16xf32>
      tpu.vector_store %arg7[%swap3A_1393, %swap3A_1394, %swap3A_1395], %swap3A_1398 {strides = array<i32>} : memref<2x64x128xf32, #tpu.memory_space<vmem>>, vector<1x1x16xf32>,
      %get3A_1399 = arith.constant 0 : i32
      %get3A_1400 = arith.constant 0 : i32
      %get3A_1401 = arith.index_cast %get3A_1399 : i32 to index
      %get3A_1402 = arith.index_cast %squeeze3A : i32 to index
      %get3A_1403 = arith.index_cast %scan3A_1378 : i32 to index
      %get3A_1404 = arith.index_cast %get3A_1400 : i32 to index
      %get3A_1405 = arith.constant 16 : index
      %get3A_1406 = tpu.vector_load %arg6[%get3A_1401, %get3A_1402, %get3A_1403, %get3A_1404, %get3A_1405] {strides = array<i32>} : memref<2x3x64x1x128xf32, #tpu.memory_space<vmem>>, vector<1x1x1x1x16xf32>,
      %get3A_1407 = vector.shape_cast %get3A_1406 : vector<1x1x1x1x16xf32> to vector<16xf32>
      %swap3A_1408 = arith.constant 0 : i32
      %swap3A_1409 = arith.index_cast %swap3A_1408 : i32 to index
      %swap3A_1410 = arith.index_cast %scan3A_1378 : i32 to index
      %swap3A_1411 = arith.constant 16 : index
      %swap3A_1412 = tpu.vector_load %arg7[%swap3A_1409, %swap3A_1410, %swap3A_1411] {strides = array<i32>} : memref<2x64x128xf32, #tpu.memory_space<vmem>>, vector<1x1x16xf32>,
      %swap3A_1413 = vector.shape_cast %swap3A_1412 : vector<1x1x16xf32> to vector<16xf32>
      %swap3A_1414 = vector.shape_cast %get3A_1407 : vector<16xf32> to vector<1x1x16xf32>
      tpu.vector_store %arg7[%swap3A_1409, %swap3A_1410, %swap3A_1411], %swap3A_1414 {strides = array<i32>} : memref<2x64x128xf32, #tpu.memory_space<vmem>>, vector<1x1x16xf32>,
      %get3A_1415 = arith.constant 0 : i32
      %get3A_1416 = arith.constant 0 : i32
      %get3A_1417 = arith.index_cast %get3A_1415 : i32 to index
      %get3A_1418 = arith.index_cast %squeeze3A : i32 to index
      %get3A_1419 = arith.index_cast %scan3A_1378 : i32 to index
      %get3A_1420 = arith.index_cast %get3A_1416 : i32 to index
      %get3A_1421 = arith.constant 32 : index
      %get3A_1422 = tpu.vector_load %arg6[%get3A_1417, %get3A_1418, %get3A_1419, %get3A_1420, %get3A_1421] {strides = array<i32>} : memref<2x3x64x1x128xf32, #tpu.memory_space<vmem>>, vector<1x1x1x1x16xf32>,
      %get3A_1423 = vector.shape_cast %get3A_1422 : vector<1x1x1x1x16xf32> to vector<16xf32>
      %swap3A_1424 = arith.constant 0 : i32
      %swap3A_1425 = arith.index_cast %swap3A_1424 : i32 to index
      %swap3A_1426 = arith.index_cast %scan3A_1378 : i32 to index
      %swap3A_1427 = arith.constant 32 : index
      %swap3A_1428 = tpu.vector_load %arg7[%swap3A_1425, %swap3A_1426, %swap3A_1427] {strides = array<i32>} : memref<2x64x128xf32, #tpu.memory_space<vmem>>, vector<1x1x16xf32>,
      %swap3A_1429 = vector.shape_cast %swap3A_1428 : vector<1x1x16xf32> to vector<16xf32>
      %swap3A_1430 = vector.shape_cast %get3A_1423 : vector<16xf32> to vector<1x1x16xf32>
      tpu.vector_store %arg7[%swap3A_1425, %swap3A_1426, %swap3A_1427], %swap3A_1430 {strides = array<i32>} : memref<2x64x128xf32, #tpu.memory_space<vmem>>, vector<1x1x16xf32>,
      %get3A_1431 = arith.constant 0 : i32
      %get3A_1432 = arith.constant 0 : i32
      %get3A_1433 = arith.index_cast %get3A_1431 : i32 to index
      %get3A_1434 = arith.index_cast %squeeze3A : i32 to index
      %get3A_1435 = arith.index_cast %scan3A_1378 : i32 to index
      %get3A_1436 = arith.index_cast %get3A_1432 : i32 to index
      %get3A_1437 = arith.constant 48 : index
      %get3A_1438 = tpu.vector_load %arg6[%get3A_1433, %get3A_1434, %get3A_1435, %get3A_1436, %get3A_1437] {strides = array<i32>} : memref<2x3x64x1x128xf32, #tpu.memory_space<vmem>>, vector<1x1x1x1x16xf32>,
      %get3A_1439 = vector.shape_cast %get3A_1438 : vector<1x1x1x1x16xf32> to vector<16xf32>
      %swap3A_1440 = arith.constant 0 : i32
      %swap3A_1441 = arith.index_cast %swap3A_1440 : i32 to index
      %swap3A_1442 = arith.index_cast %scan3A_1378 : i32 to index
      %swap3A_1443 = arith.constant 48 : index
      %swap3A_1444 = tpu.vector_load %arg7[%swap3A_1441, %swap3A_1442, %swap3A_1443] {strides = array<i32>} : memref<2x64x128xf32, #tpu.memory_space<vmem>>, vector<1x1x16xf32>,
      %swap3A_1445 = vector.shape_cast %swap3A_1444 : vector<1x1x16xf32> to vector<16xf32>
      %swap3A_1446 = vector.shape_cast %get3A_1439 : vector<16xf32> to vector<1x1x16xf32>
      tpu.vector_store %arg7[%swap3A_1441, %swap3A_1442, %swap3A_1443], %swap3A_1446 {strides = array<i32>} : memref<2x64x128xf32, #tpu.memory_space<vmem>>, vector<1x1x16xf32>,
      %get3A_1447 = arith.constant 0 : i32
      %get3A_1448 = arith.constant 0 : i32
      %get3A_1449 = arith.index_cast %get3A_1447 : i32 to index
      %get3A_1450 = arith.index_cast %squeeze3A : i32 to index
      %get3A_1451 = arith.index_cast %scan3A_1378 : i32 to index
      %get3A_1452 = arith.index_cast %get3A_1448 : i32 to index
      %get3A_1453 = arith.constant 64 : index
      %get3A_1454 = tpu.vector_load %arg6[%get3A_1449, %get3A_1450, %get3A_1451, %get3A_1452, %get3A_1453] {strides = array<i32>} : memref<2x3x64x1x128xf32, #tpu.memory_space<vmem>>, vector<1x1x1x1x16xf32>,
      %get3A_1455 = vector.shape_cast %get3A_1454 : vector<1x1x1x1x16xf32> to vector<16xf32>
      %swap3A_1456 = arith.constant 0 : i32
      %swap3A_1457 = arith.index_cast %swap3A_1456 : i32 to index
      %swap3A_1458 = arith.index_cast %scan3A_1378 : i32 to index
      %swap3A_1459 = arith.constant 64 : index
      %swap3A_1460 = tpu.vector_load %arg7[%swap3A_1457, %swap3A_1458, %swap3A_1459] {strides = array<i32>} : memref<2x64x128xf32, #tpu.memory_space<vmem>>, vector<1x1x16xf32>,
      %swap3A_1461 = vector.shape_cast %swap3A_1460 : vector<1x1x16xf32> to vector<16xf32>
      %swap3A_1462 = vector.shape_cast %get3A_1455 : vector<16xf32> to vector<1x1x16xf32>
      tpu.vector_store %arg7[%swap3A_1457, %swap3A_1458, %swap3A_1459], %swap3A_1462 {strides = array<i32>} : memref<2x64x128xf32, #tpu.memory_space<vmem>>, vector<1x1x16xf32>,
      %get3A_1463 = arith.constant 0 : i32
      %get3A_1464 = arith.constant 0 : i32
      %get3A_1465 = arith.index_cast %get3A_1463 : i32 to index
      %get3A_1466 = arith.index_cast %squeeze3A : i32 to index
      %get3A_1467 = arith.index_cast %scan3A_1378 : i32 to index
      %get3A_1468 = arith.index_cast %get3A_1464 : i32 to index
      %get3A_1469 = arith.constant 80 : index
      %get3A_1470 = tpu.vector_load %arg6[%get3A_1465, %get3A_1466, %get3A_1467, %get3A_1468, %get3A_1469] {strides = array<i32>} : memref<2x3x64x1x128xf32, #tpu.memory_space<vmem>>, vector<1x1x1x1x16xf32>,
      %get3A_1471 = vector.shape_cast %get3A_1470 : vector<1x1x1x1x16xf32> to vector<16xf32>
      %swap3A_1472 = arith.constant 0 : i32
      %swap3A_1473 = arith.index_cast %swap3A_1472 : i32 to index
      %swap3A_1474 = arith.index_cast %scan3A_1378 : i32 to index
      %swap3A_1475 = arith.constant 80 : index
      %swap3A_1476 = tpu.vector_load %arg7[%swap3A_1473, %swap3A_1474, %swap3A_1475] {strides = array<i32>} : memref<2x64x128xf32, #tpu.memory_space<vmem>>, vector<1x1x16xf32>,
      %swap3A_1477 = vector.shape_cast %swap3A_1476 : vector<1x1x16xf32> to vector<16xf32>
      %swap3A_1478 = vector.shape_cast %get3A_1471 : vector<16xf32> to vector<1x1x16xf32>
      tpu.vector_store %arg7[%swap3A_1473, %swap3A_1474, %swap3A_1475], %swap3A_1478 {strides = array<i32>} : memref<2x64x128xf32, #tpu.memory_space<vmem>>, vector<1x1x16xf32>,
      %get3A_1479 = arith.constant 0 : i32
      %get3A_1480 = arith.constant 0 : i32
      %get3A_1481 = arith.index_cast %get3A_1479 : i32 to index
      %get3A_1482 = arith.index_cast %squeeze3A : i32 to index
      %get3A_1483 = arith.index_cast %scan3A_1378 : i32 to index
      %get3A_1484 = arith.index_cast %get3A_1480 : i32 to index
      %get3A_1485 = arith.constant 96 : index
      %get3A_1486 = tpu.vector_load %arg6[%get3A_1481, %get3A_1482, %get3A_1483, %get3A_1484, %get3A_1485] {strides = array<i32>} : memref<2x3x64x1x128xf32, #tpu.memory_space<vmem>>, vector<1x1x1x1x16xf32>,
      %get3A_1487 = vector.shape_cast %get3A_1486 : vector<1x1x1x1x16xf32> to vector<16xf32>
      %swap3A_1488 = arith.constant 0 : i32
      %swap3A_1489 = arith.index_cast %swap3A_1488 : i32 to index
      %swap3A_1490 = arith.index_cast %scan3A_1378 : i32 to index
      %swap3A_1491 = arith.constant 96 : index
      %swap3A_1492 = tpu.vector_load %arg7[%swap3A_1489, %swap3A_1490, %swap3A_1491] {strides = array<i32>} : memref<2x64x128xf32, #tpu.memory_space<vmem>>, vector<1x1x16xf32>,
      %swap3A_1493 = vector.shape_cast %swap3A_1492 : vector<1x1x16xf32> to vector<16xf32>
      %swap3A_1494 = vector.shape_cast %get3A_1487 : vector<16xf32> to vector<1x1x16xf32>
      tpu.vector_store %arg7[%swap3A_1489, %swap3A_1490, %swap3A_1491], %swap3A_1494 {strides = array<i32>} : memref<2x64x128xf32, #tpu.memory_space<vmem>>, vector<1x1x16xf32>,
      %get3A_1495 = arith.constant 0 : i32
      %get3A_1496 = arith.constant 0 : i32
      %get3A_1497 = arith.index_cast %get3A_1495 : i32 to index
      %get3A_1498 = arith.index_cast %squeeze3A : i32 to index
      %get3A_1499 = arith.index_cast %scan3A_1378 : i32 to index
      %get3A_1500 = arith.index_cast %get3A_1496 : i32 to index
      %get3A_1501 = arith.constant 112 : index
      %get3A_1502 = tpu.vector_load %arg6[%get3A_1497, %get3A_1498, %get3A_1499, %get3A_1500, %get3A_1501] {strides = array<i32>} : memref<2x3x64x1x128xf32, #tpu.memory_space<vmem>>, vector<1x1x1x1x16xf32>,
      %get3A_1503 = vector.shape_cast %get3A_1502 : vector<1x1x1x1x16xf32> to vector<16xf32>
      %swap3A_1504 = arith.constant 0 : i32
      %swap3A_1505 = arith.index_cast %swap3A_1504 : i32 to index
      %swap3A_1506 = arith.index_cast %scan3A_1378 : i32 to index
      %swap3A_1507 = arith.constant 112 : index
      %swap3A_1508 = tpu.vector_load %arg7[%swap3A_1505, %swap3A_1506, %swap3A_1507] {strides = array<i32>} : memref<2x64x128xf32, #tpu.memory_space<vmem>>, vector<1x1x16xf32>,
      %swap3A_1509 = vector.shape_cast %swap3A_1508 : vector<1x1x16xf32> to vector<16xf32>
      %swap3A_1510 = vector.shape_cast %get3A_1503 : vector<16xf32> to vector<1x1x16xf32>
      tpu.vector_store %arg7[%swap3A_1505, %swap3A_1506, %swap3A_1507], %swap3A_1510 {strides = array<i32>} : memref<2x64x128xf32, #tpu.memory_space<vmem>>, vector<1x1x16xf32>,
      %scan3A_1511 = arith.constant 0 : i32
      scf.yield %scan3A_1511 : i32
    }
    %scan3A_877 = arith.constant 64 : i32
    %add3A_878 = arith.constant 256 : i32
    %add3A_879 = arith.addi %mul3A_2, %add3A_878 : i32
    %dma_start3A_880 = arith.constant 0 : i32
    %dma_start3A_881 = arith.constant 0 : i32
    %dma_start3A_882 = arith.constant 0 : i32
    %dma_start3A_883 = arith.constant 0 : i32
    %dma_start3A_884 = tpu.memref_slice %arg7[%dma_start3A_880, %dma_start3A_882, %dma_start3A_883] : memref<2x64x128xf32, #tpu.memory_space<vmem>> -> memref<1x64x128xf32, #tpu.memory_space<vmem>>
    %dma_start3A_885 = tpu.memref_squeeze %dma_start3A_884 : memref<1x64x128xf32, #tpu.memory_space<vmem>> -> memref<64x128xf32, #tpu.memory_space<vmem>>
    %dma_start3A_886 = arith.constant 0 : i32
    %dma_start3A_887 = tpu.memref_slice %arg4[%add3A_879, %dma_start3A_886] : memref<16384x128xf32, #tpu.memory_space<hbm>> -> memref<64x128xf32, #tpu.memory_space<hbm>>
    %dma_start3A_888 = tpu.memref_slice %arg9[%dma_start3A_881] : memref<2x!tpu.dma_semaphore, #tpu.memory_space<semaphore_mem>> -> memref<1x!tpu.dma_semaphore, #tpu.memory_space<semaphore_mem>>
    %dma_start3A_889 = tpu.memref_squeeze %dma_start3A_888 : memref<1x!tpu.dma_semaphore, #tpu.memory_space<semaphore_mem>> -> memref<!tpu.dma_semaphore, #tpu.memory_space<semaphore_mem>>
    %dma_start3A_890 = arith.constant 0 : i32
    %dma_start3A_891 = tpu.memref_slice %arg4[%add3A_879, %dma_start3A_890] : memref<16384x128xf32, #tpu.memory_space<hbm>> -> memref<64x128xf32, #tpu.memory_space<hbm>>
    %dma_start3A_892 = arith.constant 0 : i32
    %dma_start3A_893 = arith.constant 0 : i32
    %dma_start3A_894 = tpu.memref_slice %arg7[%dma_start3A_880, %dma_start3A_892, %dma_start3A_893] : memref<2x64x128xf32, #tpu.memory_space<vmem>> -> memref<1x64x128xf32, #tpu.memory_space<vmem>>
    %dma_start3A_895 = tpu.memref_squeeze %dma_start3A_894 : memref<1x64x128xf32, #tpu.memory_space<vmem>> -> memref<64x128xf32, #tpu.memory_space<vmem>>
    tpu.enqueue_dma source(%dma_start3A_895 : memref<64x128xf32, #tpu.memory_space<vmem>>) target(%dma_start3A_891 : memref<64x128xf32, #tpu.memory_space<hbm>>) target_semaphore(%dma_start3A_889 : memref<!tpu.dma_semaphore, #tpu.memory_space<semaphore_mem>>)
    %add3A_896 = arith.constant 384 : i32
    %add3A_897 = arith.addi %mul3A_2, %add3A_896 : i32
    %dma_start3A_898 = arith.constant 0 : i32
    %dma_start3A_899 = arith.constant 0 : i32
    %dma_start3A_900 = arith.constant 0 : i32
    %dma_start3A_901 = arith.constant 0 : i32
    %dma_start3A_902 = arith.constant 0 : i32
    %dma_start3A_903 = arith.constant 0 : i32
    %dma_start3A_904 = tpu.memref_slice %arg6[%dma_start3A_898, %dma_start3A_899, %dma_start3A_901, %dma_start3A_902, %dma_start3A_903] : memref<2x3x64x1x128xf32, #tpu.memory_space<vmem>> -> memref<1x1x64x1x128xf32, #tpu.memory_space<vmem>>
    %dma_start3A_905 = tpu.memref_squeeze %dma_start3A_904 : memref<1x1x64x1x128xf32, #tpu.memory_space<vmem>> -> memref<64x1x128xf32, #tpu.memory_space<vmem>>
    %dma_start3A_906 = arith.constant 0 : i32
    %dma_start3A_907 = arith.constant 0 : i32
    %dma_start3A_908 = tpu.memref_slice %arg2[%add3A_897, %dma_start3A_906, %dma_start3A_907] : memref<16384x3x128xf32, #tpu.memory_space<hbm>> -> memref<64x1x128xf32, #tpu.memory_space<hbm>>
    %dma_start3A_909 = tpu.memref_slice %arg8[%dma_start3A_900] : memref<2x!tpu.dma_semaphore, #tpu.memory_space<semaphore_mem>> -> memref<1x!tpu.dma_semaphore, #tpu.memory_space<semaphore_mem>>
    %dma_start3A_910 = tpu.memref_squeeze %dma_start3A_909 : memref<1x!tpu.dma_semaphore, #tpu.memory_space<semaphore_mem>> -> memref<!tpu.dma_semaphore, #tpu.memory_space<semaphore_mem>>
    %dma_start3A_911 = arith.constant 0 : i32
    %dma_start3A_912 = arith.constant 0 : i32
    %dma_start3A_913 = arith.constant 0 : i32
    %dma_start3A_914 = tpu.memref_slice %arg6[%dma_start3A_898, %dma_start3A_899, %dma_start3A_911, %dma_start3A_912, %dma_start3A_913] : memref<2x3x64x1x128xf32, #tpu.memory_space<vmem>> -> memref<1x1x64x1x128xf32, #tpu.memory_space<vmem>>
    %dma_start3A_915 = tpu.memref_squeeze %dma_start3A_914 : memref<1x1x64x1x128xf32, #tpu.memory_space<vmem>> -> memref<64x1x128xf32, #tpu.memory_space<vmem>>
    %dma_start3A_916 = arith.constant 0 : i32
    %dma_start3A_917 = arith.constant 0 : i32
    %dma_start3A_918 = tpu.memref_slice %arg2[%add3A_897, %dma_start3A_916, %dma_start3A_917] : memref<16384x3x128xf32, #tpu.memory_space<hbm>> -> memref<64x1x128xf32, #tpu.memory_space<hbm>>
    tpu.enqueue_dma source(%dma_start3A_918 : memref<64x1x128xf32, #tpu.memory_space<hbm>>) target(%dma_start3A_915 : memref<64x1x128xf32, #tpu.memory_space<vmem>>) target_semaphore(%dma_start3A_910 : memref<!tpu.dma_semaphore, #tpu.memory_space<semaphore_mem>>)
    %add3A_919 = arith.constant 384 : i32
    %add3A_920 = arith.addi %mul3A_2, %add3A_919 : i32
    %dma_start3A_921 = arith.constant 0 : i32
    %dma_start3A_922 = arith.constant 1 : i32
    %dma_start3A_923 = arith.constant 0 : i32
    %dma_start3A_924 = arith.constant 0 : i32
    %dma_start3A_925 = arith.constant 0 : i32
    %dma_start3A_926 = arith.constant 0 : i32
    %dma_start3A_927 = tpu.memref_slice %arg6[%dma_start3A_921, %dma_start3A_922, %dma_start3A_924, %dma_start3A_925, %dma_start3A_926] : memref<2x3x64x1x128xf32, #tpu.memory_space<vmem>> -> memref<1x1x64x1x128xf32, #tpu.memory_space<vmem>>
    %dma_start3A_928 = tpu.memref_squeeze %dma_start3A_927 : memref<1x1x64x1x128xf32, #tpu.memory_space<vmem>> -> memref<64x1x128xf32, #tpu.memory_space<vmem>>
    %dma_start3A_929 = arith.constant 1 : i32
    %dma_start3A_930 = arith.constant 0 : i32
    %dma_start3A_931 = tpu.memref_slice %arg2[%add3A_920, %dma_start3A_929, %dma_start3A_930] : memref<16384x3x128xf32, #tpu.memory_space<hbm>> -> memref<64x1x128xf32, #tpu.memory_space<hbm>>
    %dma_start3A_932 = tpu.memref_slice %arg8[%dma_start3A_923] : memref<2x!tpu.dma_semaphore, #tpu.memory_space<semaphore_mem>> -> memref<1x!tpu.dma_semaphore, #tpu.memory_space<semaphore_mem>>
    %dma_start3A_933 = tpu.memref_squeeze %dma_start3A_932 : memref<1x!tpu.dma_semaphore, #tpu.memory_space<semaphore_mem>> -> memref<!tpu.dma_semaphore, #tpu.memory_space<semaphore_mem>>
    %dma_start3A_934 = arith.constant 0 : i32
    %dma_start3A_935 = arith.constant 0 : i32
    %dma_start3A_936 = arith.constant 0 : i32
    %dma_start3A_937 = tpu.memref_slice %arg6[%dma_start3A_921, %dma_start3A_922, %dma_start3A_934, %dma_start3A_935, %dma_start3A_936] : memref<2x3x64x1x128xf32, #tpu.memory_space<vmem>> -> memref<1x1x64x1x128xf32, #tpu.memory_space<vmem>>
    %dma_start3A_938 = tpu.memref_squeeze %dma_start3A_937 : memref<1x1x64x1x128xf32, #tpu.memory_space<vmem>> -> memref<64x1x128xf32, #tpu.memory_space<vmem>>
    %dma_start3A_939 = arith.constant 1 : i32
    %dma_start3A_940 = arith.constant 0 : i32
    %dma_start3A_941 = tpu.memref_slice %arg2[%add3A_920, %dma_start3A_939, %dma_start3A_940] : memref<16384x3x128xf32, #tpu.memory_space<hbm>> -> memref<64x1x128xf32, #tpu.memory_space<hbm>>
    tpu.enqueue_dma source(%dma_start3A_941 : memref<64x1x128xf32, #tpu.memory_space<hbm>>) target(%dma_start3A_938 : memref<64x1x128xf32, #tpu.memory_space<vmem>>) target_semaphore(%dma_start3A_933 : memref<!tpu.dma_semaphore, #tpu.memory_space<semaphore_mem>>)
    %add3A_942 = arith.constant 384 : i32
    %add3A_943 = arith.addi %mul3A_2, %add3A_942 : i32
    %dma_start3A_944 = arith.constant 0 : i32
    %dma_start3A_945 = arith.constant 2 : i32
    %dma_start3A_946 = arith.constant 0 : i32
    %dma_start3A_947 = arith.constant 0 : i32
    %dma_start3A_948 = arith.constant 0 : i32
    %dma_start3A_949 = arith.constant 0 : i32
    %dma_start3A_950 = tpu.memref_slice %arg6[%dma_start3A_944, %dma_start3A_945, %dma_start3A_947, %dma_start3A_948, %dma_start3A_949] : memref<2x3x64x1x128xf32, #tpu.memory_space<vmem>> -> memref<1x1x64x1x128xf32, #tpu.memory_space<vmem>>
    %dma_start3A_951 = tpu.memref_squeeze %dma_start3A_950 : memref<1x1x64x1x128xf32, #tpu.memory_space<vmem>> -> memref<64x1x128xf32, #tpu.memory_space<vmem>>
    %dma_start3A_952 = arith.constant 2 : i32
    %dma_start3A_953 = arith.constant 0 : i32
    %dma_start3A_954 = tpu.memref_slice %arg2[%add3A_943, %dma_start3A_952, %dma_start3A_953] : memref<16384x3x128xf32, #tpu.memory_space<hbm>> -> memref<64x1x128xf32, #tpu.memory_space<hbm>>
    %dma_start3A_955 = tpu.memref_slice %arg8[%dma_start3A_946] : memref<2x!tpu.dma_semaphore, #tpu.memory_space<semaphore_mem>> -> memref<1x!tpu.dma_semaphore, #tpu.memory_space<semaphore_mem>>
    %dma_start3A_956 = tpu.memref_squeeze %dma_start3A_955 : memref<1x!tpu.dma_semaphore, #tpu.memory_space<semaphore_mem>> -> memref<!tpu.dma_semaphore, #tpu.memory_space<semaphore_mem>>
    %dma_start3A_957 = arith.constant 0 : i32
    %dma_start3A_958 = arith.constant 0 : i32
    %dma_start3A_959 = arith.constant 0 : i32
    %dma_start3A_960 = tpu.memref_slice %arg6[%dma_start3A_944, %dma_start3A_945, %dma_start3A_957, %dma_start3A_958, %dma_start3A_959] : memref<2x3x64x1x128xf32, #tpu.memory_space<vmem>> -> memref<1x1x64x1x128xf32, #tpu.memory_space<vmem>>
    %dma_start3A_961 = tpu.memref_squeeze %dma_start3A_960 : memref<1x1x64x1x128xf32, #tpu.memory_space<vmem>> -> memref<64x1x128xf32, #tpu.memory_space<vmem>>
    %dma_start3A_962 = arith.constant 2 : i32
    %dma_start3A_963 = arith.constant 0 : i32
    %dma_start3A_964 = tpu.memref_slice %arg2[%add3A_943, %dma_start3A_962, %dma_start3A_963] : memref<16384x3x128xf32, #tpu.memory_space<hbm>> -> memref<64x1x128xf32, #tpu.memory_space<hbm>>
    tpu.enqueue_dma source(%dma_start3A_964 : memref<64x1x128xf32, #tpu.memory_space<hbm>>) target(%dma_start3A_961 : memref<64x1x128xf32, #tpu.memory_space<vmem>>) target_semaphore(%dma_start3A_956 : memref<!tpu.dma_semaphore, #tpu.memory_space<semaphore_mem>>)
    %dma_wait3A_965 = arith.constant 1 : i32
    %dma_wait3A_966 = arith.constant 0 : i32
    %dma_wait3A_967 = arith.constant 1 : i32
    %dma_wait3A_968 = arith.constant 0 : i32
    %dma_wait3A_969 = arith.constant 0 : i32
    %dma_wait3A_970 = arith.constant 0 : i32
    %dma_wait3A_971 = tpu.memref_slice %arg6[%dma_wait3A_965, %dma_wait3A_966, %dma_wait3A_968, %dma_wait3A_969, %dma_wait3A_970] : memref<2x3x64x1x128xf32, #tpu.memory_space<vmem>> -> memref<1x1x64x1x128xf32, #tpu.memory_space<vmem>>
    %dma_wait3A_972 = tpu.memref_squeeze %dma_wait3A_971 : memref<1x1x64x1x128xf32, #tpu.memory_space<vmem>> -> memref<64x1x128xf32, #tpu.memory_space<vmem>>
    %dma_wait3A_973 = arith.constant 0 : i32
    %dma_wait3A_974 = arith.constant 0 : i32
    %dma_wait3A_975 = tpu.memref_slice %arg2[%add3A_724, %dma_wait3A_973, %dma_wait3A_974] : memref<16384x3x128xf32, #tpu.memory_space<hbm>> -> memref<64x1x128xf32, #tpu.memory_space<hbm>>
    %dma_wait3A_976 = tpu.memref_slice %arg8[%dma_wait3A_967] : memref<2x!tpu.dma_semaphore, #tpu.memory_space<semaphore_mem>> -> memref<1x!tpu.dma_semaphore, #tpu.memory_space<semaphore_mem>>
    %dma_wait3A_977 = tpu.memref_squeeze %dma_wait3A_976 : memref<1x!tpu.dma_semaphore, #tpu.memory_space<semaphore_mem>> -> memref<!tpu.dma_semaphore, #tpu.memory_space<semaphore_mem>>
    %dma_wait3A_978 = arith.constant 0 : i32
    %dma_wait3A_979 = arith.constant 0 : i32
    %dma_wait3A_980 = arith.constant 0 : i32
    %dma_wait3A_981 = tpu.memref_slice %arg6[%dma_wait3A_965, %dma_wait3A_966, %dma_wait3A_978, %dma_wait3A_979, %dma_wait3A_980] : memref<2x3x64x1x128xf32, #tpu.memory_space<vmem>> -> memref<1x1x64x1x128xf32, #tpu.memory_space<vmem>>
    %dma_wait3A_982 = tpu.memref_squeeze %dma_wait3A_981 : memref<1x1x64x1x128xf32, #tpu.memory_space<vmem>> -> memref<64x1x128xf32, #tpu.memory_space<vmem>>
    %dma_wait3A_983 = arith.constant 0 : i32
    %dma_wait3A_984 = arith.constant 0 : i32
    %dma_wait3A_985 = tpu.memref_slice %arg2[%add3A_724, %dma_wait3A_983, %dma_wait3A_984] : memref<16384x3x128xf32, #tpu.memory_space<hbm>> -> memref<64x1x128xf32, #tpu.memory_space<hbm>>
    tpu.wait_dma2 semaphore(%dma_wait3A_977 : memref<!tpu.dma_semaphore, #tpu.memory_space<semaphore_mem>>) src(%dma_wait3A_985 : memref<64x1x128xf32, #tpu.memory_space<hbm>>) dst(%dma_wait3A_982 : memref<64x1x128xf32, #tpu.memory_space<vmem>>)
    %dma_wait3A_986 = arith.constant 1 : i32
    %dma_wait3A_987 = arith.constant 1 : i32
    %dma_wait3A_988 = arith.constant 1 : i32
    %dma_wait3A_989 = arith.constant 0 : i32
    %dma_wait3A_990 = arith.constant 0 : i32
    %dma_wait3A_991 = arith.constant 0 : i32
    %dma_wait3A_992 = tpu.memref_slice %arg6[%dma_wait3A_986, %dma_wait3A_987, %dma_wait3A_989, %dma_wait3A_990, %dma_wait3A_991] : memref<2x3x64x1x128xf32, #tpu.memory_space<vmem>> -> memref<1x1x64x1x128xf32, #tpu.memory_space<vmem>>
    %dma_wait3A_993 = tpu.memref_squeeze %dma_wait3A_992 : memref<1x1x64x1x128xf32, #tpu.memory_space<vmem>> -> memref<64x1x128xf32, #tpu.memory_space<vmem>>
    %dma_wait3A_994 = arith.constant 1 : i32
    %dma_wait3A_995 = arith.constant 0 : i32
    %dma_wait3A_996 = tpu.memref_slice %arg2[%add3A_747, %dma_wait3A_994, %dma_wait3A_995] : memref<16384x3x128xf32, #tpu.memory_space<hbm>> -> memref<64x1x128xf32, #tpu.memory_space<hbm>>
    %dma_wait3A_997 = tpu.memref_slice %arg8[%dma_wait3A_988] : memref<2x!tpu.dma_semaphore, #tpu.memory_space<semaphore_mem>> -> memref<1x!tpu.dma_semaphore, #tpu.memory_space<semaphore_mem>>
    %dma_wait3A_998 = tpu.memref_squeeze %dma_wait3A_997 : memref<1x!tpu.dma_semaphore, #tpu.memory_space<semaphore_mem>> -> memref<!tpu.dma_semaphore, #tpu.memory_space<semaphore_mem>>
    %dma_wait3A_999 = arith.constant 0 : i32
    %dma_wait3A_1000 = arith.constant 0 : i32
    %dma_wait3A_1001 = arith.constant 0 : i32
    %dma_wait3A_1002 = tpu.memref_slice %arg6[%dma_wait3A_986, %dma_wait3A_987, %dma_wait3A_999, %dma_wait3A_1000, %dma_wait3A_1001] : memref<2x3x64x1x128xf32, #tpu.memory_space<vmem>> -> memref<1x1x64x1x128xf32, #tpu.memory_space<vmem>>
    %dma_wait3A_1003 = tpu.memref_squeeze %dma_wait3A_1002 : memref<1x1x64x1x128xf32, #tpu.memory_space<vmem>> -> memref<64x1x128xf32, #tpu.memory_space<vmem>>
    %dma_wait3A_1004 = arith.constant 1 : i32
    %dma_wait3A_1005 = arith.constant 0 : i32
    %dma_wait3A_1006 = tpu.memref_slice %arg2[%add3A_747, %dma_wait3A_1004, %dma_wait3A_1005] : memref<16384x3x128xf32, #tpu.memory_space<hbm>> -> memref<64x1x128xf32, #tpu.memory_space<hbm>>
    tpu.wait_dma2 semaphore(%dma_wait3A_998 : memref<!tpu.dma_semaphore, #tpu.memory_space<semaphore_mem>>) src(%dma_wait3A_1006 : memref<64x1x128xf32, #tpu.memory_space<hbm>>) dst(%dma_wait3A_1003 : memref<64x1x128xf32, #tpu.memory_space<vmem>>)
    %dma_wait3A_1007 = arith.constant 1 : i32
    %dma_wait3A_1008 = arith.constant 2 : i32
    %dma_wait3A_1009 = arith.constant 1 : i32
    %dma_wait3A_1010 = arith.constant 0 : i32
    %dma_wait3A_1011 = arith.constant 0 : i32
    %dma_wait3A_1012 = arith.constant 0 : i32
    %dma_wait3A_1013 = tpu.memref_slice %arg6[%dma_wait3A_1007, %dma_wait3A_1008, %dma_wait3A_1010, %dma_wait3A_1011, %dma_wait3A_1012] : memref<2x3x64x1x128xf32, #tpu.memory_space<vmem>> -> memref<1x1x64x1x128xf32, #tpu.memory_space<vmem>>
    %dma_wait3A_1014 = tpu.memref_squeeze %dma_wait3A_1013 : memref<1x1x64x1x128xf32, #tpu.memory_space<vmem>> -> memref<64x1x128xf32, #tpu.memory_space<vmem>>
    %dma_wait3A_1015 = arith.constant 2 : i32
    %dma_wait3A_1016 = arith.constant 0 : i32
    %dma_wait3A_1017 = tpu.memref_slice %arg2[%add3A_770, %dma_wait3A_1015, %dma_wait3A_1016] : memref<16384x3x128xf32, #tpu.memory_space<hbm>> -> memref<64x1x128xf32, #tpu.memory_space<hbm>>
    %dma_wait3A_1018 = tpu.memref_slice %arg8[%dma_wait3A_1009] : memref<2x!tpu.dma_semaphore, #tpu.memory_space<semaphore_mem>> -> memref<1x!tpu.dma_semaphore, #tpu.memory_space<semaphore_mem>>
    %dma_wait3A_1019 = tpu.memref_squeeze %dma_wait3A_1018 : memref<1x!tpu.dma_semaphore, #tpu.memory_space<semaphore_mem>> -> memref<!tpu.dma_semaphore, #tpu.memory_space<semaphore_mem>>
    %dma_wait3A_1020 = arith.constant 0 : i32
    %dma_wait3A_1021 = arith.constant 0 : i32
    %dma_wait3A_1022 = arith.constant 0 : i32
    %dma_wait3A_1023 = tpu.memref_slice %arg6[%dma_wait3A_1007, %dma_wait3A_1008, %dma_wait3A_1020, %dma_wait3A_1021, %dma_wait3A_1022] : memref<2x3x64x1x128xf32, #tpu.memory_space<vmem>> -> memref<1x1x64x1x128xf32, #tpu.memory_space<vmem>>
    %dma_wait3A_1024 = tpu.memref_squeeze %dma_wait3A_1023 : memref<1x1x64x1x128xf32, #tpu.memory_space<vmem>> -> memref<64x1x128xf32, #tpu.memory_space<vmem>>
    %dma_wait3A_1025 = arith.constant 2 : i32
    %dma_wait3A_1026 = arith.constant 0 : i32
    %dma_wait3A_1027 = tpu.memref_slice %arg2[%add3A_770, %dma_wait3A_1025, %dma_wait3A_1026] : memref<16384x3x128xf32, #tpu.memory_space<hbm>> -> memref<64x1x128xf32, #tpu.memory_space<hbm>>
    tpu.wait_dma2 semaphore(%dma_wait3A_1019 : memref<!tpu.dma_semaphore, #tpu.memory_space<semaphore_mem>>) src(%dma_wait3A_1027 : memref<64x1x128xf32, #tpu.memory_space<hbm>>) dst(%dma_wait3A_1024 : memref<64x1x128xf32, #tpu.memory_space<vmem>>)
    %dma_wait3A_1028 = arith.constant 1 : i32
    %dma_wait3A_1029 = arith.constant 1 : i32
    %dma_wait3A_1030 = arith.constant 0 : i32
    %dma_wait3A_1031 = arith.constant 0 : i32
    %dma_wait3A_1032 = tpu.memref_slice %arg7[%dma_wait3A_1028, %dma_wait3A_1030, %dma_wait3A_1031] : memref<2x64x128xf32, #tpu.memory_space<vmem>> -> memref<1x64x128xf32, #tpu.memory_space<vmem>>
    %dma_wait3A_1033 = tpu.memref_squeeze %dma_wait3A_1032 : memref<1x64x128xf32, #tpu.memory_space<vmem>> -> memref<64x128xf32, #tpu.memory_space<vmem>>
    %dma_wait3A_1034 = arith.constant 0 : i32
    %dma_wait3A_1035 = tpu.memref_slice %arg4[%add3A_706, %dma_wait3A_1034] : memref<16384x128xf32, #tpu.memory_space<hbm>> -> memref<64x128xf32, #tpu.memory_space<hbm>>
    %dma_wait3A_1036 = tpu.memref_slice %arg9[%dma_wait3A_1029] : memref<2x!tpu.dma_semaphore, #tpu.memory_space<semaphore_mem>> -> memref<1x!tpu.dma_semaphore, #tpu.memory_space<semaphore_mem>>
    %dma_wait3A_1037 = tpu.memref_squeeze %dma_wait3A_1036 : memref<1x!tpu.dma_semaphore, #tpu.memory_space<semaphore_mem>> -> memref<!tpu.dma_semaphore, #tpu.memory_space<semaphore_mem>>
    %dma_wait3A_1038 = arith.constant 0 : i32
    %dma_wait3A_1039 = tpu.memref_slice %arg4[%add3A_706, %dma_wait3A_1038] : memref<16384x128xf32, #tpu.memory_space<hbm>> -> memref<64x128xf32, #tpu.memory_space<hbm>>
    %dma_wait3A_1040 = arith.constant 0 : i32
    %dma_wait3A_1041 = arith.constant 0 : i32
    %dma_wait3A_1042 = tpu.memref_slice %arg7[%dma_wait3A_1028, %dma_wait3A_1040, %dma_wait3A_1041] : memref<2x64x128xf32, #tpu.memory_space<vmem>> -> memref<1x64x128xf32, #tpu.memory_space<vmem>>
    %dma_wait3A_1043 = tpu.memref_squeeze %dma_wait3A_1042 : memref<1x64x128xf32, #tpu.memory_space<vmem>> -> memref<64x128xf32, #tpu.memory_space<vmem>>
    tpu.wait_dma2 semaphore(%dma_wait3A_1037 : memref<!tpu.dma_semaphore, #tpu.memory_space<semaphore_mem>>) src(%dma_wait3A_1043 : memref<64x128xf32, #tpu.memory_space<vmem>>) dst(%dma_wait3A_1039 : memref<64x128xf32, #tpu.memory_space<hbm>>)
    %scan3A_1044 = arith.constant 0 : i32
    %scan3A_1045 = arith.constant 0 : i32
    %scan3A_1046 = arith.constant 64 : i32
    %scan3A_1047 = arith.addi %scan3A_1045, %scan3A_1046 : i32
    %scan3A_1048 = arith.constant 1 : i32
    %scan3A_1049 = scf.for %scan3A_1378 = %scan3A_1045 to %scan3A_1047 step %scan3A_1048 iter_args(%scan3A_1379 = %scan3A_1044) -> (i32)  : i32 {
      %add3A_1380 = arith.constant 320 : i32
      %add3A_1381 = arith.addi %add3A_1380, %scan3A_1378 : i32
      %get3A = arith.index_cast %add3A_1381 : i32 to index
      %get3A_1382 = tpu.vector_load %arg5[%get3A] {strides = array<i32>} : memref<528xi32, #tpu.memory_space<vmem>>, vector<16xi32>,
      %get3A_1383 = vector.shape_cast %get3A_1382 : vector<16xi32> to vector<16xi32>
      %slice3A = vector.extract_strided_slice %get3A_1383 {offsets = [0], sizes = [1], strides = [1]} : vector<16xi32> to vector<1xi32>
      %squeeze3A = vector.extract %slice3A[0] : i32 from vector<1xi32>
      %get3A_1384 = arith.constant 1 : i32
      %get3A_1385 = arith.constant 0 : i32
      %get3A_1386 = arith.index_cast %get3A_1384 : i32 to index
      %get3A_1387 = arith.index_cast %squeeze3A : i32 to index
      %get3A_1388 = arith.index_cast %scan3A_1378 : i32 to index
      %get3A_1389 = arith.index_cast %get3A_1385 : i32 to index
      %get3A_1390 = arith.constant 0 : index
      %get3A_1391 = tpu.vector_load %arg6[%get3A_1386, %get3A_1387, %get3A_1388, %get3A_1389, %get3A_1390] {strides = array<i32>} : memref<2x3x64x1x128xf32, #tpu.memory_space<vmem>>, vector<1x1x1x1x16xf32>,
      %get3A_1392 = vector.shape_cast %get3A_1391 : vector<1x1x1x1x16xf32> to vector<16xf32>
      %swap3A = arith.constant 1 : i32
      %swap3A_1393 = arith.index_cast %swap3A : i32 to index
      %swap3A_1394 = arith.index_cast %scan3A_1378 : i32 to index
      %swap3A_1395 = arith.constant 0 : index
      %swap3A_1396 = tpu.vector_load %arg7[%swap3A_1393, %swap3A_1394, %swap3A_1395] {strides = array<i32>} : memref<2x64x128xf32, #tpu.memory_space<vmem>>, vector<1x1x16xf32>,
      %swap3A_1397 = vector.shape_cast %swap3A_1396 : vector<1x1x16xf32> to vector<16xf32>
      %swap3A_1398 = vector.shape_cast %get3A_1392 : vector<16xf32> to vector<1x1x16xf32>
      tpu.vector_store %arg7[%swap3A_1393, %swap3A_1394, %swap3A_1395], %swap3A_1398 {strides = array<i32>} : memref<2x64x128xf32, #tpu.memory_space<vmem>>, vector<1x1x16xf32>,
      %get3A_1399 = arith.constant 1 : i32
      %get3A_1400 = arith.constant 0 : i32
      %get3A_1401 = arith.index_cast %get3A_1399 : i32 to index
      %get3A_1402 = arith.index_cast %squeeze3A : i32 to index
      %get3A_1403 = arith.index_cast %scan3A_1378 : i32 to index
      %get3A_1404 = arith.index_cast %get3A_1400 : i32 to index
      %get3A_1405 = arith.constant 16 : index
      %get3A_1406 = tpu.vector_load %arg6[%get3A_1401, %get3A_1402, %get3A_1403, %get3A_1404, %get3A_1405] {strides = array<i32>} : memref<2x3x64x1x128xf32, #tpu.memory_space<vmem>>, vector<1x1x1x1x16xf32>,
      %get3A_1407 = vector.shape_cast %get3A_1406 : vector<1x1x1x1x16xf32> to vector<16xf32>
      %swap3A_1408 = arith.constant 1 : i32
      %swap3A_1409 = arith.index_cast %swap3A_1408 : i32 to index
      %swap3A_1410 = arith.index_cast %scan3A_1378 : i32 to index
      %swap3A_1411 = arith.constant 16 : index
      %swap3A_1412 = tpu.vector_load %arg7[%swap3A_1409, %swap3A_1410, %swap3A_1411] {strides = array<i32>} : memref<2x64x128xf32, #tpu.memory_space<vmem>>, vector<1x1x16xf32>,
      %swap3A_1413 = vector.shape_cast %swap3A_1412 : vector<1x1x16xf32> to vector<16xf32>
      %swap3A_1414 = vector.shape_cast %get3A_1407 : vector<16xf32> to vector<1x1x16xf32>
      tpu.vector_store %arg7[%swap3A_1409, %swap3A_1410, %swap3A_1411], %swap3A_1414 {strides = array<i32>} : memref<2x64x128xf32, #tpu.memory_space<vmem>>, vector<1x1x16xf32>,
      %get3A_1415 = arith.constant 1 : i32
      %get3A_1416 = arith.constant 0 : i32
      %get3A_1417 = arith.index_cast %get3A_1415 : i32 to index
      %get3A_1418 = arith.index_cast %squeeze3A : i32 to index
      %get3A_1419 = arith.index_cast %scan3A_1378 : i32 to index
      %get3A_1420 = arith.index_cast %get3A_1416 : i32 to index
      %get3A_1421 = arith.constant 32 : index
      %get3A_1422 = tpu.vector_load %arg6[%get3A_1417, %get3A_1418, %get3A_1419, %get3A_1420, %get3A_1421] {strides = array<i32>} : memref<2x3x64x1x128xf32, #tpu.memory_space<vmem>>, vector<1x1x1x1x16xf32>,
      %get3A_1423 = vector.shape_cast %get3A_1422 : vector<1x1x1x1x16xf32> to vector<16xf32>
      %swap3A_1424 = arith.constant 1 : i32
      %swap3A_1425 = arith.index_cast %swap3A_1424 : i32 to index
      %swap3A_1426 = arith.index_cast %scan3A_1378 : i32 to index
      %swap3A_1427 = arith.constant 32 : index
      %swap3A_1428 = tpu.vector_load %arg7[%swap3A_1425, %swap3A_1426, %swap3A_1427] {strides = array<i32>} : memref<2x64x128xf32, #tpu.memory_space<vmem>>, vector<1x1x16xf32>,
      %swap3A_1429 = vector.shape_cast %swap3A_1428 : vector<1x1x16xf32> to vector<16xf32>
      %swap3A_1430 = vector.shape_cast %get3A_1423 : vector<16xf32> to vector<1x1x16xf32>
      tpu.vector_store %arg7[%swap3A_1425, %swap3A_1426, %swap3A_1427], %swap3A_1430 {strides = array<i32>} : memref<2x64x128xf32, #tpu.memory_space<vmem>>, vector<1x1x16xf32>,
      %get3A_1431 = arith.constant 1 : i32
      %get3A_1432 = arith.constant 0 : i32
      %get3A_1433 = arith.index_cast %get3A_1431 : i32 to index
      %get3A_1434 = arith.index_cast %squeeze3A : i32 to index
      %get3A_1435 = arith.index_cast %scan3A_1378 : i32 to index
      %get3A_1436 = arith.index_cast %get3A_1432 : i32 to index
      %get3A_1437 = arith.constant 48 : index
      %get3A_1438 = tpu.vector_load %arg6[%get3A_1433, %get3A_1434, %get3A_1435, %get3A_1436, %get3A_1437] {strides = array<i32>} : memref<2x3x64x1x128xf32, #tpu.memory_space<vmem>>, vector<1x1x1x1x16xf32>,
      %get3A_1439 = vector.shape_cast %get3A_1438 : vector<1x1x1x1x16xf32> to vector<16xf32>
      %swap3A_1440 = arith.constant 1 : i32
      %swap3A_1441 = arith.index_cast %swap3A_1440 : i32 to index
      %swap3A_1442 = arith.index_cast %scan3A_1378 : i32 to index
      %swap3A_1443 = arith.constant 48 : index
      %swap3A_1444 = tpu.vector_load %arg7[%swap3A_1441, %swap3A_1442, %swap3A_1443] {strides = array<i32>} : memref<2x64x128xf32, #tpu.memory_space<vmem>>, vector<1x1x16xf32>,
      %swap3A_1445 = vector.shape_cast %swap3A_1444 : vector<1x1x16xf32> to vector<16xf32>
      %swap3A_1446 = vector.shape_cast %get3A_1439 : vector<16xf32> to vector<1x1x16xf32>
      tpu.vector_store %arg7[%swap3A_1441, %swap3A_1442, %swap3A_1443], %swap3A_1446 {strides = array<i32>} : memref<2x64x128xf32, #tpu.memory_space<vmem>>, vector<1x1x16xf32>,
      %get3A_1447 = arith.constant 1 : i32
      %get3A_1448 = arith.constant 0 : i32
      %get3A_1449 = arith.index_cast %get3A_1447 : i32 to index
      %get3A_1450 = arith.index_cast %squeeze3A : i32 to index
      %get3A_1451 = arith.index_cast %scan3A_1378 : i32 to index
      %get3A_1452 = arith.index_cast %get3A_1448 : i32 to index
      %get3A_1453 = arith.constant 64 : index
      %get3A_1454 = tpu.vector_load %arg6[%get3A_1449, %get3A_1450, %get3A_1451, %get3A_1452, %get3A_1453] {strides = array<i32>} : memref<2x3x64x1x128xf32, #tpu.memory_space<vmem>>, vector<1x1x1x1x16xf32>,
      %get3A_1455 = vector.shape_cast %get3A_1454 : vector<1x1x1x1x16xf32> to vector<16xf32>
      %swap3A_1456 = arith.constant 1 : i32
      %swap3A_1457 = arith.index_cast %swap3A_1456 : i32 to index
      %swap3A_1458 = arith.index_cast %scan3A_1378 : i32 to index
      %swap3A_1459 = arith.constant 64 : index
      %swap3A_1460 = tpu.vector_load %arg7[%swap3A_1457, %swap3A_1458, %swap3A_1459] {strides = array<i32>} : memref<2x64x128xf32, #tpu.memory_space<vmem>>, vector<1x1x16xf32>,
      %swap3A_1461 = vector.shape_cast %swap3A_1460 : vector<1x1x16xf32> to vector<16xf32>
      %swap3A_1462 = vector.shape_cast %get3A_1455 : vector<16xf32> to vector<1x1x16xf32>
      tpu.vector_store %arg7[%swap3A_1457, %swap3A_1458, %swap3A_1459], %swap3A_1462 {strides = array<i32>} : memref<2x64x128xf32, #tpu.memory_space<vmem>>, vector<1x1x16xf32>,
      %get3A_1463 = arith.constant 1 : i32
      %get3A_1464 = arith.constant 0 : i32
      %get3A_1465 = arith.index_cast %get3A_1463 : i32 to index
      %get3A_1466 = arith.index_cast %squeeze3A : i32 to index
      %get3A_1467 = arith.index_cast %scan3A_1378 : i32 to index
      %get3A_1468 = arith.index_cast %get3A_1464 : i32 to index
      %get3A_1469 = arith.constant 80 : index
      %get3A_1470 = tpu.vector_load %arg6[%get3A_1465, %get3A_1466, %get3A_1467, %get3A_1468, %get3A_1469] {strides = array<i32>} : memref<2x3x64x1x128xf32, #tpu.memory_space<vmem>>, vector<1x1x1x1x16xf32>,
      %get3A_1471 = vector.shape_cast %get3A_1470 : vector<1x1x1x1x16xf32> to vector<16xf32>
      %swap3A_1472 = arith.constant 1 : i32
      %swap3A_1473 = arith.index_cast %swap3A_1472 : i32 to index
      %swap3A_1474 = arith.index_cast %scan3A_1378 : i32 to index
      %swap3A_1475 = arith.constant 80 : index
      %swap3A_1476 = tpu.vector_load %arg7[%swap3A_1473, %swap3A_1474, %swap3A_1475] {strides = array<i32>} : memref<2x64x128xf32, #tpu.memory_space<vmem>>, vector<1x1x16xf32>,
      %swap3A_1477 = vector.shape_cast %swap3A_1476 : vector<1x1x16xf32> to vector<16xf32>
      %swap3A_1478 = vector.shape_cast %get3A_1471 : vector<16xf32> to vector<1x1x16xf32>
      tpu.vector_store %arg7[%swap3A_1473, %swap3A_1474, %swap3A_1475], %swap3A_1478 {strides = array<i32>} : memref<2x64x128xf32, #tpu.memory_space<vmem>>, vector<1x1x16xf32>,
      %get3A_1479 = arith.constant 1 : i32
      %get3A_1480 = arith.constant 0 : i32
      %get3A_1481 = arith.index_cast %get3A_1479 : i32 to index
      %get3A_1482 = arith.index_cast %squeeze3A : i32 to index
      %get3A_1483 = arith.index_cast %scan3A_1378 : i32 to index
      %get3A_1484 = arith.index_cast %get3A_1480 : i32 to index
      %get3A_1485 = arith.constant 96 : index
      %get3A_1486 = tpu.vector_load %arg6[%get3A_1481, %get3A_1482, %get3A_1483, %get3A_1484, %get3A_1485] {strides = array<i32>} : memref<2x3x64x1x128xf32, #tpu.memory_space<vmem>>, vector<1x1x1x1x16xf32>,
      %get3A_1487 = vector.shape_cast %get3A_1486 : vector<1x1x1x1x16xf32> to vector<16xf32>
      %swap3A_1488 = arith.constant 1 : i32
      %swap3A_1489 = arith.index_cast %swap3A_1488 : i32 to index
      %swap3A_1490 = arith.index_cast %scan3A_1378 : i32 to index
      %swap3A_1491 = arith.constant 96 : index
      %swap3A_1492 = tpu.vector_load %arg7[%swap3A_1489, %swap3A_1490, %swap3A_1491] {strides = array<i32>} : memref<2x64x128xf32, #tpu.memory_space<vmem>>, vector<1x1x16xf32>,
      %swap3A_1493 = vector.shape_cast %swap3A_1492 : vector<1x1x16xf32> to vector<16xf32>
      %swap3A_1494 = vector.shape_cast %get3A_1487 : vector<16xf32> to vector<1x1x16xf32>
      tpu.vector_store %arg7[%swap3A_1489, %swap3A_1490, %swap3A_1491], %swap3A_1494 {strides = array<i32>} : memref<2x64x128xf32, #tpu.memory_space<vmem>>, vector<1x1x16xf32>,
      %get3A_1495 = arith.constant 1 : i32
      %get3A_1496 = arith.constant 0 : i32
      %get3A_1497 = arith.index_cast %get3A_1495 : i32 to index
      %get3A_1498 = arith.index_cast %squeeze3A : i32 to index
      %get3A_1499 = arith.index_cast %scan3A_1378 : i32 to index
      %get3A_1500 = arith.index_cast %get3A_1496 : i32 to index
      %get3A_1501 = arith.constant 112 : index
      %get3A_1502 = tpu.vector_load %arg6[%get3A_1497, %get3A_1498, %get3A_1499, %get3A_1500, %get3A_1501] {strides = array<i32>} : memref<2x3x64x1x128xf32, #tpu.memory_space<vmem>>, vector<1x1x1x1x16xf32>,
      %get3A_1503 = vector.shape_cast %get3A_1502 : vector<1x1x1x1x16xf32> to vector<16xf32>
      %swap3A_1504 = arith.constant 1 : i32
      %swap3A_1505 = arith.index_cast %swap3A_1504 : i32 to index
      %swap3A_1506 = arith.index_cast %scan3A_1378 : i32 to index
      %swap3A_1507 = arith.constant 112 : index
      %swap3A_1508 = tpu.vector_load %arg7[%swap3A_1505, %swap3A_1506, %swap3A_1507] {strides = array<i32>} : memref<2x64x128xf32, #tpu.memory_space<vmem>>, vector<1x1x16xf32>,
      %swap3A_1509 = vector.shape_cast %swap3A_1508 : vector<1x1x16xf32> to vector<16xf32>
      %swap3A_1510 = vector.shape_cast %get3A_1503 : vector<16xf32> to vector<1x1x16xf32>
      tpu.vector_store %arg7[%swap3A_1505, %swap3A_1506, %swap3A_1507], %swap3A_1510 {strides = array<i32>} : memref<2x64x128xf32, #tpu.memory_space<vmem>>, vector<1x1x16xf32>,
      %scan3A_1511 = arith.constant 0 : i32
      scf.yield %scan3A_1511 : i32
    }
    %scan3A_1050 = arith.constant 64 : i32
    %add3A_1051 = arith.constant 320 : i32
    %add3A_1052 = arith.addi %mul3A_2, %add3A_1051 : i32
    %dma_start3A_1053 = arith.constant 1 : i32
    %dma_start3A_1054 = arith.constant 1 : i32
    %dma_start3A_1055 = arith.constant 0 : i32
    %dma_start3A_1056 = arith.constant 0 : i32
    %dma_start3A_1057 = tpu.memref_slice %arg7[%dma_start3A_1053, %dma_start3A_1055, %dma_start3A_1056] : memref<2x64x128xf32, #tpu.memory_space<vmem>> -> memref<1x64x128xf32, #tpu.memory_space<vmem>>
    %dma_start3A_1058 = tpu.memref_squeeze %dma_start3A_1057 : memref<1x64x128xf32, #tpu.memory_space<vmem>> -> memref<64x128xf32, #tpu.memory_space<vmem>>
    %dma_start3A_1059 = arith.constant 0 : i32
    %dma_start3A_1060 = tpu.memref_slice %arg4[%add3A_1052, %dma_start3A_1059] : memref<16384x128xf32, #tpu.memory_space<hbm>> -> memref<64x128xf32, #tpu.memory_space<hbm>>
    %dma_start3A_1061 = tpu.memref_slice %arg9[%dma_start3A_1054] : memref<2x!tpu.dma_semaphore, #tpu.memory_space<semaphore_mem>> -> memref<1x!tpu.dma_semaphore, #tpu.memory_space<semaphore_mem>>
    %dma_start3A_1062 = tpu.memref_squeeze %dma_start3A_1061 : memref<1x!tpu.dma_semaphore, #tpu.memory_space<semaphore_mem>> -> memref<!tpu.dma_semaphore, #tpu.memory_space<semaphore_mem>>
    %dma_start3A_1063 = arith.constant 0 : i32
    %dma_start3A_1064 = tpu.memref_slice %arg4[%add3A_1052, %dma_start3A_1063] : memref<16384x128xf32, #tpu.memory_space<hbm>> -> memref<64x128xf32, #tpu.memory_space<hbm>>
    %dma_start3A_1065 = arith.constant 0 : i32
    %dma_start3A_1066 = arith.constant 0 : i32
    %dma_start3A_1067 = tpu.memref_slice %arg7[%dma_start3A_1053, %dma_start3A_1065, %dma_start3A_1066] : memref<2x64x128xf32, #tpu.memory_space<vmem>> -> memref<1x64x128xf32, #tpu.memory_space<vmem>>
    %dma_start3A_1068 = tpu.memref_squeeze %dma_start3A_1067 : memref<1x64x128xf32, #tpu.memory_space<vmem>> -> memref<64x128xf32, #tpu.memory_space<vmem>>
    tpu.enqueue_dma source(%dma_start3A_1068 : memref<64x128xf32, #tpu.memory_space<vmem>>) target(%dma_start3A_1064 : memref<64x128xf32, #tpu.memory_space<hbm>>) target_semaphore(%dma_start3A_1062 : memref<!tpu.dma_semaphore, #tpu.memory_space<semaphore_mem>>)
    %add3A_1069 = arith.constant 448 : i32
    %add3A_1070 = arith.addi %mul3A_2, %add3A_1069 : i32
    %dma_start3A_1071 = arith.constant 1 : i32
    %dma_start3A_1072 = arith.constant 0 : i32
    %dma_start3A_1073 = arith.constant 1 : i32
    %dma_start3A_1074 = arith.constant 0 : i32
    %dma_start3A_1075 = arith.constant 0 : i32
    %dma_start3A_1076 = arith.constant 0 : i32
    %dma_start3A_1077 = tpu.memref_slice %arg6[%dma_start3A_1071, %dma_start3A_1072, %dma_start3A_1074, %dma_start3A_1075, %dma_start3A_1076] : memref<2x3x64x1x128xf32, #tpu.memory_space<vmem>> -> memref<1x1x64x1x128xf32, #tpu.memory_space<vmem>>
    %dma_start3A_1078 = tpu.memref_squeeze %dma_start3A_1077 : memref<1x1x64x1x128xf32, #tpu.memory_space<vmem>> -> memref<64x1x128xf32, #tpu.memory_space<vmem>>
    %dma_start3A_1079 = arith.constant 0 : i32
    %dma_start3A_1080 = arith.constant 0 : i32
    %dma_start3A_1081 = tpu.memref_slice %arg2[%add3A_1070, %dma_start3A_1079, %dma_start3A_1080] : memref<16384x3x128xf32, #tpu.memory_space<hbm>> -> memref<64x1x128xf32, #tpu.memory_space<hbm>>
    %dma_start3A_1082 = tpu.memref_slice %arg8[%dma_start3A_1073] : memref<2x!tpu.dma_semaphore, #tpu.memory_space<semaphore_mem>> -> memref<1x!tpu.dma_semaphore, #tpu.memory_space<semaphore_mem>>
    %dma_start3A_1083 = tpu.memref_squeeze %dma_start3A_1082 : memref<1x!tpu.dma_semaphore, #tpu.memory_space<semaphore_mem>> -> memref<!tpu.dma_semaphore, #tpu.memory_space<semaphore_mem>>
    %dma_start3A_1084 = arith.constant 0 : i32
    %dma_start3A_1085 = arith.constant 0 : i32
    %dma_start3A_1086 = arith.constant 0 : i32
    %dma_start3A_1087 = tpu.memref_slice %arg6[%dma_start3A_1071, %dma_start3A_1072, %dma_start3A_1084, %dma_start3A_1085, %dma_start3A_1086] : memref<2x3x64x1x128xf32, #tpu.memory_space<vmem>> -> memref<1x1x64x1x128xf32, #tpu.memory_space<vmem>>
    %dma_start3A_1088 = tpu.memref_squeeze %dma_start3A_1087 : memref<1x1x64x1x128xf32, #tpu.memory_space<vmem>> -> memref<64x1x128xf32, #tpu.memory_space<vmem>>
    %dma_start3A_1089 = arith.constant 0 : i32
    %dma_start3A_1090 = arith.constant 0 : i32
    %dma_start3A_1091 = tpu.memref_slice %arg2[%add3A_1070, %dma_start3A_1089, %dma_start3A_1090] : memref<16384x3x128xf32, #tpu.memory_space<hbm>> -> memref<64x1x128xf32, #tpu.memory_space<hbm>>
    tpu.enqueue_dma source(%dma_start3A_1091 : memref<64x1x128xf32, #tpu.memory_space<hbm>>) target(%dma_start3A_1088 : memref<64x1x128xf32, #tpu.memory_space<vmem>>) target_semaphore(%dma_start3A_1083 : memref<!tpu.dma_semaphore, #tpu.memory_space<semaphore_mem>>)
    %add3A_1092 = arith.constant 448 : i32
    %add3A_1093 = arith.addi %mul3A_2, %add3A_1092 : i32
    %dma_start3A_1094 = arith.constant 1 : i32
    %dma_start3A_1095 = arith.constant 1 : i32
    %dma_start3A_1096 = arith.constant 1 : i32
    %dma_start3A_1097 = arith.constant 0 : i32
    %dma_start3A_1098 = arith.constant 0 : i32
    %dma_start3A_1099 = arith.constant 0 : i32
    %dma_start3A_1100 = tpu.memref_slice %arg6[%dma_start3A_1094, %dma_start3A_1095, %dma_start3A_1097, %dma_start3A_1098, %dma_start3A_1099] : memref<2x3x64x1x128xf32, #tpu.memory_space<vmem>> -> memref<1x1x64x1x128xf32, #tpu.memory_space<vmem>>
    %dma_start3A_1101 = tpu.memref_squeeze %dma_start3A_1100 : memref<1x1x64x1x128xf32, #tpu.memory_space<vmem>> -> memref<64x1x128xf32, #tpu.memory_space<vmem>>
    %dma_start3A_1102 = arith.constant 1 : i32
    %dma_start3A_1103 = arith.constant 0 : i32
    %dma_start3A_1104 = tpu.memref_slice %arg2[%add3A_1093, %dma_start3A_1102, %dma_start3A_1103] : memref<16384x3x128xf32, #tpu.memory_space<hbm>> -> memref<64x1x128xf32, #tpu.memory_space<hbm>>
    %dma_start3A_1105 = tpu.memref_slice %arg8[%dma_start3A_1096] : memref<2x!tpu.dma_semaphore, #tpu.memory_space<semaphore_mem>> -> memref<1x!tpu.dma_semaphore, #tpu.memory_space<semaphore_mem>>
    %dma_start3A_1106 = tpu.memref_squeeze %dma_start3A_1105 : memref<1x!tpu.dma_semaphore, #tpu.memory_space<semaphore_mem>> -> memref<!tpu.dma_semaphore, #tpu.memory_space<semaphore_mem>>
    %dma_start3A_1107 = arith.constant 0 : i32
    %dma_start3A_1108 = arith.constant 0 : i32
    %dma_start3A_1109 = arith.constant 0 : i32
    %dma_start3A_1110 = tpu.memref_slice %arg6[%dma_start3A_1094, %dma_start3A_1095, %dma_start3A_1107, %dma_start3A_1108, %dma_start3A_1109] : memref<2x3x64x1x128xf32, #tpu.memory_space<vmem>> -> memref<1x1x64x1x128xf32, #tpu.memory_space<vmem>>
    %dma_start3A_1111 = tpu.memref_squeeze %dma_start3A_1110 : memref<1x1x64x1x128xf32, #tpu.memory_space<vmem>> -> memref<64x1x128xf32, #tpu.memory_space<vmem>>
    %dma_start3A_1112 = arith.constant 1 : i32
    %dma_start3A_1113 = arith.constant 0 : i32
    %dma_start3A_1114 = tpu.memref_slice %arg2[%add3A_1093, %dma_start3A_1112, %dma_start3A_1113] : memref<16384x3x128xf32, #tpu.memory_space<hbm>> -> memref<64x1x128xf32, #tpu.memory_space<hbm>>
    tpu.enqueue_dma source(%dma_start3A_1114 : memref<64x1x128xf32, #tpu.memory_space<hbm>>) target(%dma_start3A_1111 : memref<64x1x128xf32, #tpu.memory_space<vmem>>) target_semaphore(%dma_start3A_1106 : memref<!tpu.dma_semaphore, #tpu.memory_space<semaphore_mem>>)
    %add3A_1115 = arith.constant 448 : i32
    %add3A_1116 = arith.addi %mul3A_2, %add3A_1115 : i32
    %dma_start3A_1117 = arith.constant 1 : i32
    %dma_start3A_1118 = arith.constant 2 : i32
    %dma_start3A_1119 = arith.constant 1 : i32
    %dma_start3A_1120 = arith.constant 0 : i32
    %dma_start3A_1121 = arith.constant 0 : i32
    %dma_start3A_1122 = arith.constant 0 : i32
    %dma_start3A_1123 = tpu.memref_slice %arg6[%dma_start3A_1117, %dma_start3A_1118, %dma_start3A_1120, %dma_start3A_1121, %dma_start3A_1122] : memref<2x3x64x1x128xf32, #tpu.memory_space<vmem>> -> memref<1x1x64x1x128xf32, #tpu.memory_space<vmem>>
    %dma_start3A_1124 = tpu.memref_squeeze %dma_start3A_1123 : memref<1x1x64x1x128xf32, #tpu.memory_space<vmem>> -> memref<64x1x128xf32, #tpu.memory_space<vmem>>
    %dma_start3A_1125 = arith.constant 2 : i32
    %dma_start3A_1126 = arith.constant 0 : i32
    %dma_start3A_1127 = tpu.memref_slice %arg2[%add3A_1116, %dma_start3A_1125, %dma_start3A_1126] : memref<16384x3x128xf32, #tpu.memory_space<hbm>> -> memref<64x1x128xf32, #tpu.memory_space<hbm>>
    %dma_start3A_1128 = tpu.memref_slice %arg8[%dma_start3A_1119] : memref<2x!tpu.dma_semaphore, #tpu.memory_space<semaphore_mem>> -> memref<1x!tpu.dma_semaphore, #tpu.memory_space<semaphore_mem>>
    %dma_start3A_1129 = tpu.memref_squeeze %dma_start3A_1128 : memref<1x!tpu.dma_semaphore, #tpu.memory_space<semaphore_mem>> -> memref<!tpu.dma_semaphore, #tpu.memory_space<semaphore_mem>>
    %dma_start3A_1130 = arith.constant 0 : i32
    %dma_start3A_1131 = arith.constant 0 : i32
    %dma_start3A_1132 = arith.constant 0 : i32
    %dma_start3A_1133 = tpu.memref_slice %arg6[%dma_start3A_1117, %dma_start3A_1118, %dma_start3A_1130, %dma_start3A_1131, %dma_start3A_1132] : memref<2x3x64x1x128xf32, #tpu.memory_space<vmem>> -> memref<1x1x64x1x128xf32, #tpu.memory_space<vmem>>
    %dma_start3A_1134 = tpu.memref_squeeze %dma_start3A_1133 : memref<1x1x64x1x128xf32, #tpu.memory_space<vmem>> -> memref<64x1x128xf32, #tpu.memory_space<vmem>>
    %dma_start3A_1135 = arith.constant 2 : i32
    %dma_start3A_1136 = arith.constant 0 : i32
    %dma_start3A_1137 = tpu.memref_slice %arg2[%add3A_1116, %dma_start3A_1135, %dma_start3A_1136] : memref<16384x3x128xf32, #tpu.memory_space<hbm>> -> memref<64x1x128xf32, #tpu.memory_space<hbm>>
    tpu.enqueue_dma source(%dma_start3A_1137 : memref<64x1x128xf32, #tpu.memory_space<hbm>>) target(%dma_start3A_1134 : memref<64x1x128xf32, #tpu.memory_space<vmem>>) target_semaphore(%dma_start3A_1129 : memref<!tpu.dma_semaphore, #tpu.memory_space<semaphore_mem>>)
    %dma_wait3A_1138 = arith.constant 0 : i32
    %dma_wait3A_1139 = arith.constant 0 : i32
    %dma_wait3A_1140 = arith.constant 0 : i32
    %dma_wait3A_1141 = arith.constant 0 : i32
    %dma_wait3A_1142 = arith.constant 0 : i32
    %dma_wait3A_1143 = arith.constant 0 : i32
    %dma_wait3A_1144 = tpu.memref_slice %arg6[%dma_wait3A_1138, %dma_wait3A_1139, %dma_wait3A_1141, %dma_wait3A_1142, %dma_wait3A_1143] : memref<2x3x64x1x128xf32, #tpu.memory_space<vmem>> -> memref<1x1x64x1x128xf32, #tpu.memory_space<vmem>>
    %dma_wait3A_1145 = tpu.memref_squeeze %dma_wait3A_1144 : memref<1x1x64x1x128xf32, #tpu.memory_space<vmem>> -> memref<64x1x128xf32, #tpu.memory_space<vmem>>
    %dma_wait3A_1146 = arith.constant 0 : i32
    %dma_wait3A_1147 = arith.constant 0 : i32
    %dma_wait3A_1148 = tpu.memref_slice %arg2[%add3A_897, %dma_wait3A_1146, %dma_wait3A_1147] : memref<16384x3x128xf32, #tpu.memory_space<hbm>> -> memref<64x1x128xf32, #tpu.memory_space<hbm>>
    %dma_wait3A_1149 = tpu.memref_slice %arg8[%dma_wait3A_1140] : memref<2x!tpu.dma_semaphore, #tpu.memory_space<semaphore_mem>> -> memref<1x!tpu.dma_semaphore, #tpu.memory_space<semaphore_mem>>
    %dma_wait3A_1150 = tpu.memref_squeeze %dma_wait3A_1149 : memref<1x!tpu.dma_semaphore, #tpu.memory_space<semaphore_mem>> -> memref<!tpu.dma_semaphore, #tpu.memory_space<semaphore_mem>>
    %dma_wait3A_1151 = arith.constant 0 : i32
    %dma_wait3A_1152 = arith.constant 0 : i32
    %dma_wait3A_1153 = arith.constant 0 : i32
    %dma_wait3A_1154 = tpu.memref_slice %arg6[%dma_wait3A_1138, %dma_wait3A_1139, %dma_wait3A_1151, %dma_wait3A_1152, %dma_wait3A_1153] : memref<2x3x64x1x128xf32, #tpu.memory_space<vmem>> -> memref<1x1x64x1x128xf32, #tpu.memory_space<vmem>>
    %dma_wait3A_1155 = tpu.memref_squeeze %dma_wait3A_1154 : memref<1x1x64x1x128xf32, #tpu.memory_space<vmem>> -> memref<64x1x128xf32, #tpu.memory_space<vmem>>
    %dma_wait3A_1156 = arith.constant 0 : i32
    %dma_wait3A_1157 = arith.constant 0 : i32
    %dma_wait3A_1158 = tpu.memref_slice %arg2[%add3A_897, %dma_wait3A_1156, %dma_wait3A_1157] : memref<16384x3x128xf32, #tpu.memory_space<hbm>> -> memref<64x1x128xf32, #tpu.memory_space<hbm>>
    tpu.wait_dma2 semaphore(%dma_wait3A_1150 : memref<!tpu.dma_semaphore, #tpu.memory_space<semaphore_mem>>) src(%dma_wait3A_1158 : memref<64x1x128xf32, #tpu.memory_space<hbm>>) dst(%dma_wait3A_1155 : memref<64x1x128xf32, #tpu.memory_space<vmem>>)
    %dma_wait3A_1159 = arith.constant 0 : i32
    %dma_wait3A_1160 = arith.constant 1 : i32
    %dma_wait3A_1161 = arith.constant 0 : i32
    %dma_wait3A_1162 = arith.constant 0 : i32
    %dma_wait3A_1163 = arith.constant 0 : i32
    %dma_wait3A_1164 = arith.constant 0 : i32
    %dma_wait3A_1165 = tpu.memref_slice %arg6[%dma_wait3A_1159, %dma_wait3A_1160, %dma_wait3A_1162, %dma_wait3A_1163, %dma_wait3A_1164] : memref<2x3x64x1x128xf32, #tpu.memory_space<vmem>> -> memref<1x1x64x1x128xf32, #tpu.memory_space<vmem>>
    %dma_wait3A_1166 = tpu.memref_squeeze %dma_wait3A_1165 : memref<1x1x64x1x128xf32, #tpu.memory_space<vmem>> -> memref<64x1x128xf32, #tpu.memory_space<vmem>>
    %dma_wait3A_1167 = arith.constant 1 : i32
    %dma_wait3A_1168 = arith.constant 0 : i32
    %dma_wait3A_1169 = tpu.memref_slice %arg2[%add3A_920, %dma_wait3A_1167, %dma_wait3A_1168] : memref<16384x3x128xf32, #tpu.memory_space<hbm>> -> memref<64x1x128xf32, #tpu.memory_space<hbm>>
    %dma_wait3A_1170 = tpu.memref_slice %arg8[%dma_wait3A_1161] : memref<2x!tpu.dma_semaphore, #tpu.memory_space<semaphore_mem>> -> memref<1x!tpu.dma_semaphore, #tpu.memory_space<semaphore_mem>>
    %dma_wait3A_1171 = tpu.memref_squeeze %dma_wait3A_1170 : memref<1x!tpu.dma_semaphore, #tpu.memory_space<semaphore_mem>> -> memref<!tpu.dma_semaphore, #tpu.memory_space<semaphore_mem>>
    %dma_wait3A_1172 = arith.constant 0 : i32
    %dma_wait3A_1173 = arith.constant 0 : i32
    %dma_wait3A_1174 = arith.constant 0 : i32
    %dma_wait3A_1175 = tpu.memref_slice %arg6[%dma_wait3A_1159, %dma_wait3A_1160, %dma_wait3A_1172, %dma_wait3A_1173, %dma_wait3A_1174] : memref<2x3x64x1x128xf32, #tpu.memory_space<vmem>> -> memref<1x1x64x1x128xf32, #tpu.memory_space<vmem>>
    %dma_wait3A_1176 = tpu.memref_squeeze %dma_wait3A_1175 : memref<1x1x64x1x128xf32, #tpu.memory_space<vmem>> -> memref<64x1x128xf32, #tpu.memory_space<vmem>>
    %dma_wait3A_1177 = arith.constant 1 : i32
    %dma_wait3A_1178 = arith.constant 0 : i32
    %dma_wait3A_1179 = tpu.memref_slice %arg2[%add3A_920, %dma_wait3A_1177, %dma_wait3A_1178] : memref<16384x3x128xf32, #tpu.memory_space<hbm>> -> memref<64x1x128xf32, #tpu.memory_space<hbm>>
    tpu.wait_dma2 semaphore(%dma_wait3A_1171 : memref<!tpu.dma_semaphore, #tpu.memory_space<semaphore_mem>>) src(%dma_wait3A_1179 : memref<64x1x128xf32, #tpu.memory_space<hbm>>) dst(%dma_wait3A_1176 : memref<64x1x128xf32, #tpu.memory_space<vmem>>)
    %dma_wait3A_1180 = arith.constant 0 : i32
    %dma_wait3A_1181 = arith.constant 2 : i32
    %dma_wait3A_1182 = arith.constant 0 : i32
    %dma_wait3A_1183 = arith.constant 0 : i32
    %dma_wait3A_1184 = arith.constant 0 : i32
    %dma_wait3A_1185 = arith.constant 0 : i32
    %dma_wait3A_1186 = tpu.memref_slice %arg6[%dma_wait3A_1180, %dma_wait3A_1181, %dma_wait3A_1183, %dma_wait3A_1184, %dma_wait3A_1185] : memref<2x3x64x1x128xf32, #tpu.memory_space<vmem>> -> memref<1x1x64x1x128xf32, #tpu.memory_space<vmem>>
    %dma_wait3A_1187 = tpu.memref_squeeze %dma_wait3A_1186 : memref<1x1x64x1x128xf32, #tpu.memory_space<vmem>> -> memref<64x1x128xf32, #tpu.memory_space<vmem>>
    %dma_wait3A_1188 = arith.constant 2 : i32
    %dma_wait3A_1189 = arith.constant 0 : i32
    %dma_wait3A_1190 = tpu.memref_slice %arg2[%add3A_943, %dma_wait3A_1188, %dma_wait3A_1189] : memref<16384x3x128xf32, #tpu.memory_space<hbm>> -> memref<64x1x128xf32, #tpu.memory_space<hbm>>
    %dma_wait3A_1191 = tpu.memref_slice %arg8[%dma_wait3A_1182] : memref<2x!tpu.dma_semaphore, #tpu.memory_space<semaphore_mem>> -> memref<1x!tpu.dma_semaphore, #tpu.memory_space<semaphore_mem>>
    %dma_wait3A_1192 = tpu.memref_squeeze %dma_wait3A_1191 : memref<1x!tpu.dma_semaphore, #tpu.memory_space<semaphore_mem>> -> memref<!tpu.dma_semaphore, #tpu.memory_space<semaphore_mem>>
    %dma_wait3A_1193 = arith.constant 0 : i32
    %dma_wait3A_1194 = arith.constant 0 : i32
    %dma_wait3A_1195 = arith.constant 0 : i32
    %dma_wait3A_1196 = tpu.memref_slice %arg6[%dma_wait3A_1180, %dma_wait3A_1181, %dma_wait3A_1193, %dma_wait3A_1194, %dma_wait3A_1195] : memref<2x3x64x1x128xf32, #tpu.memory_space<vmem>> -> memref<1x1x64x1x128xf32, #tpu.memory_space<vmem>>
    %dma_wait3A_1197 = tpu.memref_squeeze %dma_wait3A_1196 : memref<1x1x64x1x128xf32, #tpu.memory_space<vmem>> -> memref<64x1x128xf32, #tpu.memory_space<vmem>>
    %dma_wait3A_1198 = arith.constant 2 : i32
    %dma_wait3A_1199 = arith.constant 0 : i32
    %dma_wait3A_1200 = tpu.memref_slice %arg2[%add3A_943, %dma_wait3A_1198, %dma_wait3A_1199] : memref<16384x3x128xf32, #tpu.memory_space<hbm>> -> memref<64x1x128xf32, #tpu.memory_space<hbm>>
    tpu.wait_dma2 semaphore(%dma_wait3A_1192 : memref<!tpu.dma_semaphore, #tpu.memory_space<semaphore_mem>>) src(%dma_wait3A_1200 : memref<64x1x128xf32, #tpu.memory_space<hbm>>) dst(%dma_wait3A_1197 : memref<64x1x128xf32, #tpu.memory_space<vmem>>)
    %dma_wait3A_1201 = arith.constant 0 : i32
    %dma_wait3A_1202 = arith.constant 0 : i32
    %dma_wait3A_1203 = arith.constant 0 : i32
    %dma_wait3A_1204 = arith.constant 0 : i32
    %dma_wait3A_1205 = tpu.memref_slice %arg7[%dma_wait3A_1201, %dma_wait3A_1203, %dma_wait3A_1204] : memref<2x64x128xf32, #tpu.memory_space<vmem>> -> memref<1x64x128xf32, #tpu.memory_space<vmem>>
    %dma_wait3A_1206 = tpu.memref_squeeze %dma_wait3A_1205 : memref<1x64x128xf32, #tpu.memory_space<vmem>> -> memref<64x128xf32, #tpu.memory_space<vmem>>
    %dma_wait3A_1207 = arith.constant 0 : i32
    %dma_wait3A_1208 = tpu.memref_slice %arg4[%add3A_879, %dma_wait3A_1207] : memref<16384x128xf32, #tpu.memory_space<hbm>> -> memref<64x128xf32, #tpu.memory_space<hbm>>
    %dma_wait3A_1209 = tpu.memref_slice %arg9[%dma_wait3A_1202] : memref<2x!tpu.dma_semaphore, #tpu.memory_space<semaphore_mem>> -> memref<1x!tpu.dma_semaphore, #tpu.memory_space<semaphore_mem>>
    %dma_wait3A_1210 = tpu.memref_squeeze %dma_wait3A_1209 : memref<1x!tpu.dma_semaphore, #tpu.memory_space<semaphore_mem>> -> memref<!tpu.dma_semaphore, #tpu.memory_space<semaphore_mem>>
    %dma_wait3A_1211 = arith.constant 0 : i32
    %dma_wait3A_1212 = tpu.memref_slice %arg4[%add3A_879, %dma_wait3A_1211] : memref<16384x128xf32, #tpu.memory_space<hbm>> -> memref<64x128xf32, #tpu.memory_space<hbm>>
    %dma_wait3A_1213 = arith.constant 0 : i32
    %dma_wait3A_1214 = arith.constant 0 : i32
    %dma_wait3A_1215 = tpu.memref_slice %arg7[%dma_wait3A_1201, %dma_wait3A_1213, %dma_wait3A_1214] : memref<2x64x128xf32, #tpu.memory_space<vmem>> -> memref<1x64x128xf32, #tpu.memory_space<vmem>>
    %dma_wait3A_1216 = tpu.memref_squeeze %dma_wait3A_1215 : memref<1x64x128xf32, #tpu.memory_space<vmem>> -> memref<64x128xf32, #tpu.memory_space<vmem>>
    tpu.wait_dma2 semaphore(%dma_wait3A_1210 : memref<!tpu.dma_semaphore, #tpu.memory_space<semaphore_mem>>) src(%dma_wait3A_1216 : memref<64x128xf32, #tpu.memory_space<vmem>>) dst(%dma_wait3A_1212 : memref<64x128xf32, #tpu.memory_space<hbm>>)
    %scan3A_1217 = arith.constant 0 : i32
    %scan3A_1218 = arith.constant 0 : i32
    %scan3A_1219 = arith.constant 64 : i32
    %scan3A_1220 = arith.addi %scan3A_1218, %scan3A_1219 : i32
    %scan3A_1221 = arith.constant 1 : i32
    %scan3A_1222 = scf.for %scan3A_1378 = %scan3A_1218 to %scan3A_1220 step %scan3A_1221 iter_args(%scan3A_1379 = %scan3A_1217) -> (i32)  : i32 {
      %add3A_1380 = arith.constant 384 : i32
      %add3A_1381 = arith.addi %add3A_1380, %scan3A_1378 : i32
      %get3A = arith.index_cast %add3A_1381 : i32 to index
      %get3A_1382 = tpu.vector_load %arg5[%get3A] {strides = array<i32>} : memref<528xi32, #tpu.memory_space<vmem>>, vector<16xi32>,
      %get3A_1383 = vector.shape_cast %get3A_1382 : vector<16xi32> to vector<16xi32>
      %slice3A = vector.extract_strided_slice %get3A_1383 {offsets = [0], sizes = [1], strides = [1]} : vector<16xi32> to vector<1xi32>
      %squeeze3A = vector.extract %slice3A[0] : i32 from vector<1xi32>
      %get3A_1384 = arith.constant 0 : i32
      %get3A_1385 = arith.constant 0 : i32
      %get3A_1386 = arith.index_cast %get3A_1384 : i32 to index
      %get3A_1387 = arith.index_cast %squeeze3A : i32 to index
      %get3A_1388 = arith.index_cast %scan3A_1378 : i32 to index
      %get3A_1389 = arith.index_cast %get3A_1385 : i32 to index
      %get3A_1390 = arith.constant 0 : index
      %get3A_1391 = tpu.vector_load %arg6[%get3A_1386, %get3A_1387, %get3A_1388, %get3A_1389, %get3A_1390] {strides = array<i32>} : memref<2x3x64x1x128xf32, #tpu.memory_space<vmem>>, vector<1x1x1x1x16xf32>,
      %get3A_1392 = vector.shape_cast %get3A_1391 : vector<1x1x1x1x16xf32> to vector<16xf32>
      %swap3A = arith.constant 0 : i32
      %swap3A_1393 = arith.index_cast %swap3A : i32 to index
      %swap3A_1394 = arith.index_cast %scan3A_1378 : i32 to index
      %swap3A_1395 = arith.constant 0 : index
      %swap3A_1396 = tpu.vector_load %arg7[%swap3A_1393, %swap3A_1394, %swap3A_1395] {strides = array<i32>} : memref<2x64x128xf32, #tpu.memory_space<vmem>>, vector<1x1x16xf32>,
      %swap3A_1397 = vector.shape_cast %swap3A_1396 : vector<1x1x16xf32> to vector<16xf32>
      %swap3A_1398 = vector.shape_cast %get3A_1392 : vector<16xf32> to vector<1x1x16xf32>
      tpu.vector_store %arg7[%swap3A_1393, %swap3A_1394, %swap3A_1395], %swap3A_1398 {strides = array<i32>} : memref<2x64x128xf32, #tpu.memory_space<vmem>>, vector<1x1x16xf32>,
      %get3A_1399 = arith.constant 0 : i32
      %get3A_1400 = arith.constant 0 : i32
      %get3A_1401 = arith.index_cast %get3A_1399 : i32 to index
      %get3A_1402 = arith.index_cast %squeeze3A : i32 to index
      %get3A_1403 = arith.index_cast %scan3A_1378 : i32 to index
      %get3A_1404 = arith.index_cast %get3A_1400 : i32 to index
      %get3A_1405 = arith.constant 16 : index
      %get3A_1406 = tpu.vector_load %arg6[%get3A_1401, %get3A_1402, %get3A_1403, %get3A_1404, %get3A_1405] {strides = array<i32>} : memref<2x3x64x1x128xf32, #tpu.memory_space<vmem>>, vector<1x1x1x1x16xf32>,
      %get3A_1407 = vector.shape_cast %get3A_1406 : vector<1x1x1x1x16xf32> to vector<16xf32>
      %swap3A_1408 = arith.constant 0 : i32
      %swap3A_1409 = arith.index_cast %swap3A_1408 : i32 to index
      %swap3A_1410 = arith.index_cast %scan3A_1378 : i32 to index
      %swap3A_1411 = arith.constant 16 : index
      %swap3A_1412 = tpu.vector_load %arg7[%swap3A_1409, %swap3A_1410, %swap3A_1411] {strides = array<i32>} : memref<2x64x128xf32, #tpu.memory_space<vmem>>, vector<1x1x16xf32>,
      %swap3A_1413 = vector.shape_cast %swap3A_1412 : vector<1x1x16xf32> to vector<16xf32>
      %swap3A_1414 = vector.shape_cast %get3A_1407 : vector<16xf32> to vector<1x1x16xf32>
      tpu.vector_store %arg7[%swap3A_1409, %swap3A_1410, %swap3A_1411], %swap3A_1414 {strides = array<i32>} : memref<2x64x128xf32, #tpu.memory_space<vmem>>, vector<1x1x16xf32>,
      %get3A_1415 = arith.constant 0 : i32
      %get3A_1416 = arith.constant 0 : i32
      %get3A_1417 = arith.index_cast %get3A_1415 : i32 to index
      %get3A_1418 = arith.index_cast %squeeze3A : i32 to index
      %get3A_1419 = arith.index_cast %scan3A_1378 : i32 to index
      %get3A_1420 = arith.index_cast %get3A_1416 : i32 to index
      %get3A_1421 = arith.constant 32 : index
      %get3A_1422 = tpu.vector_load %arg6[%get3A_1417, %get3A_1418, %get3A_1419, %get3A_1420, %get3A_1421] {strides = array<i32>} : memref<2x3x64x1x128xf32, #tpu.memory_space<vmem>>, vector<1x1x1x1x16xf32>,
      %get3A_1423 = vector.shape_cast %get3A_1422 : vector<1x1x1x1x16xf32> to vector<16xf32>
      %swap3A_1424 = arith.constant 0 : i32
      %swap3A_1425 = arith.index_cast %swap3A_1424 : i32 to index
      %swap3A_1426 = arith.index_cast %scan3A_1378 : i32 to index
      %swap3A_1427 = arith.constant 32 : index
      %swap3A_1428 = tpu.vector_load %arg7[%swap3A_1425, %swap3A_1426, %swap3A_1427] {strides = array<i32>} : memref<2x64x128xf32, #tpu.memory_space<vmem>>, vector<1x1x16xf32>,
      %swap3A_1429 = vector.shape_cast %swap3A_1428 : vector<1x1x16xf32> to vector<16xf32>
      %swap3A_1430 = vector.shape_cast %get3A_1423 : vector<16xf32> to vector<1x1x16xf32>
      tpu.vector_store %arg7[%swap3A_1425, %swap3A_1426, %swap3A_1427], %swap3A_1430 {strides = array<i32>} : memref<2x64x128xf32, #tpu.memory_space<vmem>>, vector<1x1x16xf32>,
      %get3A_1431 = arith.constant 0 : i32
      %get3A_1432 = arith.constant 0 : i32
      %get3A_1433 = arith.index_cast %get3A_1431 : i32 to index
      %get3A_1434 = arith.index_cast %squeeze3A : i32 to index
      %get3A_1435 = arith.index_cast %scan3A_1378 : i32 to index
      %get3A_1436 = arith.index_cast %get3A_1432 : i32 to index
      %get3A_1437 = arith.constant 48 : index
      %get3A_1438 = tpu.vector_load %arg6[%get3A_1433, %get3A_1434, %get3A_1435, %get3A_1436, %get3A_1437] {strides = array<i32>} : memref<2x3x64x1x128xf32, #tpu.memory_space<vmem>>, vector<1x1x1x1x16xf32>,
      %get3A_1439 = vector.shape_cast %get3A_1438 : vector<1x1x1x1x16xf32> to vector<16xf32>
      %swap3A_1440 = arith.constant 0 : i32
      %swap3A_1441 = arith.index_cast %swap3A_1440 : i32 to index
      %swap3A_1442 = arith.index_cast %scan3A_1378 : i32 to index
      %swap3A_1443 = arith.constant 48 : index
      %swap3A_1444 = tpu.vector_load %arg7[%swap3A_1441, %swap3A_1442, %swap3A_1443] {strides = array<i32>} : memref<2x64x128xf32, #tpu.memory_space<vmem>>, vector<1x1x16xf32>,
      %swap3A_1445 = vector.shape_cast %swap3A_1444 : vector<1x1x16xf32> to vector<16xf32>
      %swap3A_1446 = vector.shape_cast %get3A_1439 : vector<16xf32> to vector<1x1x16xf32>
      tpu.vector_store %arg7[%swap3A_1441, %swap3A_1442, %swap3A_1443], %swap3A_1446 {strides = array<i32>} : memref<2x64x128xf32, #tpu.memory_space<vmem>>, vector<1x1x16xf32>,
      %get3A_1447 = arith.constant 0 : i32
      %get3A_1448 = arith.constant 0 : i32
      %get3A_1449 = arith.index_cast %get3A_1447 : i32 to index
      %get3A_1450 = arith.index_cast %squeeze3A : i32 to index
      %get3A_1451 = arith.index_cast %scan3A_1378 : i32 to index
      %get3A_1452 = arith.index_cast %get3A_1448 : i32 to index
      %get3A_1453 = arith.constant 64 : index
      %get3A_1454 = tpu.vector_load %arg6[%get3A_1449, %get3A_1450, %get3A_1451, %get3A_1452, %get3A_1453] {strides = array<i32>} : memref<2x3x64x1x128xf32, #tpu.memory_space<vmem>>, vector<1x1x1x1x16xf32>,
      %get3A_1455 = vector.shape_cast %get3A_1454 : vector<1x1x1x1x16xf32> to vector<16xf32>
      %swap3A_1456 = arith.constant 0 : i32
      %swap3A_1457 = arith.index_cast %swap3A_1456 : i32 to index
      %swap3A_1458 = arith.index_cast %scan3A_1378 : i32 to index
      %swap3A_1459 = arith.constant 64 : index
      %swap3A_1460 = tpu.vector_load %arg7[%swap3A_1457, %swap3A_1458, %swap3A_1459] {strides = array<i32>} : memref<2x64x128xf32, #tpu.memory_space<vmem>>, vector<1x1x16xf32>,
      %swap3A_1461 = vector.shape_cast %swap3A_1460 : vector<1x1x16xf32> to vector<16xf32>
      %swap3A_1462 = vector.shape_cast %get3A_1455 : vector<16xf32> to vector<1x1x16xf32>
      tpu.vector_store %arg7[%swap3A_1457, %swap3A_1458, %swap3A_1459], %swap3A_1462 {strides = array<i32>} : memref<2x64x128xf32, #tpu.memory_space<vmem>>, vector<1x1x16xf32>,
      %get3A_1463 = arith.constant 0 : i32
      %get3A_1464 = arith.constant 0 : i32
      %get3A_1465 = arith.index_cast %get3A_1463 : i32 to index
      %get3A_1466 = arith.index_cast %squeeze3A : i32 to index
      %get3A_1467 = arith.index_cast %scan3A_1378 : i32 to index
      %get3A_1468 = arith.index_cast %get3A_1464 : i32 to index
      %get3A_1469 = arith.constant 80 : index
      %get3A_1470 = tpu.vector_load %arg6[%get3A_1465, %get3A_1466, %get3A_1467, %get3A_1468, %get3A_1469] {strides = array<i32>} : memref<2x3x64x1x128xf32, #tpu.memory_space<vmem>>, vector<1x1x1x1x16xf32>,
      %get3A_1471 = vector.shape_cast %get3A_1470 : vector<1x1x1x1x16xf32> to vector<16xf32>
      %swap3A_1472 = arith.constant 0 : i32
      %swap3A_1473 = arith.index_cast %swap3A_1472 : i32 to index
      %swap3A_1474 = arith.index_cast %scan3A_1378 : i32 to index
      %swap3A_1475 = arith.constant 80 : index
      %swap3A_1476 = tpu.vector_load %arg7[%swap3A_1473, %swap3A_1474, %swap3A_1475] {strides = array<i32>} : memref<2x64x128xf32, #tpu.memory_space<vmem>>, vector<1x1x16xf32>,
      %swap3A_1477 = vector.shape_cast %swap3A_1476 : vector<1x1x16xf32> to vector<16xf32>
      %swap3A_1478 = vector.shape_cast %get3A_1471 : vector<16xf32> to vector<1x1x16xf32>
      tpu.vector_store %arg7[%swap3A_1473, %swap3A_1474, %swap3A_1475], %swap3A_1478 {strides = array<i32>} : memref<2x64x128xf32, #tpu.memory_space<vmem>>, vector<1x1x16xf32>,
      %get3A_1479 = arith.constant 0 : i32
      %get3A_1480 = arith.constant 0 : i32
      %get3A_1481 = arith.index_cast %get3A_1479 : i32 to index
      %get3A_1482 = arith.index_cast %squeeze3A : i32 to index
      %get3A_1483 = arith.index_cast %scan3A_1378 : i32 to index
      %get3A_1484 = arith.index_cast %get3A_1480 : i32 to index
      %get3A_1485 = arith.constant 96 : index
      %get3A_1486 = tpu.vector_load %arg6[%get3A_1481, %get3A_1482, %get3A_1483, %get3A_1484, %get3A_1485] {strides = array<i32>} : memref<2x3x64x1x128xf32, #tpu.memory_space<vmem>>, vector<1x1x1x1x16xf32>,
      %get3A_1487 = vector.shape_cast %get3A_1486 : vector<1x1x1x1x16xf32> to vector<16xf32>
      %swap3A_1488 = arith.constant 0 : i32
      %swap3A_1489 = arith.index_cast %swap3A_1488 : i32 to index
      %swap3A_1490 = arith.index_cast %scan3A_1378 : i32 to index
      %swap3A_1491 = arith.constant 96 : index
      %swap3A_1492 = tpu.vector_load %arg7[%swap3A_1489, %swap3A_1490, %swap3A_1491] {strides = array<i32>} : memref<2x64x128xf32, #tpu.memory_space<vmem>>, vector<1x1x16xf32>,
      %swap3A_1493 = vector.shape_cast %swap3A_1492 : vector<1x1x16xf32> to vector<16xf32>
      %swap3A_1494 = vector.shape_cast %get3A_1487 : vector<16xf32> to vector<1x1x16xf32>
      tpu.vector_store %arg7[%swap3A_1489, %swap3A_1490, %swap3A_1491], %swap3A_1494 {strides = array<i32>} : memref<2x64x128xf32, #tpu.memory_space<vmem>>, vector<1x1x16xf32>,
      %get3A_1495 = arith.constant 0 : i32
      %get3A_1496 = arith.constant 0 : i32
      %get3A_1497 = arith.index_cast %get3A_1495 : i32 to index
      %get3A_1498 = arith.index_cast %squeeze3A : i32 to index
      %get3A_1499 = arith.index_cast %scan3A_1378 : i32 to index
      %get3A_1500 = arith.index_cast %get3A_1496 : i32 to index
      %get3A_1501 = arith.constant 112 : index
      %get3A_1502 = tpu.vector_load %arg6[%get3A_1497, %get3A_1498, %get3A_1499, %get3A_1500, %get3A_1501] {strides = array<i32>} : memref<2x3x64x1x128xf32, #tpu.memory_space<vmem>>, vector<1x1x1x1x16xf32>,
      %get3A_1503 = vector.shape_cast %get3A_1502 : vector<1x1x1x1x16xf32> to vector<16xf32>
      %swap3A_1504 = arith.constant 0 : i32
      %swap3A_1505 = arith.index_cast %swap3A_1504 : i32 to index
      %swap3A_1506 = arith.index_cast %scan3A_1378 : i32 to index
      %swap3A_1507 = arith.constant 112 : index
      %swap3A_1508 = tpu.vector_load %arg7[%swap3A_1505, %swap3A_1506, %swap3A_1507] {strides = array<i32>} : memref<2x64x128xf32, #tpu.memory_space<vmem>>, vector<1x1x16xf32>,
      %swap3A_1509 = vector.shape_cast %swap3A_1508 : vector<1x1x16xf32> to vector<16xf32>
      %swap3A_1510 = vector.shape_cast %get3A_1503 : vector<16xf32> to vector<1x1x16xf32>
      tpu.vector_store %arg7[%swap3A_1505, %swap3A_1506, %swap3A_1507], %swap3A_1510 {strides = array<i32>} : memref<2x64x128xf32, #tpu.memory_space<vmem>>, vector<1x1x16xf32>,
      %scan3A_1511 = arith.constant 0 : i32
      scf.yield %scan3A_1511 : i32
    }
    %scan3A_1223 = arith.constant 64 : i32
    %add3A_1224 = arith.constant 384 : i32
    %add3A_1225 = arith.addi %mul3A_2, %add3A_1224 : i32
    %dma_start3A_1226 = arith.constant 0 : i32
    %dma_start3A_1227 = arith.constant 0 : i32
    %dma_start3A_1228 = arith.constant 0 : i32
    %dma_start3A_1229 = arith.constant 0 : i32
    %dma_start3A_1230 = tpu.memref_slice %arg7[%dma_start3A_1226, %dma_start3A_1228, %dma_start3A_1229] : memref<2x64x128xf32, #tpu.memory_space<vmem>> -> memref<1x64x128xf32, #tpu.memory_space<vmem>>
    %dma_start3A_1231 = tpu.memref_squeeze %dma_start3A_1230 : memref<1x64x128xf32, #tpu.memory_space<vmem>> -> memref<64x128xf32, #tpu.memory_space<vmem>>
    %dma_start3A_1232 = arith.constant 0 : i32
    %dma_start3A_1233 = tpu.memref_slice %arg4[%add3A_1225, %dma_start3A_1232] : memref<16384x128xf32, #tpu.memory_space<hbm>> -> memref<64x128xf32, #tpu.memory_space<hbm>>
    %dma_start3A_1234 = tpu.memref_slice %arg9[%dma_start3A_1227] : memref<2x!tpu.dma_semaphore, #tpu.memory_space<semaphore_mem>> -> memref<1x!tpu.dma_semaphore, #tpu.memory_space<semaphore_mem>>
    %dma_start3A_1235 = tpu.memref_squeeze %dma_start3A_1234 : memref<1x!tpu.dma_semaphore, #tpu.memory_space<semaphore_mem>> -> memref<!tpu.dma_semaphore, #tpu.memory_space<semaphore_mem>>
    %dma_start3A_1236 = arith.constant 0 : i32
    %dma_start3A_1237 = tpu.memref_slice %arg4[%add3A_1225, %dma_start3A_1236] : memref<16384x128xf32, #tpu.memory_space<hbm>> -> memref<64x128xf32, #tpu.memory_space<hbm>>
    %dma_start3A_1238 = arith.constant 0 : i32
    %dma_start3A_1239 = arith.constant 0 : i32
    %dma_start3A_1240 = tpu.memref_slice %arg7[%dma_start3A_1226, %dma_start3A_1238, %dma_start3A_1239] : memref<2x64x128xf32, #tpu.memory_space<vmem>> -> memref<1x64x128xf32, #tpu.memory_space<vmem>>
    %dma_start3A_1241 = tpu.memref_squeeze %dma_start3A_1240 : memref<1x64x128xf32, #tpu.memory_space<vmem>> -> memref<64x128xf32, #tpu.memory_space<vmem>>
    tpu.enqueue_dma source(%dma_start3A_1241 : memref<64x128xf32, #tpu.memory_space<vmem>>) target(%dma_start3A_1237 : memref<64x128xf32, #tpu.memory_space<hbm>>) target_semaphore(%dma_start3A_1235 : memref<!tpu.dma_semaphore, #tpu.memory_space<semaphore_mem>>)
    %dma_wait3A_1242 = arith.constant 1 : i32
    %dma_wait3A_1243 = arith.constant 0 : i32
    %dma_wait3A_1244 = arith.constant 1 : i32
    %dma_wait3A_1245 = arith.constant 0 : i32
    %dma_wait3A_1246 = arith.constant 0 : i32
    %dma_wait3A_1247 = arith.constant 0 : i32
    %dma_wait3A_1248 = tpu.memref_slice %arg6[%dma_wait3A_1242, %dma_wait3A_1243, %dma_wait3A_1245, %dma_wait3A_1246, %dma_wait3A_1247] : memref<2x3x64x1x128xf32, #tpu.memory_space<vmem>> -> memref<1x1x64x1x128xf32, #tpu.memory_space<vmem>>
    %dma_wait3A_1249 = tpu.memref_squeeze %dma_wait3A_1248 : memref<1x1x64x1x128xf32, #tpu.memory_space<vmem>> -> memref<64x1x128xf32, #tpu.memory_space<vmem>>
    %dma_wait3A_1250 = arith.constant 0 : i32
    %dma_wait3A_1251 = arith.constant 0 : i32
    %dma_wait3A_1252 = tpu.memref_slice %arg2[%add3A_1070, %dma_wait3A_1250, %dma_wait3A_1251] : memref<16384x3x128xf32, #tpu.memory_space<hbm>> -> memref<64x1x128xf32, #tpu.memory_space<hbm>>
    %dma_wait3A_1253 = tpu.memref_slice %arg8[%dma_wait3A_1244] : memref<2x!tpu.dma_semaphore, #tpu.memory_space<semaphore_mem>> -> memref<1x!tpu.dma_semaphore, #tpu.memory_space<semaphore_mem>>
    %dma_wait3A_1254 = tpu.memref_squeeze %dma_wait3A_1253 : memref<1x!tpu.dma_semaphore, #tpu.memory_space<semaphore_mem>> -> memref<!tpu.dma_semaphore, #tpu.memory_space<semaphore_mem>>
    %dma_wait3A_1255 = arith.constant 0 : i32
    %dma_wait3A_1256 = arith.constant 0 : i32
    %dma_wait3A_1257 = arith.constant 0 : i32
    %dma_wait3A_1258 = tpu.memref_slice %arg6[%dma_wait3A_1242, %dma_wait3A_1243, %dma_wait3A_1255, %dma_wait3A_1256, %dma_wait3A_1257] : memref<2x3x64x1x128xf32, #tpu.memory_space<vmem>> -> memref<1x1x64x1x128xf32, #tpu.memory_space<vmem>>
    %dma_wait3A_1259 = tpu.memref_squeeze %dma_wait3A_1258 : memref<1x1x64x1x128xf32, #tpu.memory_space<vmem>> -> memref<64x1x128xf32, #tpu.memory_space<vmem>>
    %dma_wait3A_1260 = arith.constant 0 : i32
    %dma_wait3A_1261 = arith.constant 0 : i32
    %dma_wait3A_1262 = tpu.memref_slice %arg2[%add3A_1070, %dma_wait3A_1260, %dma_wait3A_1261] : memref<16384x3x128xf32, #tpu.memory_space<hbm>> -> memref<64x1x128xf32, #tpu.memory_space<hbm>>
    tpu.wait_dma2 semaphore(%dma_wait3A_1254 : memref<!tpu.dma_semaphore, #tpu.memory_space<semaphore_mem>>) src(%dma_wait3A_1262 : memref<64x1x128xf32, #tpu.memory_space<hbm>>) dst(%dma_wait3A_1259 : memref<64x1x128xf32, #tpu.memory_space<vmem>>)
    %dma_wait3A_1263 = arith.constant 1 : i32
    %dma_wait3A_1264 = arith.constant 1 : i32
    %dma_wait3A_1265 = arith.constant 1 : i32
    %dma_wait3A_1266 = arith.constant 0 : i32
    %dma_wait3A_1267 = arith.constant 0 : i32
    %dma_wait3A_1268 = arith.constant 0 : i32
    %dma_wait3A_1269 = tpu.memref_slice %arg6[%dma_wait3A_1263, %dma_wait3A_1264, %dma_wait3A_1266, %dma_wait3A_1267, %dma_wait3A_1268] : memref<2x3x64x1x128xf32, #tpu.memory_space<vmem>> -> memref<1x1x64x1x128xf32, #tpu.memory_space<vmem>>
    %dma_wait3A_1270 = tpu.memref_squeeze %dma_wait3A_1269 : memref<1x1x64x1x128xf32, #tpu.memory_space<vmem>> -> memref<64x1x128xf32, #tpu.memory_space<vmem>>
    %dma_wait3A_1271 = arith.constant 1 : i32
    %dma_wait3A_1272 = arith.constant 0 : i32
    %dma_wait3A_1273 = tpu.memref_slice %arg2[%add3A_1093, %dma_wait3A_1271, %dma_wait3A_1272] : memref<16384x3x128xf32, #tpu.memory_space<hbm>> -> memref<64x1x128xf32, #tpu.memory_space<hbm>>
    %dma_wait3A_1274 = tpu.memref_slice %arg8[%dma_wait3A_1265] : memref<2x!tpu.dma_semaphore, #tpu.memory_space<semaphore_mem>> -> memref<1x!tpu.dma_semaphore, #tpu.memory_space<semaphore_mem>>
    %dma_wait3A_1275 = tpu.memref_squeeze %dma_wait3A_1274 : memref<1x!tpu.dma_semaphore, #tpu.memory_space<semaphore_mem>> -> memref<!tpu.dma_semaphore, #tpu.memory_space<semaphore_mem>>
    %dma_wait3A_1276 = arith.constant 0 : i32
    %dma_wait3A_1277 = arith.constant 0 : i32
    %dma_wait3A_1278 = arith.constant 0 : i32
    %dma_wait3A_1279 = tpu.memref_slice %arg6[%dma_wait3A_1263, %dma_wait3A_1264, %dma_wait3A_1276, %dma_wait3A_1277, %dma_wait3A_1278] : memref<2x3x64x1x128xf32, #tpu.memory_space<vmem>> -> memref<1x1x64x1x128xf32, #tpu.memory_space<vmem>>
    %dma_wait3A_1280 = tpu.memref_squeeze %dma_wait3A_1279 : memref<1x1x64x1x128xf32, #tpu.memory_space<vmem>> -> memref<64x1x128xf32, #tpu.memory_space<vmem>>
    %dma_wait3A_1281 = arith.constant 1 : i32
    %dma_wait3A_1282 = arith.constant 0 : i32
    %dma_wait3A_1283 = tpu.memref_slice %arg2[%add3A_1093, %dma_wait3A_1281, %dma_wait3A_1282] : memref<16384x3x128xf32, #tpu.memory_space<hbm>> -> memref<64x1x128xf32, #tpu.memory_space<hbm>>
    tpu.wait_dma2 semaphore(%dma_wait3A_1275 : memref<!tpu.dma_semaphore, #tpu.memory_space<semaphore_mem>>) src(%dma_wait3A_1283 : memref<64x1x128xf32, #tpu.memory_space<hbm>>) dst(%dma_wait3A_1280 : memref<64x1x128xf32, #tpu.memory_space<vmem>>)
    %dma_wait3A_1284 = arith.constant 1 : i32
    %dma_wait3A_1285 = arith.constant 2 : i32
    %dma_wait3A_1286 = arith.constant 1 : i32
    %dma_wait3A_1287 = arith.constant 0 : i32
    %dma_wait3A_1288 = arith.constant 0 : i32
    %dma_wait3A_1289 = arith.constant 0 : i32
    %dma_wait3A_1290 = tpu.memref_slice %arg6[%dma_wait3A_1284, %dma_wait3A_1285, %dma_wait3A_1287, %dma_wait3A_1288, %dma_wait3A_1289] : memref<2x3x64x1x128xf32, #tpu.memory_space<vmem>> -> memref<1x1x64x1x128xf32, #tpu.memory_space<vmem>>
    %dma_wait3A_1291 = tpu.memref_squeeze %dma_wait3A_1290 : memref<1x1x64x1x128xf32, #tpu.memory_space<vmem>> -> memref<64x1x128xf32, #tpu.memory_space<vmem>>
    %dma_wait3A_1292 = arith.constant 2 : i32
    %dma_wait3A_1293 = arith.constant 0 : i32
    %dma_wait3A_1294 = tpu.memref_slice %arg2[%add3A_1116, %dma_wait3A_1292, %dma_wait3A_1293] : memref<16384x3x128xf32, #tpu.memory_space<hbm>> -> memref<64x1x128xf32, #tpu.memory_space<hbm>>
    %dma_wait3A_1295 = tpu.memref_slice %arg8[%dma_wait3A_1286] : memref<2x!tpu.dma_semaphore, #tpu.memory_space<semaphore_mem>> -> memref<1x!tpu.dma_semaphore, #tpu.memory_space<semaphore_mem>>
    %dma_wait3A_1296 = tpu.memref_squeeze %dma_wait3A_1295 : memref<1x!tpu.dma_semaphore, #tpu.memory_space<semaphore_mem>> -> memref<!tpu.dma_semaphore, #tpu.memory_space<semaphore_mem>>
    %dma_wait3A_1297 = arith.constant 0 : i32
    %dma_wait3A_1298 = arith.constant 0 : i32
    %dma_wait3A_1299 = arith.constant 0 : i32
    %dma_wait3A_1300 = tpu.memref_slice %arg6[%dma_wait3A_1284, %dma_wait3A_1285, %dma_wait3A_1297, %dma_wait3A_1298, %dma_wait3A_1299] : memref<2x3x64x1x128xf32, #tpu.memory_space<vmem>> -> memref<1x1x64x1x128xf32, #tpu.memory_space<vmem>>
    %dma_wait3A_1301 = tpu.memref_squeeze %dma_wait3A_1300 : memref<1x1x64x1x128xf32, #tpu.memory_space<vmem>> -> memref<64x1x128xf32, #tpu.memory_space<vmem>>
    %dma_wait3A_1302 = arith.constant 2 : i32
    %dma_wait3A_1303 = arith.constant 0 : i32
    %dma_wait3A_1304 = tpu.memref_slice %arg2[%add3A_1116, %dma_wait3A_1302, %dma_wait3A_1303] : memref<16384x3x128xf32, #tpu.memory_space<hbm>> -> memref<64x1x128xf32, #tpu.memory_space<hbm>>
    tpu.wait_dma2 semaphore(%dma_wait3A_1296 : memref<!tpu.dma_semaphore, #tpu.memory_space<semaphore_mem>>) src(%dma_wait3A_1304 : memref<64x1x128xf32, #tpu.memory_space<hbm>>) dst(%dma_wait3A_1301 : memref<64x1x128xf32, #tpu.memory_space<vmem>>)
    %dma_wait3A_1305 = arith.constant 1 : i32
    %dma_wait3A_1306 = arith.constant 1 : i32
    %dma_wait3A_1307 = arith.constant 0 : i32
    %dma_wait3A_1308 = arith.constant 0 : i32
    %dma_wait3A_1309 = tpu.memref_slice %arg7[%dma_wait3A_1305, %dma_wait3A_1307, %dma_wait3A_1308] : memref<2x64x128xf32, #tpu.memory_space<vmem>> -> memref<1x64x128xf32, #tpu.memory_space<vmem>>
    %dma_wait3A_1310 = tpu.memref_squeeze %dma_wait3A_1309 : memref<1x64x128xf32, #tpu.memory_space<vmem>> -> memref<64x128xf32, #tpu.memory_space<vmem>>
    %dma_wait3A_1311 = arith.constant 0 : i32
    %dma_wait3A_1312 = tpu.memref_slice %arg4[%add3A_1052, %dma_wait3A_1311] : memref<16384x128xf32, #tpu.memory_space<hbm>> -> memref<64x128xf32, #tpu.memory_space<hbm>>
    %dma_wait3A_1313 = tpu.memref_slice %arg9[%dma_wait3A_1306] : memref<2x!tpu.dma_semaphore, #tpu.memory_space<semaphore_mem>> -> memref<1x!tpu.dma_semaphore, #tpu.memory_space<semaphore_mem>>
    %dma_wait3A_1314 = tpu.memref_squeeze %dma_wait3A_1313 : memref<1x!tpu.dma_semaphore, #tpu.memory_space<semaphore_mem>> -> memref<!tpu.dma_semaphore, #tpu.memory_space<semaphore_mem>>
    %dma_wait3A_1315 = arith.constant 0 : i32
    %dma_wait3A_1316 = tpu.memref_slice %arg4[%add3A_1052, %dma_wait3A_1315] : memref<16384x128xf32, #tpu.memory_space<hbm>> -> memref<64x128xf32, #tpu.memory_space<hbm>>
    %dma_wait3A_1317 = arith.constant 0 : i32
    %dma_wait3A_1318 = arith.constant 0 : i32
    %dma_wait3A_1319 = tpu.memref_slice %arg7[%dma_wait3A_1305, %dma_wait3A_1317, %dma_wait3A_1318] : memref<2x64x128xf32, #tpu.memory_space<vmem>> -> memref<1x64x128xf32, #tpu.memory_space<vmem>>
    %dma_wait3A_1320 = tpu.memref_squeeze %dma_wait3A_1319 : memref<1x64x128xf32, #tpu.memory_space<vmem>> -> memref<64x128xf32, #tpu.memory_space<vmem>>
    tpu.wait_dma2 semaphore(%dma_wait3A_1314 : memref<!tpu.dma_semaphore, #tpu.memory_space<semaphore_mem>>) src(%dma_wait3A_1320 : memref<64x128xf32, #tpu.memory_space<vmem>>) dst(%dma_wait3A_1316 : memref<64x128xf32, #tpu.memory_space<hbm>>)
    %scan3A_1321 = arith.constant 0 : i32
    %scan3A_1322 = arith.constant 0 : i32
    %scan3A_1323 = arith.constant 64 : i32
    %scan3A_1324 = arith.addi %scan3A_1322, %scan3A_1323 : i32
    %scan3A_1325 = arith.constant 1 : i32
    %scan3A_1326 = scf.for %scan3A_1378 = %scan3A_1322 to %scan3A_1324 step %scan3A_1325 iter_args(%scan3A_1379 = %scan3A_1321) -> (i32)  : i32 {
      %add3A_1380 = arith.constant 448 : i32
      %add3A_1381 = arith.addi %add3A_1380, %scan3A_1378 : i32
      %get3A = arith.index_cast %add3A_1381 : i32 to index
      %get3A_1382 = tpu.vector_load %arg5[%get3A] {strides = array<i32>} : memref<528xi32, #tpu.memory_space<vmem>>, vector<16xi32>,
      %get3A_1383 = vector.shape_cast %get3A_1382 : vector<16xi32> to vector<16xi32>
      %slice3A = vector.extract_strided_slice %get3A_1383 {offsets = [0], sizes = [1], strides = [1]} : vector<16xi32> to vector<1xi32>
      %squeeze3A = vector.extract %slice3A[0] : i32 from vector<1xi32>
      %get3A_1384 = arith.constant 1 : i32
      %get3A_1385 = arith.constant 0 : i32
      %get3A_1386 = arith.index_cast %get3A_1384 : i32 to index
      %get3A_1387 = arith.index_cast %squeeze3A : i32 to index
      %get3A_1388 = arith.index_cast %scan3A_1378 : i32 to index
      %get3A_1389 = arith.index_cast %get3A_1385 : i32 to index
      %get3A_1390 = arith.constant 0 : index
      %get3A_1391 = tpu.vector_load %arg6[%get3A_1386, %get3A_1387, %get3A_1388, %get3A_1389, %get3A_1390] {strides = array<i32>} : memref<2x3x64x1x128xf32, #tpu.memory_space<vmem>>, vector<1x1x1x1x16xf32>,
      %get3A_1392 = vector.shape_cast %get3A_1391 : vector<1x1x1x1x16xf32> to vector<16xf32>
      %swap3A = arith.constant 1 : i32
      %swap3A_1393 = arith.index_cast %swap3A : i32 to index
      %swap3A_1394 = arith.index_cast %scan3A_1378 : i32 to index
      %swap3A_1395 = arith.constant 0 : index
      %swap3A_1396 = tpu.vector_load %arg7[%swap3A_1393, %swap3A_1394, %swap3A_1395] {strides = array<i32>} : memref<2x64x128xf32, #tpu.memory_space<vmem>>, vector<1x1x16xf32>,
      %swap3A_1397 = vector.shape_cast %swap3A_1396 : vector<1x1x16xf32> to vector<16xf32>
      %swap3A_1398 = vector.shape_cast %get3A_1392 : vector<16xf32> to vector<1x1x16xf32>
      tpu.vector_store %arg7[%swap3A_1393, %swap3A_1394, %swap3A_1395], %swap3A_1398 {strides = array<i32>} : memref<2x64x128xf32, #tpu.memory_space<vmem>>, vector<1x1x16xf32>,
      %get3A_1399 = arith.constant 1 : i32
      %get3A_1400 = arith.constant 0 : i32
      %get3A_1401 = arith.index_cast %get3A_1399 : i32 to index
      %get3A_1402 = arith.index_cast %squeeze3A : i32 to index
      %get3A_1403 = arith.index_cast %scan3A_1378 : i32 to index
      %get3A_1404 = arith.index_cast %get3A_1400 : i32 to index
      %get3A_1405 = arith.constant 16 : index
      %get3A_1406 = tpu.vector_load %arg6[%get3A_1401, %get3A_1402, %get3A_1403, %get3A_1404, %get3A_1405] {strides = array<i32>} : memref<2x3x64x1x128xf32, #tpu.memory_space<vmem>>, vector<1x1x1x1x16xf32>,
      %get3A_1407 = vector.shape_cast %get3A_1406 : vector<1x1x1x1x16xf32> to vector<16xf32>
      %swap3A_1408 = arith.constant 1 : i32
      %swap3A_1409 = arith.index_cast %swap3A_1408 : i32 to index
      %swap3A_1410 = arith.index_cast %scan3A_1378 : i32 to index
      %swap3A_1411 = arith.constant 16 : index
      %swap3A_1412 = tpu.vector_load %arg7[%swap3A_1409, %swap3A_1410, %swap3A_1411] {strides = array<i32>} : memref<2x64x128xf32, #tpu.memory_space<vmem>>, vector<1x1x16xf32>,
      %swap3A_1413 = vector.shape_cast %swap3A_1412 : vector<1x1x16xf32> to vector<16xf32>
      %swap3A_1414 = vector.shape_cast %get3A_1407 : vector<16xf32> to vector<1x1x16xf32>
      tpu.vector_store %arg7[%swap3A_1409, %swap3A_1410, %swap3A_1411], %swap3A_1414 {strides = array<i32>} : memref<2x64x128xf32, #tpu.memory_space<vmem>>, vector<1x1x16xf32>,
      %get3A_1415 = arith.constant 1 : i32
      %get3A_1416 = arith.constant 0 : i32
      %get3A_1417 = arith.index_cast %get3A_1415 : i32 to index
      %get3A_1418 = arith.index_cast %squeeze3A : i32 to index
      %get3A_1419 = arith.index_cast %scan3A_1378 : i32 to index
      %get3A_1420 = arith.index_cast %get3A_1416 : i32 to index
      %get3A_1421 = arith.constant 32 : index
      %get3A_1422 = tpu.vector_load %arg6[%get3A_1417, %get3A_1418, %get3A_1419, %get3A_1420, %get3A_1421] {strides = array<i32>} : memref<2x3x64x1x128xf32, #tpu.memory_space<vmem>>, vector<1x1x1x1x16xf32>,
      %get3A_1423 = vector.shape_cast %get3A_1422 : vector<1x1x1x1x16xf32> to vector<16xf32>
      %swap3A_1424 = arith.constant 1 : i32
      %swap3A_1425 = arith.index_cast %swap3A_1424 : i32 to index
      %swap3A_1426 = arith.index_cast %scan3A_1378 : i32 to index
      %swap3A_1427 = arith.constant 32 : index
      %swap3A_1428 = tpu.vector_load %arg7[%swap3A_1425, %swap3A_1426, %swap3A_1427] {strides = array<i32>} : memref<2x64x128xf32, #tpu.memory_space<vmem>>, vector<1x1x16xf32>,
      %swap3A_1429 = vector.shape_cast %swap3A_1428 : vector<1x1x16xf32> to vector<16xf32>
      %swap3A_1430 = vector.shape_cast %get3A_1423 : vector<16xf32> to vector<1x1x16xf32>
      tpu.vector_store %arg7[%swap3A_1425, %swap3A_1426, %swap3A_1427], %swap3A_1430 {strides = array<i32>} : memref<2x64x128xf32, #tpu.memory_space<vmem>>, vector<1x1x16xf32>,
      %get3A_1431 = arith.constant 1 : i32
      %get3A_1432 = arith.constant 0 : i32
      %get3A_1433 = arith.index_cast %get3A_1431 : i32 to index
      %get3A_1434 = arith.index_cast %squeeze3A : i32 to index
      %get3A_1435 = arith.index_cast %scan3A_1378 : i32 to index
      %get3A_1436 = arith.index_cast %get3A_1432 : i32 to index
      %get3A_1437 = arith.constant 48 : index
      %get3A_1438 = tpu.vector_load %arg6[%get3A_1433, %get3A_1434, %get3A_1435, %get3A_1436, %get3A_1437] {strides = array<i32>} : memref<2x3x64x1x128xf32, #tpu.memory_space<vmem>>, vector<1x1x1x1x16xf32>,
      %get3A_1439 = vector.shape_cast %get3A_1438 : vector<1x1x1x1x16xf32> to vector<16xf32>
      %swap3A_1440 = arith.constant 1 : i32
      %swap3A_1441 = arith.index_cast %swap3A_1440 : i32 to index
      %swap3A_1442 = arith.index_cast %scan3A_1378 : i32 to index
      %swap3A_1443 = arith.constant 48 : index
      %swap3A_1444 = tpu.vector_load %arg7[%swap3A_1441, %swap3A_1442, %swap3A_1443] {strides = array<i32>} : memref<2x64x128xf32, #tpu.memory_space<vmem>>, vector<1x1x16xf32>,
      %swap3A_1445 = vector.shape_cast %swap3A_1444 : vector<1x1x16xf32> to vector<16xf32>
      %swap3A_1446 = vector.shape_cast %get3A_1439 : vector<16xf32> to vector<1x1x16xf32>
      tpu.vector_store %arg7[%swap3A_1441, %swap3A_1442, %swap3A_1443], %swap3A_1446 {strides = array<i32>} : memref<2x64x128xf32, #tpu.memory_space<vmem>>, vector<1x1x16xf32>,
      %get3A_1447 = arith.constant 1 : i32
      %get3A_1448 = arith.constant 0 : i32
      %get3A_1449 = arith.index_cast %get3A_1447 : i32 to index
      %get3A_1450 = arith.index_cast %squeeze3A : i32 to index
      %get3A_1451 = arith.index_cast %scan3A_1378 : i32 to index
      %get3A_1452 = arith.index_cast %get3A_1448 : i32 to index
      %get3A_1453 = arith.constant 64 : index
      %get3A_1454 = tpu.vector_load %arg6[%get3A_1449, %get3A_1450, %get3A_1451, %get3A_1452, %get3A_1453] {strides = array<i32>} : memref<2x3x64x1x128xf32, #tpu.memory_space<vmem>>, vector<1x1x1x1x16xf32>,
      %get3A_1455 = vector.shape_cast %get3A_1454 : vector<1x1x1x1x16xf32> to vector<16xf32>
      %swap3A_1456 = arith.constant 1 : i32
      %swap3A_1457 = arith.index_cast %swap3A_1456 : i32 to index
      %swap3A_1458 = arith.index_cast %scan3A_1378 : i32 to index
      %swap3A_1459 = arith.constant 64 : index
      %swap3A_1460 = tpu.vector_load %arg7[%swap3A_1457, %swap3A_1458, %swap3A_1459] {strides = array<i32>} : memref<2x64x128xf32, #tpu.memory_space<vmem>>, vector<1x1x16xf32>,
      %swap3A_1461 = vector.shape_cast %swap3A_1460 : vector<1x1x16xf32> to vector<16xf32>
      %swap3A_1462 = vector.shape_cast %get3A_1455 : vector<16xf32> to vector<1x1x16xf32>
      tpu.vector_store %arg7[%swap3A_1457, %swap3A_1458, %swap3A_1459], %swap3A_1462 {strides = array<i32>} : memref<2x64x128xf32, #tpu.memory_space<vmem>>, vector<1x1x16xf32>,
      %get3A_1463 = arith.constant 1 : i32
      %get3A_1464 = arith.constant 0 : i32
      %get3A_1465 = arith.index_cast %get3A_1463 : i32 to index
      %get3A_1466 = arith.index_cast %squeeze3A : i32 to index
      %get3A_1467 = arith.index_cast %scan3A_1378 : i32 to index
      %get3A_1468 = arith.index_cast %get3A_1464 : i32 to index
      %get3A_1469 = arith.constant 80 : index
      %get3A_1470 = tpu.vector_load %arg6[%get3A_1465, %get3A_1466, %get3A_1467, %get3A_1468, %get3A_1469] {strides = array<i32>} : memref<2x3x64x1x128xf32, #tpu.memory_space<vmem>>, vector<1x1x1x1x16xf32>,
      %get3A_1471 = vector.shape_cast %get3A_1470 : vector<1x1x1x1x16xf32> to vector<16xf32>
      %swap3A_1472 = arith.constant 1 : i32
      %swap3A_1473 = arith.index_cast %swap3A_1472 : i32 to index
      %swap3A_1474 = arith.index_cast %scan3A_1378 : i32 to index
      %swap3A_1475 = arith.constant 80 : index
      %swap3A_1476 = tpu.vector_load %arg7[%swap3A_1473, %swap3A_1474, %swap3A_1475] {strides = array<i32>} : memref<2x64x128xf32, #tpu.memory_space<vmem>>, vector<1x1x16xf32>,
      %swap3A_1477 = vector.shape_cast %swap3A_1476 : vector<1x1x16xf32> to vector<16xf32>
      %swap3A_1478 = vector.shape_cast %get3A_1471 : vector<16xf32> to vector<1x1x16xf32>
      tpu.vector_store %arg7[%swap3A_1473, %swap3A_1474, %swap3A_1475], %swap3A_1478 {strides = array<i32>} : memref<2x64x128xf32, #tpu.memory_space<vmem>>, vector<1x1x16xf32>,
      %get3A_1479 = arith.constant 1 : i32
      %get3A_1480 = arith.constant 0 : i32
      %get3A_1481 = arith.index_cast %get3A_1479 : i32 to index
      %get3A_1482 = arith.index_cast %squeeze3A : i32 to index
      %get3A_1483 = arith.index_cast %scan3A_1378 : i32 to index
      %get3A_1484 = arith.index_cast %get3A_1480 : i32 to index
      %get3A_1485 = arith.constant 96 : index
      %get3A_1486 = tpu.vector_load %arg6[%get3A_1481, %get3A_1482, %get3A_1483, %get3A_1484, %get3A_1485] {strides = array<i32>} : memref<2x3x64x1x128xf32, #tpu.memory_space<vmem>>, vector<1x1x1x1x16xf32>,
      %get3A_1487 = vector.shape_cast %get3A_1486 : vector<1x1x1x1x16xf32> to vector<16xf32>
      %swap3A_1488 = arith.constant 1 : i32
      %swap3A_1489 = arith.index_cast %swap3A_1488 : i32 to index
      %swap3A_1490 = arith.index_cast %scan3A_1378 : i32 to index
      %swap3A_1491 = arith.constant 96 : index
      %swap3A_1492 = tpu.vector_load %arg7[%swap3A_1489, %swap3A_1490, %swap3A_1491] {strides = array<i32>} : memref<2x64x128xf32, #tpu.memory_space<vmem>>, vector<1x1x16xf32>,
      %swap3A_1493 = vector.shape_cast %swap3A_1492 : vector<1x1x16xf32> to vector<16xf32>
      %swap3A_1494 = vector.shape_cast %get3A_1487 : vector<16xf32> to vector<1x1x16xf32>
      tpu.vector_store %arg7[%swap3A_1489, %swap3A_1490, %swap3A_1491], %swap3A_1494 {strides = array<i32>} : memref<2x64x128xf32, #tpu.memory_space<vmem>>, vector<1x1x16xf32>,
      %get3A_1495 = arith.constant 1 : i32
      %get3A_1496 = arith.constant 0 : i32
      %get3A_1497 = arith.index_cast %get3A_1495 : i32 to index
      %get3A_1498 = arith.index_cast %squeeze3A : i32 to index
      %get3A_1499 = arith.index_cast %scan3A_1378 : i32 to index
      %get3A_1500 = arith.index_cast %get3A_1496 : i32 to index
      %get3A_1501 = arith.constant 112 : index
      %get3A_1502 = tpu.vector_load %arg6[%get3A_1497, %get3A_1498, %get3A_1499, %get3A_1500, %get3A_1501] {strides = array<i32>} : memref<2x3x64x1x128xf32, #tpu.memory_space<vmem>>, vector<1x1x1x1x16xf32>,
      %get3A_1503 = vector.shape_cast %get3A_1502 : vector<1x1x1x1x16xf32> to vector<16xf32>
      %swap3A_1504 = arith.constant 1 : i32
      %swap3A_1505 = arith.index_cast %swap3A_1504 : i32 to index
      %swap3A_1506 = arith.index_cast %scan3A_1378 : i32 to index
      %swap3A_1507 = arith.constant 112 : index
      %swap3A_1508 = tpu.vector_load %arg7[%swap3A_1505, %swap3A_1506, %swap3A_1507] {strides = array<i32>} : memref<2x64x128xf32, #tpu.memory_space<vmem>>, vector<1x1x16xf32>,
      %swap3A_1509 = vector.shape_cast %swap3A_1508 : vector<1x1x16xf32> to vector<16xf32>
      %swap3A_1510 = vector.shape_cast %get3A_1503 : vector<16xf32> to vector<1x1x16xf32>
      tpu.vector_store %arg7[%swap3A_1505, %swap3A_1506, %swap3A_1507], %swap3A_1510 {strides = array<i32>} : memref<2x64x128xf32, #tpu.memory_space<vmem>>, vector<1x1x16xf32>,
      %scan3A_1511 = arith.constant 0 : i32
      scf.yield %scan3A_1511 : i32
    }
    %scan3A_1327 = arith.constant 64 : i32
    %add3A_1328 = arith.constant 448 : i32
    %add3A_1329 = arith.addi %mul3A_2, %add3A_1328 : i32
    %dma_start3A_1330 = arith.constant 1 : i32
    %dma_start3A_1331 = arith.constant 1 : i32
    %dma_start3A_1332 = arith.constant 0 : i32
    %dma_start3A_1333 = arith.constant 0 : i32
    %dma_start3A_1334 = tpu.memref_slice %arg7[%dma_start3A_1330, %dma_start3A_1332, %dma_start3A_1333] : memref<2x64x128xf32, #tpu.memory_space<vmem>> -> memref<1x64x128xf32, #tpu.memory_space<vmem>>
    %dma_start3A_1335 = tpu.memref_squeeze %dma_start3A_1334 : memref<1x64x128xf32, #tpu.memory_space<vmem>> -> memref<64x128xf32, #tpu.memory_space<vmem>>
    %dma_start3A_1336 = arith.constant 0 : i32
    %dma_start3A_1337 = tpu.memref_slice %arg4[%add3A_1329, %dma_start3A_1336] : memref<16384x128xf32, #tpu.memory_space<hbm>> -> memref<64x128xf32, #tpu.memory_space<hbm>>
    %dma_start3A_1338 = tpu.memref_slice %arg9[%dma_start3A_1331] : memref<2x!tpu.dma_semaphore, #tpu.memory_space<semaphore_mem>> -> memref<1x!tpu.dma_semaphore, #tpu.memory_space<semaphore_mem>>
    %dma_start3A_1339 = tpu.memref_squeeze %dma_start3A_1338 : memref<1x!tpu.dma_semaphore, #tpu.memory_space<semaphore_mem>> -> memref<!tpu.dma_semaphore, #tpu.memory_space<semaphore_mem>>
    %dma_start3A_1340 = arith.constant 0 : i32
    %dma_start3A_1341 = tpu.memref_slice %arg4[%add3A_1329, %dma_start3A_1340] : memref<16384x128xf32, #tpu.memory_space<hbm>> -> memref<64x128xf32, #tpu.memory_space<hbm>>
    %dma_start3A_1342 = arith.constant 0 : i32
    %dma_start3A_1343 = arith.constant 0 : i32
    %dma_start3A_1344 = tpu.memref_slice %arg7[%dma_start3A_1330, %dma_start3A_1342, %dma_start3A_1343] : memref<2x64x128xf32, #tpu.memory_space<vmem>> -> memref<1x64x128xf32, #tpu.memory_space<vmem>>
    %dma_start3A_1345 = tpu.memref_squeeze %dma_start3A_1344 : memref<1x64x128xf32, #tpu.memory_space<vmem>> -> memref<64x128xf32, #tpu.memory_space<vmem>>
    tpu.enqueue_dma source(%dma_start3A_1345 : memref<64x128xf32, #tpu.memory_space<vmem>>) target(%dma_start3A_1341 : memref<64x128xf32, #tpu.memory_space<hbm>>) target_semaphore(%dma_start3A_1339 : memref<!tpu.dma_semaphore, #tpu.memory_space<semaphore_mem>>)
    %dma_wait3A_1346 = arith.constant 0 : i32
    %dma_wait3A_1347 = arith.constant 0 : i32
    %dma_wait3A_1348 = arith.constant 0 : i32
    %dma_wait3A_1349 = arith.constant 0 : i32
    %dma_wait3A_1350 = tpu.memref_slice %arg7[%dma_wait3A_1346, %dma_wait3A_1348, %dma_wait3A_1349] : memref<2x64x128xf32, #tpu.memory_space<vmem>> -> memref<1x64x128xf32, #tpu.memory_space<vmem>>
    %dma_wait3A_1351 = tpu.memref_squeeze %dma_wait3A_1350 : memref<1x64x128xf32, #tpu.memory_space<vmem>> -> memref<64x128xf32, #tpu.memory_space<vmem>>
    %dma_wait3A_1352 = arith.constant 0 : i32
    %dma_wait3A_1353 = tpu.memref_slice %arg4[%add3A_1225, %dma_wait3A_1352] : memref<16384x128xf32, #tpu.memory_space<hbm>> -> memref<64x128xf32, #tpu.memory_space<hbm>>
    %dma_wait3A_1354 = tpu.memref_slice %arg9[%dma_wait3A_1347] : memref<2x!tpu.dma_semaphore, #tpu.memory_space<semaphore_mem>> -> memref<1x!tpu.dma_semaphore, #tpu.memory_space<semaphore_mem>>
    %dma_wait3A_1355 = tpu.memref_squeeze %dma_wait3A_1354 : memref<1x!tpu.dma_semaphore, #tpu.memory_space<semaphore_mem>> -> memref<!tpu.dma_semaphore, #tpu.memory_space<semaphore_mem>>
    %dma_wait3A_1356 = arith.constant 0 : i32
    %dma_wait3A_1357 = tpu.memref_slice %arg4[%add3A_1225, %dma_wait3A_1356] : memref<16384x128xf32, #tpu.memory_space<hbm>> -> memref<64x128xf32, #tpu.memory_space<hbm>>
    %dma_wait3A_1358 = arith.constant 0 : i32
    %dma_wait3A_1359 = arith.constant 0 : i32
    %dma_wait3A_1360 = tpu.memref_slice %arg7[%dma_wait3A_1346, %dma_wait3A_1358, %dma_wait3A_1359] : memref<2x64x128xf32, #tpu.memory_space<vmem>> -> memref<1x64x128xf32, #tpu.memory_space<vmem>>
    %dma_wait3A_1361 = tpu.memref_squeeze %dma_wait3A_1360 : memref<1x64x128xf32, #tpu.memory_space<vmem>> -> memref<64x128xf32, #tpu.memory_space<vmem>>
    tpu.wait_dma2 semaphore(%dma_wait3A_1355 : memref<!tpu.dma_semaphore, #tpu.memory_space<semaphore_mem>>) src(%dma_wait3A_1361 : memref<64x128xf32, #tpu.memory_space<vmem>>) dst(%dma_wait3A_1357 : memref<64x128xf32, #tpu.memory_space<hbm>>)
    %dma_wait3A_1362 = arith.constant 1 : i32
    %dma_wait3A_1363 = arith.constant 1 : i32
    %dma_wait3A_1364 = arith.constant 0 : i32
    %dma_wait3A_1365 = arith.constant 0 : i32
    %dma_wait3A_1366 = tpu.memref_slice %arg7[%dma_wait3A_1362, %dma_wait3A_1364, %dma_wait3A_1365] : memref<2x64x128xf32, #tpu.memory_space<vmem>> -> memref<1x64x128xf32, #tpu.memory_space<vmem>>
    %dma_wait3A_1367 = tpu.memref_squeeze %dma_wait3A_1366 : memref<1x64x128xf32, #tpu.memory_space<vmem>> -> memref<64x128xf32, #tpu.memory_space<vmem>>
    %dma_wait3A_1368 = arith.constant 0 : i32
    %dma_wait3A_1369 = tpu.memref_slice %arg4[%add3A_1329, %dma_wait3A_1368] : memref<16384x128xf32, #tpu.memory_space<hbm>> -> memref<64x128xf32, #tpu.memory_space<hbm>>
    %dma_wait3A_1370 = tpu.memref_slice %arg9[%dma_wait3A_1363] : memref<2x!tpu.dma_semaphore, #tpu.memory_space<semaphore_mem>> -> memref<1x!tpu.dma_semaphore, #tpu.memory_space<semaphore_mem>>
    %dma_wait3A_1371 = tpu.memref_squeeze %dma_wait3A_1370 : memref<1x!tpu.dma_semaphore, #tpu.memory_space<semaphore_mem>> -> memref<!tpu.dma_semaphore, #tpu.memory_space<semaphore_mem>>
    %dma_wait3A_1372 = arith.constant 0 : i32
    %dma_wait3A_1373 = tpu.memref_slice %arg4[%add3A_1329, %dma_wait3A_1372] : memref<16384x128xf32, #tpu.memory_space<hbm>> -> memref<64x128xf32, #tpu.memory_space<hbm>>
    %dma_wait3A_1374 = arith.constant 0 : i32
    %dma_wait3A_1375 = arith.constant 0 : i32
    %dma_wait3A_1376 = tpu.memref_slice %arg7[%dma_wait3A_1362, %dma_wait3A_1374, %dma_wait3A_1375] : memref<2x64x128xf32, #tpu.memory_space<vmem>> -> memref<1x64x128xf32, #tpu.memory_space<vmem>>
    %dma_wait3A_1377 = tpu.memref_squeeze %dma_wait3A_1376 : memref<1x64x128xf32, #tpu.memory_space<vmem>> -> memref<64x128xf32, #tpu.memory_space<vmem>>
    tpu.wait_dma2 semaphore(%dma_wait3A_1371 : memref<!tpu.dma_semaphore, #tpu.memory_space<semaphore_mem>>) src(%dma_wait3A_1377 : memref<64x128xf32, #tpu.memory_space<vmem>>) dst(%dma_wait3A_1373 : memref<64x128xf32, #tpu.memory_space<hbm>>)
    return
  }
}

</mosaic_0001>

<sc_bundles>
// kernel: kernel.3.cloned.1.call-start
scs
__scs_entry_jumppad:
0x0: {  	(pc) =	sbr.rel $0x88, $3  }
0x1: {  	(tag) =	ssettag $0x0;
	lr =	simm.s32 $0x1  }
0x2: {  	[smem:$0x3F9F] =	sst lr;
	_ =	strace $0xD0000000  }
0x3: {  	_ = 	snop  }
0x4: {  	_ = 	snop  }
0x5: {  	_ = 	snop  }
0x6: {  	_ = 	snop  }
0x7: {  	_ = 	snop  }
__scs_overlays_trampoline_lowered:
0x8: {  	[smem:$0x3FAE] =	sst s0  }
0x9: {  	[smem:$0x3FAF] =	sst s1  }
0xa: {  	[smem:$0x3FB0] =	sst s2  }
0xb: {  	[smem:$0x3FB1] =	sst s3  }
0xc: {  	[smem:$0x3FB2] =	sst s4  }
0xd: {  	[smem:$0x3FB3] =	sst s5  }
0xe: {  	[smem:$0x3FB4] =	sst s6  }
0xf: {  	[smem:$0x3FB5] =	sst s7  }
0x10: {  	[smem:$0x3FB6] =	sst s8  }
0x11: {  	[smem:$0x3FB7] =	sst s9;
	s0 =	simm.s32 @!p0 $0x0  }
0x12: {  	s1 =	sld [smem:$0x3F9D];
	s0 =	simm.s32 @p0 $0x1  }
0x13: {  	[smem:$0x3FB8] =	sst s0;
	s0 =	simm.s32 @!p1 $0x0  }
0x14: {  	s2 =	sld [smem:$0x3F9C];
	s0 =	simm.s32 @p1 $0x1  }
0x15: {  	[smem:$0x3FB9] =	sst s0;
	s0 =	simm.s32 @!p2 $0x0  }
0x16: {  	s3 =	sld [smem:$0x3FDB];
	s0 =	simm.s32 @p2 $0x1  }
0x17: {  	s4 =	simm.s32 $0x1BF5;
	[smem:$0x3FBB] =	sst s0  }
0x18: {  	s0 =	sld [smem:$0x3F9E];
	_ =	swait.ge [sflag:s4], $0x0  }
0x19: {  	s7 =	sld [smem:$0x3F9F]  }
0x1a: {  	s8 =	sadd.s32 $0xFFFFE003, lr  }
0x1b: {  	s9 =	sadd.s32 $0xFFFFFEF7, lr;
	s5 =	simm.s32 $0xFFFFFFFF;
	p2 =	slt.u32 s8, $0xFFFFF086  }
0x1c: {  	p1 =	slt.u32 s9, $0xF7A;
	s5 =	simm.s32 @!p2 $0x0  }
0x1d: {  	s5 =	simm.s32 @p1 $0x1;
	p0 =	seq.s32 s7, s2  }
0x1e: {  	s7 =	smul.u32 @!p0 $0xF7A, s2;
	p2 =	seq.s32 @!p0 s5, $0x0  }
0x1f: {  	s9 =	smul.u32 $0xF7A, s1;
	s8 =	simm.s32 @!p0 $0x1BF5;
	p2 =	por !p2, p0  }
0x20: {  	[sflag:s8] =	ssyncset.s32 @!p0 $0xFFFFF086;
	s6 =	sadd.s32 @!p0 s3, s7;
	s7 =	simm.s32 @!p0 $0x108  }
0x21: {  	s3 =	sadd.s32 s3, s9;
	s6 =	sadd.s32 @!p0 $0x88, s6;
	s7 =	simm.s32 @p2 $0x1082  }
0x22: {  	[simem:s7], [sflag:s8] =	dma.local @!p0 [hbm:s6], $0xF7A  }
0x23: {  	s9 =	sor.u32 $0xD0000000, s2;
	s6 =	simm.s32 $0x108;
	_ =	swait.ge @!p0 [sflag:s8], $0x0  }
0x24: {  	s3 =	sadd.s32 $0x88, s3;
	s6 =	simm.s32 @!p1 $0x1082;
	[sflag:s4] =	ssyncset.s32 $0xFFFFF086  }
0x25: {  	[simem:s6], [sflag:s4] =	dma.local [hbm:s3], $0xF7A  }
0x26: {  	[smem:$0x3F9F] =	sst s1;
	(tag) =	ssettag s2;
	_ =	strace s9  }
0x27: {  	s1 =	sld [smem:$0x3FAF]  }
0x28: {  	s2 =	sld [smem:$0x3FB0]  }
0x29: {  	s4 =	sld [smem:$0x3FB2]  }
0x2a: {  	p0 =	seq.s32 s5, $0x0;
	s5 =	sld [smem:$0x3FB3]  }
0x2b: {  	s6 =	sld [smem:$0x3FB4]  }
0x2c: {  	s7 =	sld [smem:$0x3FB5]  }
0x2d: {  	s3 =	simm.s32 $0x108;
	s8 =	sld [smem:$0x3FB6]  }
0x2e: {  	s3 =	simm.s32 @!p0 $0x1082;
	s9 =	sld [smem:$0x3FB7]  }
0x2f: {  	lr =	sadd.s32 s0, s3;
	s0 =	sld [smem:$0x3FAE]  }
0x30: {  	s3 =	sld [smem:$0x3FB1]  }
0x31: {  	[smem:$0x3FBA] =	sst s10  }
0x32: {  	s10 =	sld [smem:$0x3FB8];
	_ =	sdelay $0x3  }
0x33: {  	p0 =	seq.s32 s10, $0x1;
	s10 =	sld [smem:$0x3FBA];
	_ =	sdelay $0x3  }
0x34: {  	[smem:$0x3FBA] =	sst s10  }
0x35: {  	s10 =	sld [smem:$0x3FB9];
	_ =	sdelay $0x3  }
0x36: {  	p1 =	seq.s32 s10, $0x1;
	s10 =	sld [smem:$0x3FBA];
	_ =	sdelay $0x3  }
0x37: {  	[smem:$0x3FBA] =	sst s10  }
0x38: {  	s10 =	sld [smem:$0x3FBB]  }
0x39: {  	_ = 	snop;
	(pc) =	sbr.ind lr, $3  }
0x3a: {  	_ = 	snop  }
0x3b: {  	_ = 	snop  }
0x3c: {  	p2 =	seq.s32 s10, $0x1;
	s10 =	sld [smem:$0x3FBA]  }
0x3d: {  	_ =	shalt  }
0x3e: {  	_ =	shalt  }
0x3f: {  	_ =	shalt  }
0x40: {  	_ =	shalt  }
0x41: {  	_ =	shalt  }
0x42: {  	_ =	shalt  }
0x43: {  	_ =	shalt  }
0x44: {  	_ =	shalt  }
0x45: {  	_ =	shalt  }
0x46: {  	_ =	shalt  }
0x47: {  	_ =	shalt  }
0x48: {  	_ =	shalt  }
0x49: {  	_ =	shalt  }
0x4a: {  	_ =	shalt  }
0x4b: {  	_ =	shalt  }
0x4c: {  	_ =	shalt  }
0x4d: {  	_ =	shalt  }
0x4e: {  	_ =	shalt  }
0x4f: {  	_ =	shalt  }
0x50: {  	_ =	shalt  }
0x51: {  	_ =	shalt  }
0x52: {  	_ =	shalt  }
0x53: {  	_ =	shalt  }
0x54: {  	_ =	shalt  }
0x55: {  	_ =	shalt  }
0x56: {  	_ =	shalt  }
0x57: {  	_ =	shalt  }
0x58: {  	_ =	shalt  }
0x59: {  	_ =	shalt  }
0x5a: {  	_ =	shalt  }
0x5b: {  	_ =	shalt  }
0x5c: {  	_ =	shalt  }
0x5d: {  	_ =	shalt  }
0x5e: {  	_ =	shalt  }
0x5f: {  	_ =	shalt  }
0x60: {  	_ =	shalt  }
0x61: {  	_ =	shalt  }
0x62: {  	_ =	shalt  }
0x63: {  	_ =	shalt  }
0x64: {  	_ =	shalt  }
0x65: {  	_ =	shalt  }
0x66: {  	_ =	shalt  }
0x67: {  	_ =	shalt  }
0x68: {  	_ =	shalt  }
0x69: {  	_ =	shalt  }
0x6a: {  	_ =	shalt  }
0x6b: {  	_ =	shalt  }
0x6c: {  	_ =	shalt  }
0x6d: {  	_ =	shalt  }
0x6e: {  	_ =	shalt  }
0x6f: {  	_ =	shalt  }
0x70: {  	_ =	shalt  }
0x71: {  	_ =	shalt  }
0x72: {  	_ =	shalt  }
0x73: {  	_ =	shalt  }
0x74: {  	_ =	shalt  }
0x75: {  	_ =	shalt  }
0x76: {  	_ =	shalt  }
0x77: {  	_ =	shalt  }
0x78: {  	_ =	shalt  }
0x79: {  	_ =	shalt  }
0x7a: {  	_ =	shalt  }
0x7b: {  	_ =	shalt  }
0x7c: {  	_ =	shalt  }
0x7d: {  	_ =	shalt  }
0x7e: {  	_ =	shalt  }
0x7f: {  	_ =	shalt  }
0x80: {  	_ =	shalt  }
0x81: {  	_ =	shalt  }
0x82: {  	_ =	shalt  }
0x83: {  	_ =	shalt  }
0x84: {  	_ =	shalt  }
0x85: {  	_ =	shalt  }
0x86: {  	_ =	shalt  }
0x87: {  	_ =	shalt  }
.Lfunc_end0:
.L_simem_size_0:
called_computation_lowered:
.L_overlay_start_0:
0x88: {  	s2 =	sld [smem:$0x3FD9]  }
0x89: {  	s3 =	sld [smem:$0x3FFE];
	_ =	sdelay $0x1  }
0x8a: {  	s1 =	srdreg.scid  }
0x8b: {  	s0 =	sand.u32 $0x1, s1  }
0x8c: {  	s17 =	sshll.u32 s0, $0xA;
	s2 =	sadd.s32 s3, s2  }
0x8d: {  	s2 =	sadd.s32 s2, s17  }
0x8e: {  	[smem:$0x3FC6] =	sst s2  }
0x8f: {  	_ = 	snop  }
0x90: {  	s2 =	sld [smem:$0x3FC8]  }
0x91: {  	s18 =	sld [smem:$0x3FD0];
	(tm) =	ssettm $0x1  }
0x92: {  	s4 =	sld [smem:$0x3FFB];
	_ =	sdelay $0x3  }
0x93: {  	_ =	strace s4  }
0x94: {  	s4 =	sld [smem:$0x3FFC];
	_ =	sdelay $0x3  }
0x95: {  	_ =	strace s4  }
0x96: {  	s4 =	sld [smem:$0x3FFD];
	_ =	sdelay $0x3  }
0x97: {  	_ =	strace s4  }
0x98: {  	_ =	strace $0x8FFFFFFF  }
0x99: {  	s19 =	sld [smem:$0x3FDB];
	_ =	sdelay $0x1  }
0x9a: {  	s5 =	simm.s32 $_scs_section_size  }
0x9b: {  	s6 =	simm.s32 $_size__tile_overlayer_lowered;
	s7 =	simm.s32 $_tile_overlayer_lowered  }
0x9c: {  	s22 =	simm.s32 $0x1BFF;
	s21 =	sshll.u32 s7, $0x1;
	s4 =	sadd.s32 s5, s19  }
0x9d: {  	s8 =	simm.s32 $0x0;
	s20 =	sshll.u32 s6, $0x1;
	s6 =	sadd.s32 s21, s4  }
0x9e: {  	[timem:s8], [sflag:s22] =	dma.local [hbm:s6], s20  }
0x9f: {  	_ =	swait.ge [sflag:s22], s20  }
0xa0: {  	s5 =	ssub.s32 $0x0, s20;
	[sflag:s22] =	ssyncset.done $0x0  }
0xa1: {  	[sflag:s22] =	ssyncadd.s32 s5;
	_ =	sdelay $0x1  }
0xa2: {  	s23 =	simm.s32 $0x1B8B  }
0xa3: {  	_ =	swait.ge [sflag:s23], $0x1  }
0xa4: {  	[sflag:s23] =	ssyncset.done $0x0  }
0xa5: {  	s25 =	simm.s32 $0x1B8E;
	s24 =	sld [smem:$0x3FFE];
	[sflag:s23] =	ssyncadd.s32 $0xFFFFFFFF  }
0xa6: {  	s26 =	simm.s32 $execute0_lowered;
	[smem:$0x3FD2] =	sst s25  }
0xa7: {  	s6 =	sshll.u32 s26, $0x1;
	_ =	strace $0x80000046;
	[dreg:$0x1] =	wrdreg $0xFFFFFFFF  }
0xa8: {  	s28 =	simm.s32 $_size_execute0_lowered;
	s4 =	sadd.s32 s4, s6;
	[dreg:$0x0] =	wrdreg $0x0  }
0xa9: {  	s6 =	sshll.u32 s28, $0x1;
	[dreg:$0x2] =	wrdreg s4  }
0xaa: {  	[dreg:$0x3] =	wrdreg s6  }
0xab: {  	[dreg:$0x4] =	wrdreg $0xC0  }
0xac: {  	_ =	task [dreg:s8], $0x5FFFF  }
0xad: {  	[dreg:$0x1] =	wrdreg $0xFFFFFFFF  }
0xae: {  	[dreg:$0x0] =	wrdreg $0x60  }
0xaf: {  	[dreg:$0x2] =	wrdreg s24  }
0xb0: {  	[dreg:$0x3] =	wrdreg s2  }
0xb1: {  	[dreg:$0x4] =	wrdreg s18  }
0xb2: {  	[dreg:$0x5] =	wrdreg $0x9  }
0xb3: {  	_ =	task.clear_ibuf [dreg:s8], $0x6FFFF;
	_ =	strace $0x90000046  }
0xb4: {  	s29 =	simm.s32 $0x9;
	_ =	strace $0x80000048  }
0xb5: {  	_ =	swait.ge [sflag:s29], $0x1  }
0xb6: {  	[sflag:s29] =	ssyncadd.s32 $0xFFFFFFFF  }
0xb7: {  	_ =	strace $0x90000048  }
0xb8: {  	_ =	sfence  }
0xb9: {  	s30 =	sld [smem:$0x0];
	_ =	sdelay $0x2  }
0xba: {  	s31 =	sshll.u32 s1, $0xD;
	s1 =	sshrl.u32 s1, $0x2  }
0xbb: {  	s3 =	sand.u32 $0x4000, s31;
	s1 =	sadd.s32 s1, s30  }
0xbc: {  	s0 =	sor.u32 s3, s0;
	s1 =	sshll.u32 s1, $0x11  }
0xbd: {  	s0 =	sor.u32 s1, s0  }
0xbe: {  	s0 =	sadd.s32 $0x8F2B, s0  }
0xbf: {  	[sflag:s0] =	ssyncadd.remote.s32 $0x1  }
0xc0: {  	_ =	sfence.sel $0xFFFF  }
0xc1: {  	[dreg:$0x0] =	wrdreg $0xFFFFFFFF;
	(pc) =	sbr.abs _section_cstart, $3  }
0xc2: {  	[dreg:$0x1] =	wrdreg $0xFFFFFFFF  }
0xc3: {  	_ =	task.clear_ibuf [dreg:s8], $0x2FFFF;
	_ =	strace $0x9FFFFFFF  }
0xc4: {  	(tm) =	ssettm $0x7FFFFFFF  }
0xc5: {  	_ =	shalt  }
tec
execute0_lowered:
.L_overlay_start_1:
0x0: {  	(tag) =	ssettag $0x1  }
0x1: {  	s0 =	srdreg.scid  }
0x2: {  	s3 =	stileid.u32;
	s1 =	rddreg [dreg:$0x0];
	s0 =	sand.u32 $0x1, s0  }
0x3: {  	s5 =	rddreg [dreg:$0x1];
	s3 =	sshll.u32 s3, $0x1;
	s2 =	ssub.s32 $0x2, s0  }
0x4: {  	s0 =	sor.u32 s0, s3;
	s3 =	sadd.s32 $0x400, s1;
	s4 =	sshrl.u32 s2, $0x1  }
0x5: {  	s13 =	sshll.u32 s0, $0x6;
	s6 =	sshll.u32 s0, $0x9;
	s14 =	sshll.u32 s0, $0xF  }
0x6: {  	s0 =	sshll.u32 s0, $0xD;
	s4 =	ssub.s32 s2, s4;
	s2 =	sadd.s32 s5, s13  }
0x7: {  	s15 =	sadd.s32 s3, s14;
	s5 =	sadd.s32 $0x410, s1;
	s7 =	sor.u32 $0x40, s6  }
0x8: {  	s1 =	sadd.s32 $0x420, s1;
	s10 =	sor.u32 $0x100, s6;
	[dreg:$0x4] =	wrdreg s2  }
0x9: {  	s25 =	sor.u32 $0x140, s6;
	[dreg:$0x5] =	wrdreg s15;
	s8 =	sadd.s32 s14, s5  }
0xa: {  	s16 =	sshll.u32 s7, $0x6;
	s2 =	sadd.s32 s14, s1;
	[dreg:$0x6] =	wrdreg s8  }
0xb: {  	s23 =	sshll.u32 s10, $0x6;
	[dreg:$0x7] =	wrdreg s2;
	s17 =	sadd.s32 s3, s16  }
0xc: {  	s26 =	sshll.u32 s25, $0x6;
	s9 =	sadd.s32 s16, s5;
	[dreg:$0x8] =	wrdreg s17  }
0xd: {  	s14 =	sor.u32 $0x180, s6;
	s8 =	sadd.s32 s16, s1;
	[dreg:$0x9] =	wrdreg s9  }
0xe: {  	s25 =	sshll.u32 s25, $0x4;
	s24 =	sadd.s32 s3, s23;
	[dreg:$0xa] =	wrdreg s8  }
0xf: {  	s4 =	smax.u32 s4, $0x1;
	s12 =	sadd.s32 s23, s5;
	[dreg:$0x11] =	wrdreg s24  }
0x10: {  	s2 =	sor.u32 $0x80, s6;
	s28 =	sadd.s32 s3, s26;
	[dreg:$0x12] =	wrdreg s12  }
0x11: {  	s13 =	sadd.s32 s26, s5;
	s15 =	sshll.u32 s14, $0x6;
	[dreg:$0x14] =	wrdreg s28  }
0x12: {  	s18 =	sshll.u32 s2, $0x6;
	[dreg:$0x15] =	wrdreg s13;
	s13 =	sadd.s32 s3, s15  }
0x13: {  	s9 =	sor.u32 $0xC0, s6;
	s16 =	sadd.s32 s15, s5;
	[dreg:$0x17] =	wrdreg s13  }
0x14: {  	s6 =	sor.u32 $0x1C0, s6;
	s24 =	simm.s32 $0x0;
	[dreg:$0x18] =	wrdreg s16  }
0x15: {  	s12 =	simm.s32 $0x8280;
	s19 =	sadd.s32 s3, s18;
	[smem:$0x7FF] =	sst s24  }
0x16: {  	s20 =	sadd.s32 s18, s5;
	s8 =	sadd.s32 s18, s1;
	[dreg:$0xb] =	wrdreg s19  }
0x17: {  	s21 =	sshll.u32 s9, $0x6;
	s17 =	sshll.u32 s6, $0x6;
	[dreg:$0xc] =	wrdreg s20  }
0x18: {  	s28 =	sshll.u32 s6, $0x4;
	s6 =	simm.s32 $0x80;
	[dreg:$0xd] =	wrdreg s8  }
0x19: {  	s13 =	simm.s32 $0xA280;
	s11 =	sadd.s32 s3, s21;
	s20 =	rddreg [dreg:$0x2]  }
0x1a: {  	s16 =	simm.s32 $0x2;
	s22 =	sadd.s32 s21, s5;
	[dreg:$0xe] =	wrdreg s11  }
0x1b: {  	s8 =	sadd.s32 s21, s1;
	s3 =	sadd.s32 s3, s17;
	[dreg:$0xf] =	wrdreg s22  }
0x1c: {  	s18 =	sadd.s32 s17, s5;
	s19 =	sshll.u32 s7, $0x4;
	[dreg:$0x10] =	wrdreg s8  }
0x1d: {  	s21 =	sshll.u32 s2, $0x4;
	s5 =	simm.s32 $0x5;
	[dreg:$0x1a] =	wrdreg s3  }
0x1e: {  	s7 =	simm.s32 $0x200;
	s11 =	sadd.s32 s23, s1;
	[dreg:$0x1b] =	wrdreg s18  }
0x1f: {  	s0 =	sadd.s32 s20, s0;
	s29 =	sadd.s32 s20, s19;
	s30 =	sadd.s32 s20, s21  }
0x20: {  	s22 =	sshll.u32 s9, $0x4;
	s23 =	sshll.u32 s10, $0x4;
	s3 =	sadd.s32 s20, s28  }
0x21: {  	s8 =	simm.s32 $0x280;
	s9 =	simm.s32 $0x2280;
	s10 =	simm.s32 $0x4280  }
0x22: {  	s18 =	simm.s32 $0x3;
	s19 =	simm.s32 $0x4;
	[dreg:$0x13] =	wrdreg s11  }
0x23: {  	s11 =	sadd.s32 s26, s1;
	[dreg:$0x1d] =	wrdreg s0;
	s31 =	sadd.s32 s20, s22  }
0x24: {  	s0 =	sadd.s32 s20, s23;
	s26 =	sshll.u32 s14, $0x4;
	s14 =	simm.s32 $0x1  }
0x25: {  	[dreg:$0x16] =	wrdreg s11;
	s11 =	sadd.s32 s15, s1;
	s1 =	sadd.s32 s17, s1  }
0x26: {  	s2 =	sadd.s32 s20, s26;
	s15 =	simm.s32 $0xC280;
	[dreg:$0x19] =	wrdreg s11  }
0x27: {  	s17 =	simm.s32 $0xE280;
	[dreg:$0x1c] =	wrdreg s1;
	s1 =	sadd.s32 s20, s25  }
0x28: {  	s11 =	simm.s32 $0x6280;
	s20 =	simm.s32 $0x0;
	_ =	strace $0x80000047  }
.LBB2_1:
0x29: {  	s21 =	rddreg [dreg:$0x4]  }
0x2a: {  	[tilespmem:s24], [sflag:$0x5] =	stream.linear.gather [hbm4b:s21+s24], $0x200, $0x38;
	[tilespmem:$0x10280] =	vst v63  }
0x2b: {  	_ =	swait.ge [sflag:s5], $0x200  }
0x2c: {  	[sflag:s5] =	ssyncset.done $0x0  }
0x2d: {  	s28 =	rddreg [dreg:$0x5];
	[sflag:s5] =	ssyncadd.s32 $0xFFFFFE00  }
0x2e: {  	[tilespmem:s8], [sflag:$0x1] =	stream.strided.gather [hbm4b:s28+s6], $0x2000, s7, s6, $0x38;
	[tilespmem:$0x10280] =	vst v63  }
0x2f: {  	s22 =	rddreg [dreg:$0x6]  }
0x30: {  	[tilespmem:s9], [sflag:$0x1] =	stream.strided.gather [hbm4b:s22+s6], $0x2000, s7, s6, $0x38;
	[tilespmem:$0x10280] =	vst v63  }
0x31: {  	s23 =	rddreg [dreg:$0x7]  }
0x32: {  	[tilespmem:s10], [sflag:$0x1] =	stream.strided.gather [hbm4b:s23+s6], $0x2000, s7, s6, $0x38;
	[tilespmem:$0x10280] =	vst v63  }
0x33: {  	s25 =	rddreg [dreg:$0x8]  }
0x34: {  	[tilespmem:s11], [sflag:$0x2] =	stream.strided.gather [hbm4b:s25+s6], $0x2000, s7, s6, $0x38;
	[tilespmem:$0x10280] =	vst v63  }
0x35: {  	s26 =	rddreg [dreg:$0x9]  }
0x36: {  	[tilespmem:s12], [sflag:$0x2] =	stream.strided.gather [hbm4b:s26+s6], $0x2000, s7, s6, $0x38;
	[tilespmem:$0x10280] =	vst v63  }
0x37: {  	s28 =	rddreg [dreg:$0xa]  }
0x38: {  	[tilespmem:s13], [sflag:$0x2] =	stream.strided.gather [hbm4b:s28+s6], $0x2000, s7, s6, $0x38;
	[tilespmem:$0x10280] =	vst v63  }
0x39: {  	_ =	swait.ge [sflag:s14], $0x2000  }
0x3a: {  	[sflag:s14] =	ssyncset.done $0x0  }
0x3b: {  	[sflag:s14] =	ssyncadd.s32 $0xFFFFE000  }
0x3c: {  	_ =	swait.ge [sflag:s14], $0x2000  }
0x3d: {  	[sflag:s14] =	ssyncset.done $0x0  }
0x3e: {  	[sflag:s14] =	ssyncadd.s32 $0xFFFFE000  }
0x3f: {  	_ =	swait.ge [sflag:s14], $0x2000  }
0x40: {  	[sflag:s14] =	ssyncset.done $0x0  }
0x41: {  	[sflag:s14] =	ssyncadd.s32 $0xFFFFE000  }
0x42: {  	s21 =	simm.s32 $0x0;
	s22 =	simm.s32 $0x200;
	s23 =	simm.s32 $0x0;
	v0 =	vld [tilespmem:s24+$0x0]  }
.LBB2_2:
0x43: {  	p0 =	sne.s32 s22, $0x7E00;
	_ =	sdelay $0x3  }
0x44: {  	(v2sf) =	vpush v0, $0x0;
	_ =	sdelay $0xe  }
0x45: {  	s25 =	spop (v2sf)  }
0x46: {  	s25 =	sshll.u32 s25, $0xF  }
0x47: {  	s26 =	sshra.s32 s25, $0x2;
	s25 =	sadd.s32 s25, s21  }
0x48: {  	s25 =	sshra.s32 s25, $0x2  }
0x49: {  	v0 =	vld [tilespmem:s25+$0x280];
	_ =	sdelay $0x3  }
0x4a: {  	s28 =	sshra.s32 s21, $0x2;
	s21 =	smov.u32 s22  }
0x4b: {  	s26 =	sadd.s32 s28, s26;
	[tilespmem:s28+$0xC280] =	vst v0  }
0x4c: {  	v0 =	vld [tilespmem:s26+$0x290];
	_ =	sdelay $0x4  }
0x4d: {  	[tilespmem:s28+$0xC290] =	vst v0  }
0x4e: {  	v0 =	vld [tilespmem:s26+$0x2A0];
	_ =	sdelay $0x4  }
0x4f: {  	[tilespmem:s28+$0xC2A0] =	vst v0  }
0x50: {  	v0 =	vld [tilespmem:s26+$0x2B0];
	_ =	sdelay $0x4  }
0x51: {  	[tilespmem:s28+$0xC2B0] =	vst v0  }
0x52: {  	v0 =	vld [tilespmem:s26+$0x2C0];
	_ =	sdelay $0x4  }
0x53: {  	[tilespmem:s28+$0xC2C0] =	vst v0  }
0x54: {  	v0 =	vld [tilespmem:s26+$0x2D0];
	_ =	sdelay $0x4  }
0x55: {  	[tilespmem:s28+$0xC2D0] =	vst v0  }
0x56: {  	v0 =	vld [tilespmem:s26+$0x2E0];
	_ =	sdelay $0x4  }
0x57: {  	[tilespmem:s28+$0xC2E0] =	vst v0  }
0x58: {  	v0 =	vld [tilespmem:s25+$0x2F0];
	_ =	sdelay $0x1  }
.Ltmp0:
0x59: {  	(pc) =	sbr.rel @p0 .LBB2_2-.Ltmp0, $3  }
0x5a: {  	_ =	sdelay $0x1  }
0x5b: {  	s23 =	sadd.s32 $0x1, s23;
	[tilespmem:s28+$0xC2F0] =	vst v0  }
0x5c: {  	s22 =	sadd.s32 $0x200, s22;
	v0 =	vld [tilespmem:s23+$0x0]  }
0x5d: {  	_ =	sdelay $0x3  }
0x5e: {  	(v2sf) =	vpush v0, $0x0;
	_ =	sdelay $0xe  }
0x5f: {  	s22 =	spop (v2sf)  }
0x60: {  	s22 =	sshll.u32 s22, $0xF  }
0x61: {  	s23 =	sadd.s32 s22, s21  }
0x62: {  	s23 =	sshra.s32 s23, $0x2  }
0x63: {  	v0 =	vld [tilespmem:s23+$0x280];
	_ =	sdelay $0x3  }
0x64: {  	s28 =	sshra.s32 s21, $0x2;
	s22 =	sshra.s32 s22, $0x2  }
0x65: {  	s22 =	sadd.s32 s28, s22;
	[tilespmem:s28+$0xC280] =	vst v0  }
0x66: {  	v0 =	vld [tilespmem:s22+$0x290];
	_ =	sdelay $0x4  }
0x67: {  	[tilespmem:s28+$0xC290] =	vst v0  }
0x68: {  	v0 =	vld [tilespmem:s22+$0x2A0];
	_ =	sdelay $0x4  }
0x69: {  	[tilespmem:s28+$0xC2A0] =	vst v0  }
0x6a: {  	v0 =	vld [tilespmem:s22+$0x2B0];
	_ =	sdelay $0x4  }
0x6b: {  	[tilespmem:s28+$0xC2B0] =	vst v0  }
0x6c: {  	v0 =	vld [tilespmem:s22+$0x2C0];
	_ =	sdelay $0x4  }
0x6d: {  	[tilespmem:s28+$0xC2C0] =	vst v0  }
0x6e: {  	v0 =	vld [tilespmem:s22+$0x2D0];
	_ =	sdelay $0x4  }
0x6f: {  	[tilespmem:s28+$0xC2D0] =	vst v0  }
0x70: {  	v0 =	vld [tilespmem:s22+$0x2E0];
	_ =	sdelay $0x4  }
0x71: {  	[tilespmem:s28+$0xC2E0] =	vst v0  }
0x72: {  	v0 =	vld [tilespmem:s23+$0x2F0];
	_ =	sdelay $0x4  }
0x73: {  	s21 =	simm.s32 $0x0;
	s23 =	rddreg [dreg:$0x1d];
	[tilespmem:s28+$0xC2F0] =	vst v0  }
0x74: {  	[hbm4b:s23+s21] =	stream.linear.scatter [tilespmem:s15], [sflag:$0x3], $0x2000, $0x38;
	[tilespmem:$0x10280] =	vst v63  }
0x75: {  	s25 =	rddreg [dreg:$0xb]  }
0x76: {  	[tilespmem:s8], [sflag:$0x1] =	stream.strided.gather [hbm4b:s25+s6], $0x2000, s7, s6, $0x38;
	[tilespmem:$0x10280] =	vst v63  }
0x77: {  	s26 =	rddreg [dreg:$0xc]  }
0x78: {  	[tilespmem:s9], [sflag:$0x1] =	stream.strided.gather [hbm4b:s26+s6], $0x2000, s7, s6, $0x38;
	[tilespmem:$0x10280] =	vst v63  }
0x79: {  	s28 =	rddreg [dreg:$0xd]  }
0x7a: {  	[tilespmem:s10], [sflag:$0x1] =	stream.strided.gather [hbm4b:s28+s6], $0x2000, s7, s6, $0x38;
	[tilespmem:$0x10280] =	vst v63  }
0x7b: {  	_ =	swait.ge [sflag:s16], $0x2000  }
0x7c: {  	[sflag:s16] =	ssyncset.done $0x0  }
0x7d: {  	[sflag:s16] =	ssyncadd.s32 $0xFFFFE000  }
0x7e: {  	_ =	swait.ge [sflag:s16], $0x2000  }
0x7f: {  	[sflag:s16] =	ssyncset.done $0x0  }
0x80: {  	[sflag:s16] =	ssyncadd.s32 $0xFFFFE000  }
0x81: {  	_ =	swait.ge [sflag:s16], $0x2000  }
0x82: {  	[sflag:s16] =	ssyncset.done $0x0  }
0x83: {  	s22 =	simm.s32 $0x40;
	[sflag:s16] =	ssyncadd.s32 $0xFFFFE000  }
0x84: {  	s23 =	simm.s32 $0x200;
	v0 =	vld [tilespmem:s22+$0x0]  }
.LBB2_4:
0x85: {  	p0 =	sne.s32 s23, $0x7E00;
	_ =	sdelay $0x3  }
0x86: {  	(v2sf) =	vpush v0, $0x0;
	_ =	sdelay $0xe  }
0x87: {  	s25 =	spop (v2sf)  }
0x88: {  	s25 =	sshll.u32 s25, $0xF  }
0x89: {  	s26 =	sshra.s32 s25, $0x2;
	s25 =	sshra.s32 s21, $0x2;
	s21 =	smov.u32 s23  }
0x8a: {  	s26 =	sadd.s32 s25, s26  }
0x8b: {  	v0 =	vld [tilespmem:s26+$0x6280];
	_ =	sdelay $0x4  }
0x8c: {  	[tilespmem:s25+$0xE280] =	vst v0  }
0x8d: {  	v0 =	vld [tilespmem:s26+$0x6290];
	_ =	sdelay $0x4  }
0x8e: {  	[tilespmem:s25+$0xE290] =	vst v0  }
0x8f: {  	v0 =	vld [tilespmem:s26+$0x62A0];
	_ =	sdelay $0x4  }
0x90: {  	[tilespmem:s25+$0xE2A0] =	vst v0  }
0x91: {  	v0 =	vld [tilespmem:s26+$0x62B0];
	_ =	sdelay $0x4  }
0x92: {  	[tilespmem:s25+$0xE2B0] =	vst v0  }
0x93: {  	v0 =	vld [tilespmem:s26+$0x62C0];
	_ =	sdelay $0x4  }
0x94: {  	[tilespmem:s25+$0xE2C0] =	vst v0  }
0x95: {  	v0 =	vld [tilespmem:s26+$0x62D0];
	_ =	sdelay $0x4  }
0x96: {  	[tilespmem:s25+$0xE2D0] =	vst v0  }
0x97: {  	v0 =	vld [tilespmem:s26+$0x62E0];
	_ =	sdelay $0x4  }
0x98: {  	[tilespmem:s25+$0xE2E0] =	vst v0  }
0x99: {  	v0 =	vld [tilespmem:s26+$0x62F0];
	_ =	sdelay $0x1  }
.Ltmp1:
0x9a: {  	(pc) =	sbr.rel @p0 .LBB2_4-.Ltmp1, $3  }
0x9b: {  	_ =	sdelay $0x1  }
0x9c: {  	s22 =	sadd.s32 $0x1, s22;
	[tilespmem:s25+$0xE2F0] =	vst v0  }
0x9d: {  	s23 =	sadd.s32 $0x200, s23;
	v0 =	vld [tilespmem:s22+$0x0]  }
0x9e: {  	_ =	sdelay $0x3  }
0x9f: {  	(v2sf) =	vpush v0, $0x0;
	_ =	sdelay $0xe  }
0xa0: {  	s22 =	spop (v2sf)  }
0xa1: {  	s22 =	sshll.u32 s22, $0xF  }
0xa2: {  	s21 =	sshra.s32 s21, $0x2;
	s22 =	sshra.s32 s22, $0x2  }
0xa3: {  	s22 =	sadd.s32 s21, s22  }
0xa4: {  	v0 =	vld [tilespmem:s22+$0x6280];
	_ =	sdelay $0x4  }
0xa5: {  	[tilespmem:s21+$0xE280] =	vst v0  }
0xa6: {  	v0 =	vld [tilespmem:s22+$0x6290];
	_ =	sdelay $0x4  }
0xa7: {  	[tilespmem:s21+$0xE290] =	vst v0  }
0xa8: {  	v0 =	vld [tilespmem:s22+$0x62A0];
	_ =	sdelay $0x4  }
0xa9: {  	[tilespmem:s21+$0xE2A0] =	vst v0  }
0xaa: {  	v0 =	vld [tilespmem:s22+$0x62B0];
	_ =	sdelay $0x4  }
0xab: {  	[tilespmem:s21+$0xE2B0] =	vst v0  }
0xac: {  	v0 =	vld [tilespmem:s22+$0x62C0];
	_ =	sdelay $0x4  }
0xad: {  	[tilespmem:s21+$0xE2C0] =	vst v0  }
0xae: {  	v0 =	vld [tilespmem:s22+$0x62D0];
	_ =	sdelay $0x4  }
0xaf: {  	[tilespmem:s21+$0xE2D0] =	vst v0  }
0xb0: {  	v0 =	vld [tilespmem:s22+$0x62E0];
	_ =	sdelay $0x4  }
0xb1: {  	[tilespmem:s21+$0xE2E0] =	vst v0  }
0xb2: {  	v0 =	vld [tilespmem:s22+$0x62F0];
	_ =	sdelay $0x4  }
0xb3: {  	[tilespmem:s21+$0xE2F0] =	vst v0;
	s21 =	simm.s32 $0x0  }
0xb4: {  	[hbm4b:s29+s21] =	stream.linear.scatter [tilespmem:s17], [sflag:$0x4], $0x2000, $0x38;
	[tilespmem:$0x10280] =	vst v63  }
0xb5: {  	s23 =	rddreg [dreg:$0xe];
	s22 =	simm.s32 $0x80  }
0xb6: {  	[tilespmem:s11], [sflag:$0x2] =	stream.strided.gather [hbm4b:s23+s22], $0x2000, s7, s22, $0x38;
	[tilespmem:$0x10280] =	vst v63  }
0xb7: {  	s26 =	rddreg [dreg:$0xf]  }
0xb8: {  	[tilespmem:s12], [sflag:$0x2] =	stream.strided.gather [hbm4b:s26+s22], $0x2000, s7, s22, $0x38;
	[tilespmem:$0x10280] =	vst v63  }
0xb9: {  	s28 =	rddreg [dreg:$0x10]  }
0xba: {  	[tilespmem:s13], [sflag:$0x2] =	stream.strided.gather [hbm4b:s28+s22], $0x2000, s7, s22, $0x38;
	[tilespmem:$0x10280] =	vst v63  }
0xbb: {  	_ =	swait.ge [sflag:s14], $0x2000  }
0xbc: {  	[sflag:s14] =	ssyncset.done $0x0  }
0xbd: {  	[sflag:s14] =	ssyncadd.s32 $0xFFFFE000  }
0xbe: {  	_ =	swait.ge [sflag:s14], $0x2000  }
0xbf: {  	[sflag:s14] =	ssyncset.done $0x0  }
0xc0: {  	[sflag:s14] =	ssyncadd.s32 $0xFFFFE000  }
0xc1: {  	_ =	swait.ge [sflag:s14], $0x2000  }
0xc2: {  	[sflag:s14] =	ssyncset.done $0x0  }
0xc3: {  	[sflag:s14] =	ssyncadd.s32 $0xFFFFE000  }
0xc4: {  	_ =	swait.ge [sflag:s18], $0x2000  }
0xc5: {  	[sflag:s18] =	ssyncset.done $0x0  }
0xc6: {  	[sflag:s18] =	ssyncadd.s32 $0xFFFFE000  }
0xc7: {  	s23 =	simm.s32 $0x200;
	v0 =	vld [tilespmem:s22+$0x0]  }
.LBB2_6:
0xc8: {  	p0 =	sne.s32 s23, $0x7E00;
	_ =	sdelay $0x3  }
0xc9: {  	(v2sf) =	vpush v0, $0x0;
	_ =	sdelay $0xe  }
0xca: {  	s25 =	spop (v2sf)  }
0xcb: {  	s25 =	sshll.u32 s25, $0xF  }
0xcc: {  	s26 =	sshra.s32 s25, $0x2;
	s25 =	sadd.s32 s25, s21  }
0xcd: {  	s25 =	sshra.s32 s25, $0x2  }
0xce: {  	v0 =	vld [tilespmem:s25+$0x280];
	_ =	sdelay $0x3  }
0xcf: {  	s28 =	sshra.s32 s21, $0x2;
	s21 =	smov.u32 s23  }
0xd0: {  	s26 =	sadd.s32 s28, s26;
	[tilespmem:s28+$0xC280] =	vst v0  }
0xd1: {  	v0 =	vld [tilespmem:s26+$0x290];
	_ =	sdelay $0x4  }
0xd2: {  	[tilespmem:s28+$0xC290] =	vst v0  }
0xd3: {  	v0 =	vld [tilespmem:s26+$0x2A0];
	_ =	sdelay $0x4  }
0xd4: {  	[tilespmem:s28+$0xC2A0] =	vst v0  }
0xd5: {  	v0 =	vld [tilespmem:s26+$0x2B0];
	_ =	sdelay $0x4  }
0xd6: {  	[tilespmem:s28+$0xC2B0] =	vst v0  }
0xd7: {  	v0 =	vld [tilespmem:s26+$0x2C0];
	_ =	sdelay $0x4  }
0xd8: {  	[tilespmem:s28+$0xC2C0] =	vst v0  }
0xd9: {  	v0 =	vld [tilespmem:s26+$0x2D0];
	_ =	sdelay $0x4  }
0xda: {  	[tilespmem:s28+$0xC2D0] =	vst v0  }
0xdb: {  	v0 =	vld [tilespmem:s26+$0x2E0];
	_ =	sdelay $0x4  }
0xdc: {  	[tilespmem:s28+$0xC2E0] =	vst v0  }
0xdd: {  	v0 =	vld [tilespmem:s25+$0x2F0];
	_ =	sdelay $0x1  }
.Ltmp2:
0xde: {  	(pc) =	sbr.rel @p0 .LBB2_6-.Ltmp2, $3  }
0xdf: {  	_ =	sdelay $0x1  }
0xe0: {  	s22 =	sadd.s32 $0x1, s22;
	[tilespmem:s28+$0xC2F0] =	vst v0  }
0xe1: {  	s23 =	sadd.s32 $0x200, s23;
	v0 =	vld [tilespmem:s22+$0x0]  }
0xe2: {  	_ =	sdelay $0x3  }
0xe3: {  	(v2sf) =	vpush v0, $0x0;
	_ =	sdelay $0xe  }
0xe4: {  	s22 =	spop (v2sf)  }
0xe5: {  	s22 =	sshll.u32 s22, $0xF  }
0xe6: {  	s23 =	sadd.s32 s22, s21  }
0xe7: {  	s23 =	sshra.s32 s23, $0x2  }
0xe8: {  	v0 =	vld [tilespmem:s23+$0x280];
	_ =	sdelay $0x3  }
0xe9: {  	s28 =	sshra.s32 s21, $0x2;
	s22 =	sshra.s32 s22, $0x2  }
0xea: {  	s22 =	sadd.s32 s28, s22;
	[tilespmem:s28+$0xC280] =	vst v0  }
0xeb: {  	v0 =	vld [tilespmem:s22+$0x290];
	_ =	sdelay $0x4  }
0xec: {  	[tilespmem:s28+$0xC290] =	vst v0  }
0xed: {  	v0 =	vld [tilespmem:s22+$0x2A0];
	_ =	sdelay $0x4  }
0xee: {  	[tilespmem:s28+$0xC2A0] =	vst v0  }
0xef: {  	v0 =	vld [tilespmem:s22+$0x2B0];
	_ =	sdelay $0x4  }
0xf0: {  	[tilespmem:s28+$0xC2B0] =	vst v0  }
0xf1: {  	v0 =	vld [tilespmem:s22+$0x2C0];
	_ =	sdelay $0x4  }
0xf2: {  	[tilespmem:s28+$0xC2C0] =	vst v0  }
0xf3: {  	v0 =	vld [tilespmem:s22+$0x2D0];
	_ =	sdelay $0x4  }
0xf4: {  	[tilespmem:s28+$0xC2D0] =	vst v0  }
0xf5: {  	v0 =	vld [tilespmem:s22+$0x2E0];
	_ =	sdelay $0x4  }
0xf6: {  	[tilespmem:s28+$0xC2E0] =	vst v0  }
0xf7: {  	v0 =	vld [tilespmem:s23+$0x2F0];
	_ =	sdelay $0x4  }
0xf8: {  	s21 =	simm.s32 $0x0;
	[tilespmem:s28+$0xC2F0] =	vst v0  }
0xf9: {  	[hbm4b:s30+s21] =	stream.linear.scatter [tilespmem:s15], [sflag:$0x3], $0x2000, $0x38;
	[tilespmem:$0x10280] =	vst v63  }
0xfa: {  	s25 =	rddreg [dreg:$0x11]  }
0xfb: {  	[tilespmem:s8], [sflag:$0x1] =	stream.strided.gather [hbm4b:s25+s6], $0x2000, s7, s6, $0x38;
	[tilespmem:$0x10280] =	vst v63  }
0xfc: {  	s26 =	rddreg [dreg:$0x12]  }
0xfd: {  	[tilespmem:s9], [sflag:$0x1] =	stream.strided.gather [hbm4b:s26+s6], $0x2000, s7, s6, $0x38;
	[tilespmem:$0x10280] =	vst v63  }
0xfe: {  	s28 =	rddreg [dreg:$0x13]  }
0xff: {  	[tilespmem:s10], [sflag:$0x1] =	stream.strided.gather [hbm4b:s28+s6], $0x2000, s7, s6, $0x38;
	[tilespmem:$0x10280] =	vst v63  }
0x100: {  	_ =	swait.ge [sflag:s16], $0x2000  }
0x101: {  	[sflag:s16] =	ssyncset.done $0x0  }
0x102: {  	[sflag:s16] =	ssyncadd.s32 $0xFFFFE000  }
0x103: {  	_ =	swait.ge [sflag:s16], $0x2000  }
0x104: {  	[sflag:s16] =	ssyncset.done $0x0  }
0x105: {  	[sflag:s16] =	ssyncadd.s32 $0xFFFFE000  }
0x106: {  	_ =	swait.ge [sflag:s16], $0x2000  }
0x107: {  	[sflag:s16] =	ssyncset.done $0x0  }
0x108: {  	[sflag:s16] =	ssyncadd.s32 $0xFFFFE000  }
0x109: {  	_ =	swait.ge [sflag:s19], $0x2000  }
0x10a: {  	[sflag:s19] =	ssyncset.done $0x0  }
0x10b: {  	s22 =	simm.s32 $0xC0;
	[sflag:s19] =	ssyncadd.s32 $0xFFFFE000  }
0x10c: {  	s23 =	simm.s32 $0x200;
	v0 =	vld [tilespmem:s22+$0x0]  }
.LBB2_8:
0x10d: {  	p0 =	sne.s32 s23, $0x7E00;
	_ =	sdelay $0x3  }
0x10e: {  	(v2sf) =	vpush v0, $0x0;
	_ =	sdelay $0xe  }
0x10f: {  	s25 =	spop (v2sf)  }
0x110: {  	s25 =	sshll.u32 s25, $0xF  }
0x111: {  	s26 =	sshra.s32 s25, $0x2;
	s25 =	sshra.s32 s21, $0x2;
	s21 =	smov.u32 s23  }
0x112: {  	s26 =	sadd.s32 s25, s26  }
0x113: {  	v0 =	vld [tilespmem:s26+$0x6280];
	_ =	sdelay $0x4  }
0x114: {  	[tilespmem:s25+$0xE280] =	vst v0  }
0x115: {  	v0 =	vld [tilespmem:s26+$0x6290];
	_ =	sdelay $0x4  }
0x116: {  	[tilespmem:s25+$0xE290] =	vst v0  }
0x117: {  	v0 =	vld [tilespmem:s26+$0x62A0];
	_ =	sdelay $0x4  }
0x118: {  	[tilespmem:s25+$0xE2A0] =	vst v0  }
0x119: {  	v0 =	vld [tilespmem:s26+$0x62B0];
	_ =	sdelay $0x4  }
0x11a: {  	[tilespmem:s25+$0xE2B0] =	vst v0  }
0x11b: {  	v0 =	vld [tilespmem:s26+$0x62C0];
	_ =	sdelay $0x4  }
0x11c: {  	[tilespmem:s25+$0xE2C0] =	vst v0  }
0x11d: {  	v0 =	vld [tilespmem:s26+$0x62D0];
	_ =	sdelay $0x4  }
0x11e: {  	[tilespmem:s25+$0xE2D0] =	vst v0  }
0x11f: {  	v0 =	vld [tilespmem:s26+$0x62E0];
	_ =	sdelay $0x4  }
0x120: {  	[tilespmem:s25+$0xE2E0] =	vst v0  }
0x121: {  	v0 =	vld [tilespmem:s26+$0x62F0];
	_ =	sdelay $0x1  }
.Ltmp3:
0x122: {  	(pc) =	sbr.rel @p0 .LBB2_8-.Ltmp3, $3  }
0x123: {  	_ =	sdelay $0x1  }
0x124: {  	s22 =	sadd.s32 $0x1, s22;
	[tilespmem:s25+$0xE2F0] =	vst v0  }
0x125: {  	s23 =	sadd.s32 $0x200, s23;
	v0 =	vld [tilespmem:s22+$0x0]  }
0x126: {  	_ =	sdelay $0x3  }
0x127: {  	(v2sf) =	vpush v0, $0x0;
	_ =	sdelay $0xe  }
0x128: {  	s22 =	spop (v2sf)  }
0x129: {  	s22 =	sshll.u32 s22, $0xF  }
0x12a: {  	s21 =	sshra.s32 s21, $0x2;
	s22 =	sshra.s32 s22, $0x2  }
0x12b: {  	s22 =	sadd.s32 s21, s22  }
0x12c: {  	v0 =	vld [tilespmem:s22+$0x6280];
	_ =	sdelay $0x4  }
0x12d: {  	[tilespmem:s21+$0xE280] =	vst v0  }
0x12e: {  	v0 =	vld [tilespmem:s22+$0x6290];
	_ =	sdelay $0x4  }
0x12f: {  	[tilespmem:s21+$0xE290] =	vst v0  }
0x130: {  	v0 =	vld [tilespmem:s22+$0x62A0];
	_ =	sdelay $0x4  }
0x131: {  	[tilespmem:s21+$0xE2A0] =	vst v0  }
0x132: {  	v0 =	vld [tilespmem:s22+$0x62B0];
	_ =	sdelay $0x4  }
0x133: {  	[tilespmem:s21+$0xE2B0] =	vst v0  }
0x134: {  	v0 =	vld [tilespmem:s22+$0x62C0];
	_ =	sdelay $0x4  }
0x135: {  	[tilespmem:s21+$0xE2C0] =	vst v0  }
0x136: {  	v0 =	vld [tilespmem:s22+$0x62D0];
	_ =	sdelay $0x4  }
0x137: {  	[tilespmem:s21+$0xE2D0] =	vst v0  }
0x138: {  	v0 =	vld [tilespmem:s22+$0x62E0];
	_ =	sdelay $0x4  }
0x139: {  	[tilespmem:s21+$0xE2E0] =	vst v0  }
0x13a: {  	v0 =	vld [tilespmem:s22+$0x62F0];
	_ =	sdelay $0x4  }
0x13b: {  	[tilespmem:s21+$0xE2F0] =	vst v0;
	s21 =	simm.s32 $0x0  }
0x13c: {  	[hbm4b:s31+s21] =	stream.linear.scatter [tilespmem:s17], [sflag:$0x4], $0x2000, $0x38;
	[tilespmem:$0x10280] =	vst v63  }
0x13d: {  	s25 =	rddreg [dreg:$0x14]  }
0x13e: {  	[tilespmem:s11], [sflag:$0x2] =	stream.strided.gather [hbm4b:s25+s6], $0x2000, s7, s6, $0x38;
	[tilespmem:$0x10280] =	vst v63  }
0x13f: {  	s26 =	rddreg [dreg:$0x15]  }
0x140: {  	[tilespmem:s12], [sflag:$0x2] =	stream.strided.gather [hbm4b:s26+s6], $0x2000, s7, s6, $0x38;
	[tilespmem:$0x10280] =	vst v63  }
0x141: {  	s28 =	rddreg [dreg:$0x16]  }
0x142: {  	[tilespmem:s13], [sflag:$0x2] =	stream.strided.gather [hbm4b:s28+s6], $0x2000, s7, s6, $0x38;
	[tilespmem:$0x10280] =	vst v63  }
0x143: {  	_ =	swait.ge [sflag:s14], $0x2000  }
0x144: {  	[sflag:s14] =	ssyncset.done $0x0  }
0x145: {  	[sflag:s14] =	ssyncadd.s32 $0xFFFFE000  }
0x146: {  	_ =	swait.ge [sflag:s14], $0x2000  }
0x147: {  	[sflag:s14] =	ssyncset.done $0x0  }
0x148: {  	[sflag:s14] =	ssyncadd.s32 $0xFFFFE000  }
0x149: {  	_ =	swait.ge [sflag:s14], $0x2000  }
0x14a: {  	[sflag:s14] =	ssyncset.done $0x0  }
0x14b: {  	[sflag:s14] =	ssyncadd.s32 $0xFFFFE000  }
0x14c: {  	_ =	swait.ge [sflag:s18], $0x2000  }
0x14d: {  	[sflag:s18] =	ssyncset.done $0x0  }
0x14e: {  	s22 =	simm.s32 $0x100;
	[sflag:s18] =	ssyncadd.s32 $0xFFFFE000  }
0x14f: {  	s23 =	simm.s32 $0x200;
	v0 =	vld [tilespmem:s22+$0x0]  }
.LBB2_10:
0x150: {  	p0 =	sne.s32 s23, $0x7E00;
	_ =	sdelay $0x3  }
0x151: {  	(v2sf) =	vpush v0, $0x0;
	_ =	sdelay $0xe  }
0x152: {  	s25 =	spop (v2sf)  }
0x153: {  	s25 =	sshll.u32 s25, $0xF  }
0x154: {  	s26 =	sshra.s32 s25, $0x2;
	s25 =	sadd.s32 s25, s21  }
0x155: {  	s25 =	sshra.s32 s25, $0x2  }
0x156: {  	v0 =	vld [tilespmem:s25+$0x280];
	_ =	sdelay $0x3  }
0x157: {  	s28 =	sshra.s32 s21, $0x2;
	s21 =	smov.u32 s23  }
0x158: {  	s26 =	sadd.s32 s28, s26;
	[tilespmem:s28+$0xC280] =	vst v0  }
0x159: {  	v0 =	vld [tilespmem:s26+$0x290];
	_ =	sdelay $0x4  }
0x15a: {  	[tilespmem:s28+$0xC290] =	vst v0  }
0x15b: {  	v0 =	vld [tilespmem:s26+$0x2A0];
	_ =	sdelay $0x4  }
0x15c: {  	[tilespmem:s28+$0xC2A0] =	vst v0  }
0x15d: {  	v0 =	vld [tilespmem:s26+$0x2B0];
	_ =	sdelay $0x4  }
0x15e: {  	[tilespmem:s28+$0xC2B0] =	vst v0  }
0x15f: {  	v0 =	vld [tilespmem:s26+$0x2C0];
	_ =	sdelay $0x4  }
0x160: {  	[tilespmem:s28+$0xC2C0] =	vst v0  }
0x161: {  	v0 =	vld [tilespmem:s26+$0x2D0];
	_ =	sdelay $0x4  }
0x162: {  	[tilespmem:s28+$0xC2D0] =	vst v0  }
0x163: {  	v0 =	vld [tilespmem:s26+$0x2E0];
	_ =	sdelay $0x4  }
0x164: {  	[tilespmem:s28+$0xC2E0] =	vst v0  }
0x165: {  	v0 =	vld [tilespmem:s25+$0x2F0];
	_ =	sdelay $0x1  }
.Ltmp4:
0x166: {  	(pc) =	sbr.rel @p0 .LBB2_10-.Ltmp4, $3  }
0x167: {  	_ =	sdelay $0x1  }
0x168: {  	s22 =	sadd.s32 $0x1, s22;
	[tilespmem:s28+$0xC2F0] =	vst v0  }
0x169: {  	s23 =	sadd.s32 $0x200, s23;
	v0 =	vld [tilespmem:s22+$0x0]  }
0x16a: {  	_ =	sdelay $0x3  }
0x16b: {  	(v2sf) =	vpush v0, $0x0;
	_ =	sdelay $0xe  }
0x16c: {  	s22 =	spop (v2sf)  }
0x16d: {  	s22 =	sshll.u32 s22, $0xF  }
0x16e: {  	s23 =	sadd.s32 s22, s21  }
0x16f: {  	s23 =	sshra.s32 s23, $0x2  }
0x170: {  	v0 =	vld [tilespmem:s23+$0x280];
	_ =	sdelay $0x3  }
0x171: {  	s28 =	sshra.s32 s21, $0x2;
	s22 =	sshra.s32 s22, $0x2  }
0x172: {  	s22 =	sadd.s32 s28, s22;
	[tilespmem:s28+$0xC280] =	vst v0  }
0x173: {  	v0 =	vld [tilespmem:s22+$0x290];
	_ =	sdelay $0x4  }
0x174: {  	[tilespmem:s28+$0xC290] =	vst v0  }
0x175: {  	v0 =	vld [tilespmem:s22+$0x2A0];
	_ =	sdelay $0x4  }
0x176: {  	[tilespmem:s28+$0xC2A0] =	vst v0  }
0x177: {  	v0 =	vld [tilespmem:s22+$0x2B0];
	_ =	sdelay $0x4  }
0x178: {  	[tilespmem:s28+$0xC2B0] =	vst v0  }
0x179: {  	v0 =	vld [tilespmem:s22+$0x2C0];
	_ =	sdelay $0x4  }
0x17a: {  	[tilespmem:s28+$0xC2C0] =	vst v0  }
0x17b: {  	v0 =	vld [tilespmem:s22+$0x2D0];
	_ =	sdelay $0x4  }
0x17c: {  	[tilespmem:s28+$0xC2D0] =	vst v0  }
0x17d: {  	v0 =	vld [tilespmem:s22+$0x2E0];
	_ =	sdelay $0x4  }
0x17e: {  	[tilespmem:s28+$0xC2E0] =	vst v0  }
0x17f: {  	v0 =	vld [tilespmem:s23+$0x2F0];
	_ =	sdelay $0x4  }
0x180: {  	s21 =	simm.s32 $0x0;
	[tilespmem:s28+$0xC2F0] =	vst v0  }
0x181: {  	[hbm4b:s0+s21] =	stream.linear.scatter [tilespmem:s15], [sflag:$0x3], $0x2000, $0x38;
	[tilespmem:$0x10280] =	vst v63  }
0x182: {  	s25 =	rddreg [dreg:$0x17]  }
0x183: {  	[tilespmem:s8], [sflag:$0x1] =	stream.strided.gather [hbm4b:s25+s6], $0x2000, s7, s6, $0x38;
	[tilespmem:$0x10280] =	vst v63  }
0x184: {  	s26 =	rddreg [dreg:$0x18]  }
0x185: {  	[tilespmem:s9], [sflag:$0x1] =	stream.strided.gather [hbm4b:s26+s6], $0x2000, s7, s6, $0x38;
	[tilespmem:$0x10280] =	vst v63  }
0x186: {  	s28 =	rddreg [dreg:$0x19]  }
0x187: {  	[tilespmem:s10], [sflag:$0x1] =	stream.strided.gather [hbm4b:s28+s6], $0x2000, s7, s6, $0x38;
	[tilespmem:$0x10280] =	vst v63  }
0x188: {  	_ =	swait.ge [sflag:s16], $0x2000  }
0x189: {  	[sflag:s16] =	ssyncset.done $0x0  }
0x18a: {  	[sflag:s16] =	ssyncadd.s32 $0xFFFFE000  }
0x18b: {  	_ =	swait.ge [sflag:s16], $0x2000  }
0x18c: {  	[sflag:s16] =	ssyncset.done $0x0  }
0x18d: {  	[sflag:s16] =	ssyncadd.s32 $0xFFFFE000  }
0x18e: {  	_ =	swait.ge [sflag:s16], $0x2000  }
0x18f: {  	[sflag:s16] =	ssyncset.done $0x0  }
0x190: {  	[sflag:s16] =	ssyncadd.s32 $0xFFFFE000  }
0x191: {  	_ =	swait.ge [sflag:s19], $0x2000  }
0x192: {  	[sflag:s19] =	ssyncset.done $0x0  }
0x193: {  	s22 =	simm.s32 $0x140;
	[sflag:s19] =	ssyncadd.s32 $0xFFFFE000  }
0x194: {  	s23 =	simm.s32 $0x200;
	v0 =	vld [tilespmem:s22+$0x0]  }
.LBB2_12:
0x195: {  	p0 =	sne.s32 s23, $0x7E00;
	_ =	sdelay $0x3  }
0x196: {  	(v2sf) =	vpush v0, $0x0;
	_ =	sdelay $0xe  }
0x197: {  	s25 =	spop (v2sf)  }
0x198: {  	s25 =	sshll.u32 s25, $0xF  }
0x199: {  	s26 =	sshra.s32 s25, $0x2;
	s25 =	sshra.s32 s21, $0x2;
	s21 =	smov.u32 s23  }
0x19a: {  	s26 =	sadd.s32 s25, s26  }
0x19b: {  	v0 =	vld [tilespmem:s26+$0x6280];
	_ =	sdelay $0x4  }
0x19c: {  	[tilespmem:s25+$0xE280] =	vst v0  }
0x19d: {  	v0 =	vld [tilespmem:s26+$0x6290];
	_ =	sdelay $0x4  }
0x19e: {  	[tilespmem:s25+$0xE290] =	vst v0  }
0x19f: {  	v0 =	vld [tilespmem:s26+$0x62A0];
	_ =	sdelay $0x4  }
0x1a0: {  	[tilespmem:s25+$0xE2A0] =	vst v0  }
0x1a1: {  	v0 =	vld [tilespmem:s26+$0x62B0];
	_ =	sdelay $0x4  }
0x1a2: {  	[tilespmem:s25+$0xE2B0] =	vst v0  }
0x1a3: {  	v0 =	vld [tilespmem:s26+$0x62C0];
	_ =	sdelay $0x4  }
0x1a4: {  	[tilespmem:s25+$0xE2C0] =	vst v0  }
0x1a5: {  	v0 =	vld [tilespmem:s26+$0x62D0];
	_ =	sdelay $0x4  }
0x1a6: {  	[tilespmem:s25+$0xE2D0] =	vst v0  }
0x1a7: {  	v0 =	vld [tilespmem:s26+$0x62E0];
	_ =	sdelay $0x4  }
0x1a8: {  	[tilespmem:s25+$0xE2E0] =	vst v0  }
0x1a9: {  	v0 =	vld [tilespmem:s26+$0x62F0];
	_ =	sdelay $0x1  }
.Ltmp5:
0x1aa: {  	(pc) =	sbr.rel @p0 .LBB2_12-.Ltmp5, $3  }
0x1ab: {  	_ =	sdelay $0x1  }
0x1ac: {  	s22 =	sadd.s32 $0x1, s22;
	[tilespmem:s25+$0xE2F0] =	vst v0  }
0x1ad: {  	s23 =	sadd.s32 $0x200, s23;
	v0 =	vld [tilespmem:s22+$0x0]  }
0x1ae: {  	_ =	sdelay $0x3  }
0x1af: {  	(v2sf) =	vpush v0, $0x0;
	_ =	sdelay $0xe  }
0x1b0: {  	s22 =	spop (v2sf)  }
0x1b1: {  	s22 =	sshll.u32 s22, $0xF  }
0x1b2: {  	s21 =	sshra.s32 s21, $0x2;
	s22 =	sshra.s32 s22, $0x2  }
0x1b3: {  	s22 =	sadd.s32 s21, s22  }
0x1b4: {  	v0 =	vld [tilespmem:s22+$0x6280];
	_ =	sdelay $0x4  }
0x1b5: {  	[tilespmem:s21+$0xE280] =	vst v0  }
0x1b6: {  	v0 =	vld [tilespmem:s22+$0x6290];
	_ =	sdelay $0x4  }
0x1b7: {  	[tilespmem:s21+$0xE290] =	vst v0  }
0x1b8: {  	v0 =	vld [tilespmem:s22+$0x62A0];
	_ =	sdelay $0x4  }
0x1b9: {  	[tilespmem:s21+$0xE2A0] =	vst v0  }
0x1ba: {  	v0 =	vld [tilespmem:s22+$0x62B0];
	_ =	sdelay $0x4  }
0x1bb: {  	[tilespmem:s21+$0xE2B0] =	vst v0  }
0x1bc: {  	v0 =	vld [tilespmem:s22+$0x62C0];
	_ =	sdelay $0x4  }
0x1bd: {  	[tilespmem:s21+$0xE2C0] =	vst v0  }
0x1be: {  	v0 =	vld [tilespmem:s22+$0x62D0];
	_ =	sdelay $0x4  }
0x1bf: {  	[tilespmem:s21+$0xE2D0] =	vst v0  }
0x1c0: {  	v0 =	vld [tilespmem:s22+$0x62E0];
	_ =	sdelay $0x4  }
0x1c1: {  	[tilespmem:s21+$0xE2E0] =	vst v0  }
0x1c2: {  	v0 =	vld [tilespmem:s22+$0x62F0];
	_ =	sdelay $0x4  }
0x1c3: {  	[tilespmem:s21+$0xE2F0] =	vst v0;
	s21 =	simm.s32 $0x0  }
0x1c4: {  	[hbm4b:s1+s21] =	stream.linear.scatter [tilespmem:s17], [sflag:$0x4], $0x2000, $0x38;
	[tilespmem:$0x10280] =	vst v63  }
0x1c5: {  	s25 =	rddreg [dreg:$0x1a]  }
0x1c6: {  	[tilespmem:s11], [sflag:$0x2] =	stream.strided.gather [hbm4b:s25+s6], $0x2000, s7, s6, $0x38;
	[tilespmem:$0x10280] =	vst v63  }
0x1c7: {  	s26 =	rddreg [dreg:$0x1b]  }
0x1c8: {  	[tilespmem:s12], [sflag:$0x2] =	stream.strided.gather [hbm4b:s26+s6], $0x2000, s7, s6, $0x38;
	[tilespmem:$0x10280] =	vst v63  }
0x1c9: {  	s28 =	rddreg [dreg:$0x1c]  }
0x1ca: {  	[tilespmem:s13], [sflag:$0x2] =	stream.strided.gather [hbm4b:s28+s6], $0x2000, s7, s6, $0x38;
	[tilespmem:$0x10280] =	vst v63  }
0x1cb: {  	_ =	swait.ge [sflag:s14], $0x2000  }
0x1cc: {  	[sflag:s14] =	ssyncset.done $0x0  }
0x1cd: {  	[sflag:s14] =	ssyncadd.s32 $0xFFFFE000  }
0x1ce: {  	_ =	swait.ge [sflag:s14], $0x2000  }
0x1cf: {  	[sflag:s14] =	ssyncset.done $0x0  }
0x1d0: {  	[sflag:s14] =	ssyncadd.s32 $0xFFFFE000  }
0x1d1: {  	_ =	swait.ge [sflag:s14], $0x2000  }
0x1d2: {  	[sflag:s14] =	ssyncset.done $0x0  }
0x1d3: {  	[sflag:s14] =	ssyncadd.s32 $0xFFFFE000  }
0x1d4: {  	_ =	swait.ge [sflag:s18], $0x2000  }
0x1d5: {  	[sflag:s18] =	ssyncset.done $0x0  }
0x1d6: {  	s22 =	simm.s32 $0x180;
	[sflag:s18] =	ssyncadd.s32 $0xFFFFE000  }
0x1d7: {  	s23 =	simm.s32 $0x200;
	v0 =	vld [tilespmem:s22+$0x0]  }
.LBB2_14:
0x1d8: {  	p0 =	sne.s32 s23, $0x7E00;
	_ =	sdelay $0x3  }
0x1d9: {  	(v2sf) =	vpush v0, $0x0;
	_ =	sdelay $0xe  }
0x1da: {  	s25 =	spop (v2sf)  }
0x1db: {  	s25 =	sshll.u32 s25, $0xF  }
0x1dc: {  	s26 =	sshra.s32 s25, $0x2;
	s25 =	sadd.s32 s25, s21  }
0x1dd: {  	s25 =	sshra.s32 s25, $0x2  }
0x1de: {  	v0 =	vld [tilespmem:s25+$0x280];
	_ =	sdelay $0x3  }
0x1df: {  	s28 =	sshra.s32 s21, $0x2;
	s21 =	smov.u32 s23  }
0x1e0: {  	s26 =	sadd.s32 s28, s26;
	[tilespmem:s28+$0xC280] =	vst v0  }
0x1e1: {  	v0 =	vld [tilespmem:s26+$0x290];
	_ =	sdelay $0x4  }
0x1e2: {  	[tilespmem:s28+$0xC290] =	vst v0  }
0x1e3: {  	v0 =	vld [tilespmem:s26+$0x2A0];
	_ =	sdelay $0x4  }
0x1e4: {  	[tilespmem:s28+$0xC2A0] =	vst v0  }
0x1e5: {  	v0 =	vld [tilespmem:s26+$0x2B0];
	_ =	sdelay $0x4  }
0x1e6: {  	[tilespmem:s28+$0xC2B0] =	vst v0  }
0x1e7: {  	v0 =	vld [tilespmem:s26+$0x2C0];
	_ =	sdelay $0x4  }
0x1e8: {  	[tilespmem:s28+$0xC2C0] =	vst v0  }
0x1e9: {  	v0 =	vld [tilespmem:s26+$0x2D0];
	_ =	sdelay $0x4  }
0x1ea: {  	[tilespmem:s28+$0xC2D0] =	vst v0  }
0x1eb: {  	v0 =	vld [tilespmem:s26+$0x2E0];
	_ =	sdelay $0x4  }
0x1ec: {  	[tilespmem:s28+$0xC2E0] =	vst v0  }
0x1ed: {  	v0 =	vld [tilespmem:s25+$0x2F0];
	_ =	sdelay $0x1  }
.Ltmp6:
0x1ee: {  	(pc) =	sbr.rel @p0 .LBB2_14-.Ltmp6, $3  }
0x1ef: {  	_ =	sdelay $0x1  }
0x1f0: {  	s22 =	sadd.s32 $0x1, s22;
	[tilespmem:s28+$0xC2F0] =	vst v0  }
0x1f1: {  	s23 =	sadd.s32 $0x200, s23;
	v0 =	vld [tilespmem:s22+$0x0]  }
0x1f2: {  	_ =	sdelay $0x3  }
0x1f3: {  	(v2sf) =	vpush v0, $0x0;
	_ =	sdelay $0xe  }
0x1f4: {  	s22 =	spop (v2sf)  }
0x1f5: {  	s22 =	sshll.u32 s22, $0xF  }
0x1f6: {  	s23 =	sadd.s32 s22, s21  }
0x1f7: {  	s23 =	sshra.s32 s23, $0x2  }
0x1f8: {  	v0 =	vld [tilespmem:s23+$0x280];
	_ =	sdelay $0x3  }
0x1f9: {  	s28 =	sshra.s32 s21, $0x2;
	s22 =	sshra.s32 s22, $0x2  }
0x1fa: {  	s22 =	sadd.s32 s28, s22;
	[tilespmem:s28+$0xC280] =	vst v0  }
0x1fb: {  	v0 =	vld [tilespmem:s22+$0x290];
	_ =	sdelay $0x4  }
0x1fc: {  	[tilespmem:s28+$0xC290] =	vst v0  }
0x1fd: {  	v0 =	vld [tilespmem:s22+$0x2A0];
	_ =	sdelay $0x4  }
0x1fe: {  	[tilespmem:s28+$0xC2A0] =	vst v0  }
0x1ff: {  	v0 =	vld [tilespmem:s22+$0x2B0];
	_ =	sdelay $0x4  }
0x200: {  	[tilespmem:s28+$0xC2B0] =	vst v0  }
0x201: {  	v0 =	vld [tilespmem:s22+$0x2C0];
	_ =	sdelay $0x4  }
0x202: {  	[tilespmem:s28+$0xC2C0] =	vst v0  }
0x203: {  	v0 =	vld [tilespmem:s22+$0x2D0];
	_ =	sdelay $0x4  }
0x204: {  	[tilespmem:s28+$0xC2D0] =	vst v0  }
0x205: {  	v0 =	vld [tilespmem:s22+$0x2E0];
	_ =	sdelay $0x4  }
0x206: {  	[tilespmem:s28+$0xC2E0] =	vst v0  }
0x207: {  	v0 =	vld [tilespmem:s23+$0x2F0];
	_ =	sdelay $0x4  }
0x208: {  	s21 =	simm.s32 $0x0;
	[tilespmem:s28+$0xC2F0] =	vst v0  }
0x209: {  	[hbm4b:s2+s21] =	stream.linear.scatter [tilespmem:s15], [sflag:$0x3], $0x2000, $0x38;
	[tilespmem:$0x10280] =	vst v63  }
0x20a: {  	_ =	swait.ge [sflag:s16], $0x2000  }
0x20b: {  	[sflag:s16] =	ssyncset.done $0x0  }
0x20c: {  	[sflag:s16] =	ssyncadd.s32 $0xFFFFE000  }
0x20d: {  	_ =	swait.ge [sflag:s16], $0x2000  }
0x20e: {  	[sflag:s16] =	ssyncset.done $0x0  }
0x20f: {  	[sflag:s16] =	ssyncadd.s32 $0xFFFFE000  }
0x210: {  	_ =	swait.ge [sflag:s16], $0x2000  }
0x211: {  	[sflag:s16] =	ssyncset.done $0x0  }
0x212: {  	[sflag:s16] =	ssyncadd.s32 $0xFFFFE000  }
0x213: {  	_ =	swait.ge [sflag:s19], $0x2000  }
0x214: {  	[sflag:s19] =	ssyncset.done $0x0  }
0x215: {  	s22 =	simm.s32 $0x1C0;
	[sflag:s19] =	ssyncadd.s32 $0xFFFFE000  }
0x216: {  	s23 =	simm.s32 $0x200;
	v0 =	vld [tilespmem:s22+$0x0]  }
.LBB2_16:
0x217: {  	p0 =	sne.s32 s23, $0x7E00;
	_ =	sdelay $0x3  }
0x218: {  	(v2sf) =	vpush v0, $0x0;
	_ =	sdelay $0xe  }
0x219: {  	s25 =	spop (v2sf)  }
0x21a: {  	s25 =	sshll.u32 s25, $0xF  }
0x21b: {  	s26 =	sshra.s32 s25, $0x2;
	s25 =	sshra.s32 s21, $0x2;
	s21 =	smov.u32 s23  }
0x21c: {  	s26 =	sadd.s32 s25, s26  }
0x21d: {  	v0 =	vld [tilespmem:s26+$0x6280];
	_ =	sdelay $0x4  }
0x21e: {  	[tilespmem:s25+$0xE280] =	vst v0  }
0x21f: {  	v0 =	vld [tilespmem:s26+$0x6290];
	_ =	sdelay $0x4  }
0x220: {  	[tilespmem:s25+$0xE290] =	vst v0  }
0x221: {  	v0 =	vld [tilespmem:s26+$0x62A0];
	_ =	sdelay $0x4  }
0x222: {  	[tilespmem:s25+$0xE2A0] =	vst v0  }
0x223: {  	v0 =	vld [tilespmem:s26+$0x62B0];
	_ =	sdelay $0x4  }
0x224: {  	[tilespmem:s25+$0xE2B0] =	vst v0  }
0x225: {  	v0 =	vld [tilespmem:s26+$0x62C0];
	_ =	sdelay $0x4  }
0x226: {  	[tilespmem:s25+$0xE2C0] =	vst v0  }
0x227: {  	v0 =	vld [tilespmem:s26+$0x62D0];
	_ =	sdelay $0x4  }
0x228: {  	[tilespmem:s25+$0xE2D0] =	vst v0  }
0x229: {  	v0 =	vld [tilespmem:s26+$0x62E0];
	_ =	sdelay $0x4  }
0x22a: {  	[tilespmem:s25+$0xE2E0] =	vst v0  }
0x22b: {  	v0 =	vld [tilespmem:s26+$0x62F0];
	_ =	sdelay $0x1  }
.Ltmp7:
0x22c: {  	(pc) =	sbr.rel @p0 .LBB2_16-.Ltmp7, $3  }
0x22d: {  	_ =	sdelay $0x1  }
0x22e: {  	s22 =	sadd.s32 $0x1, s22;
	[tilespmem:s25+$0xE2F0] =	vst v0  }
0x22f: {  	s23 =	sadd.s32 $0x200, s23;
	v0 =	vld [tilespmem:s22+$0x0]  }
0x230: {  	_ =	sdelay $0x3  }
0x231: {  	(v2sf) =	vpush v0, $0x0;
	_ =	sdelay $0xe  }
0x232: {  	s22 =	spop (v2sf)  }
0x233: {  	s22 =	sshll.u32 s22, $0xF  }
0x234: {  	s21 =	sshra.s32 s21, $0x2;
	s22 =	sshra.s32 s22, $0x2  }
0x235: {  	s22 =	sadd.s32 s21, s22  }
0x236: {  	v63 =	vld [tilespmem:s22+$0x6280];
	_ =	sdelay $0x4  }
0x237: {  	[tilespmem:s21+$0xE280] =	vst v63  }
0x238: {  	v0 =	vld [tilespmem:s22+$0x6290];
	_ =	sdelay $0x4  }
0x239: {  	[tilespmem:s21+$0xE290] =	vst v0  }
0x23a: {  	v0 =	vld [tilespmem:s22+$0x62A0];
	_ =	sdelay $0x4  }
0x23b: {  	[tilespmem:s21+$0xE2A0] =	vst v0  }
0x23c: {  	v0 =	vld [tilespmem:s22+$0x62B0];
	_ =	sdelay $0x4  }
0x23d: {  	[tilespmem:s21+$0xE2B0] =	vst v0  }
0x23e: {  	v0 =	vld [tilespmem:s22+$0x62C0];
	_ =	sdelay $0x4  }
0x23f: {  	[tilespmem:s21+$0xE2C0] =	vst v0  }
0x240: {  	v0 =	vld [tilespmem:s22+$0x62D0];
	_ =	sdelay $0x4  }
0x241: {  	[tilespmem:s21+$0xE2D0] =	vst v0  }
0x242: {  	v0 =	vld [tilespmem:s22+$0x62E0];
	_ =	sdelay $0x4  }
0x243: {  	[tilespmem:s21+$0xE2E0] =	vst v0  }
0x244: {  	v0 =	vld [tilespmem:s22+$0x62F0];
	_ =	sdelay $0x4  }
0x245: {  	s20 =	sadd.s32 $0x1, s20;
	[tilespmem:s21+$0xE2F0] =	vst v0  }
0x246: {  	[hbm4b:s3+s24] =	stream.linear.scatter [tilespmem:s17], [sflag:$0x4], $0x2000, $0x38;
	[tilespmem:$0x10280] =	vst v63  }
0x247: {  	p0 =	sne.s32 s20, s4;
	_ =	swait.ge [sflag:s18], $0x2000  }
.Ltmp8:
0x248: {  	[sflag:s18] =	ssyncset.done $0x0;
	(pc) =	sbr.rel @p0 .LBB2_1-.Ltmp8, $4  }
0x249: {  	[sflag:s18] =	ssyncadd.s32 $0xFFFFE000  }
0x24a: {  	_ =	swait.ge [sflag:s19], $0x2000  }
0x24b: {  	[sflag:s19] =	ssyncset.done $0x0  }
0x24c: {  	[sflag:s19] =	ssyncadd.s32 $0xFFFFE000  }
0x24d: {  	_ =	sfence.sel $0x180000  }
0x24e: {  	[bflag:$0x0] =	sbarrier.arrive $0xFFFF  }
0x24f: {  	_ =	strace $0x90000047  }
0x250: {  	s0 =	stileid.u32;
	[bflag:$0x2] =	sbarrier.arrive $0xFFFF  }
0x251: {  	p0 =	sne.s32 s0, $0x0;
	s0 =	rddreg [dreg:$0x3]  }
0x252: {  	s0 =	sadd.s32 @!p0 $0x100000, s0  }
0x253: {  	[sflag:s0] =	ssyncadd.tile.s32 @!p0 $0x1;
	_ =	shalt  }
.Lfunc_end2:
_tile_overlayer_lowered:
.L_overlay_start_2:
0x254: {  	(tag) =	ssettag $0x2  }
0x255: {  	s0 =	rddreg [dreg:$0x0];
	s2 =	stileid.u32  }
0x256: {  	s1 =	rddreg [dreg:$0x1];
	p0 =	sne.s32 s2, $0x0  }
0x257: {  	s3 =	rddreg [dreg:$0x2];
	[bflag:$0x3] =	sbarrier.arrive $0xFFFF;
	s2 =	simm.s32 @!p0 $0x1C05  }
0x258: {  	[timem:s3], [sflag:s2] =	dma.local @!p0 [hbm:s0], s1  }
0x259: {  	s0 =	simm.s32 @!p0 $0x5  }
0x25a: {  	_ =	swait.ge @!p0 [sflag:s0], s1  }
0x25b: {  	s1 =	ssub.s32 @!p0 $0x0, s1;
	[sflag:s0] =	ssyncset.done @!p0 $0x0  }
0x25c: {  	[sflag:s0] =	ssyncadd.s32 @!p0 s1  }
0x25d: {  	[bflag:$0x3] =	sbarrier.arrive $0xFFFF  }
0x25e: {  	_ =	shalt  }

</sc_bundles>
